<compile_context>
chip_gen: v7x
topology: tpu7x:2x2x1
jax: 0.10.2.dev20260603
libtpu: 0.0.44.dev20260713+nightly
codegen_flags: <defaults>
</compile_context>

<pallas_src>
import functools

import jax
import jax.numpy as jnp
import numpy as np
from jax import lax
from jax.experimental import pallas as pl
from jax.experimental.pallas import tpu as pltpu
from jax.experimental.pallas import tpu_sc as plsc

K_SELECT = 1000
EPSILON = float(np.finfo(np.float32).tiny)
B = 8
S = 2048
V = 2048
D = 64


_NC = 2
_NS = 16
_NW = _NC * _NS
_IDS_PER_W = (B * S) // _NW
_CHUNK = 128
_NCHUNK = _IDS_PER_W // _CHUNK


def _gather_pool_body(table_hbm, ids_hbm, out_hbm, idx_v, rows_v, acc_v, sem):
    wid = lax.axis_index("c") * _NS + lax.axis_index("s")
    q = wid % 4
    b = wid // 4
    pltpu.sync_copy(ids_hbm.at[pl.ds(wid * 4, 4)], idx_v)
    copies = [
        pltpu.async_copy(table_hbm.at[idx_v.at[j]],
                         rows_v.at[pl.ds(j * _CHUNK, _CHUNK)], sem)
        for j in range(_NCHUNK)
    ]
    for c in copies:
        c.wait()

    def body(r, acc):
        return tuple(acc[c] + rows_v[r, pl.ds(c * 16, 16)] for c in range(4))

    zero = jnp.zeros((16,), jnp.float32)
    acc = lax.fori_loop(0, _IDS_PER_W, body, (zero, zero, zero, zero))
    for c in range(4):
        acc_v[pl.ds(c * 16, 16)] = acc[c]
    pltpu.sync_copy(acc_v, out_hbm.at[q, b])


@functools.cache
def _gather_pool_kernel():
    return functools.partial(
        pl.kernel,
        mesh=plsc.VectorSubcoreMesh(core_axis_name="c", subcore_axis_name="s"),
        compiler_params=pltpu.CompilerParams(use_tc_tiling_on_sc=False),
        out_type=jax.ShapeDtypeStruct((4, B, D), jnp.float32),
        scratch_types=[
            pltpu.VMEM((4, _CHUNK), jnp.int32),
            pltpu.VMEM((_IDS_PER_W, D), jnp.float32),
            pltpu.VMEM((D,), jnp.float32),
            pltpu.SemaphoreType.DMA,
        ],
    )(_gather_pool_body)


def _gather_pool(table, ids2d):
    return _gather_pool_kernel()(table, ids2d)


def _main_body(partials_ref, W_ref, b_ref, gn_ref, values_ref, logprobs_ref,
               actions_ref):
    pp = partials_ref[...]
    pooled = (pp[0] + pp[1] + pp[2] + pp[3]) * jnp.float32(1.0 / S)
    W = W_ref[...]
    bias = b_ref[...]
    gn = gn_ref[...]

    logits = jnp.dot(pooled, W, preferred_element_type=jnp.float32) + bias
    mx = jnp.max(logits, axis=-1, keepdims=True)
    values_ref[...] = jax.nn.sigmoid(mx)

    lse = jnp.log(jnp.sum(jnp.exp(logits - mx), axis=-1, keepdims=True))
    all_logprobs = logits - mx - lse

    g0 = logits + gn
    m2 = jnp.max(g0, axis=-1, keepdims=True)
    u = jnp.exp(g0 - m2)
    Z1 = jnp.sum(u, axis=-1, keepdims=True)
    Z2 = Z1 - (1.0 / Z1) * jnp.sum(u * u, axis=-1, keepdims=True)
    khot = jnp.zeros_like(u)

    def step(_, carry):
        u, Z1, Z2, khot = carry
        r = 1.0 / Z1
        p = u * r
        khot = khot + p
        w = u * jnp.maximum(1.0 - p, EPSILON)
        u2 = u * u
        u3 = u2 * u
        u4 = u2 * u2
        S2 = jnp.sum(u2, axis=-1, keepdims=True)
        S3 = jnp.sum(u3, axis=-1, keepdims=True)
        S4 = jnp.sum(u4, axis=-1, keepdims=True)
        r2 = 1.0 / Z2
        Z3 = Z2 - r2 * (S2 - (2.0 * r) * S3 + (r * r) * S4)
        return (w, Z2, Z3, khot)

    u, Z1, Z2, khot = jax.lax.fori_loop(0, K_SELECT, step, (u, Z1, Z2, khot),
                                        unroll=50)

    bits = jax.lax.bitcast_convert_type(khot, jnp.int32)

    def bs_step(_, carry):
        lo, hi = carry
        mid = lo + ((hi - lo) >> 1)
        cnt = jnp.sum((bits > mid).astype(jnp.int32), axis=-1, keepdims=True)
        lt = cnt < K_SELECT
        return (jnp.where(lt, lo, mid + 1), jnp.where(lt, mid, hi))

    lo0 = jnp.zeros((B, 1), jnp.int32)
    hi0 = jnp.full((B, 1), jnp.int32(0x7F800000))
    T, _ = jax.lax.fori_loop(0, 31, bs_step, (lo0, hi0))

    gt = bits > T
    eq = bits == T
    need = K_SELECT - jnp.sum(gt.astype(jnp.int32), axis=-1, keepdims=True)
    c = eq.astype(jnp.int32)
    zero_col = jnp.zeros((B, 1), jnp.int32)
    k = 1
    while k < V:
        shifted = jnp.concatenate(
            [jnp.broadcast_to(zero_col, (B, k)), c[:, : V - k]], axis=1)
        c = c + shifted
        k *= 2
    hard = jnp.logical_or(gt, jnp.logical_and(eq, c <= need))
    khot_hard = hard.astype(jnp.float32)

    actions = (khot_hard - khot) + khot
    actions_ref[...] = actions
    logprobs_ref[...] = all_logprobs * actions


def _dense_stage(partials, W_cls, b_cls, gumbel_noise):
    values2d, logprobs, actions = pl.pallas_call(
        _main_body,
        out_shape=(
            jax.ShapeDtypeStruct((B, 1), jnp.float32),
            jax.ShapeDtypeStruct((B, V), jnp.float32),
            jax.ShapeDtypeStruct((B, V), jnp.float32),
        ),
    )(partials, W_cls, b_cls.reshape(1, V), gumbel_noise)
    return values2d.reshape(B), logprobs, actions


def kernel(input_ids, attention_mask, emb_table, W_cls, b_cls, gumbel_noise):
    ids2d = input_ids.astype(jnp.int32).reshape(_NW * 4, _CHUNK)
    partials = _gather_pool(emb_table, ids2d)
    values, logprobs, actions = _dense_stage(partials, W_cls, b_cls,
                                             gumbel_noise)
    return (values, logprobs, actions)

# --- scband reference (transcript-rebuilt; emitter-appended) ---
"""Pipeline reference for scband-selection-head-17420387353203 (READ-ONLY COPY).

The authoritative reference and input builder live on the scoring server;
editing this copy changes nothing except your own understanding.
"""

import jax, jax.numpy as jnp
import numpy as np

K_SELECT = 1000
TAU = 1.0
EPSILON = float(np.finfo(np.float32).tiny)

B = 8
S = 2048
V = 2048
D = 64
TOK_VOCAB = 32000


def encoder_logits(input_ids, attention_mask, emb_table, W_cls, b_cls):
    # proxy sequence-classification encoder: embed -> masked mean pool -> linear head
    x = jnp.take(emb_table, input_ids, axis=0)          # [B, S, D]
    m = attention_mask.astype(jnp.float32)[..., None]   # [B, S, 1]
    pooled = (x * m).sum(axis=1) / jnp.maximum(m.sum(axis=1), 1e-6)  # [B, D]
    return pooled @ W_cls + b_cls                        # [B, V]


def subset_operator(scores, gumbel_noise):
    # faithful SubsetOperator (relaxed top-k via iterative softmax, hard straight-through)
    g0 = scores + gumbel_noise
    khot0 = jnp.zeros_like(scores)
    onehot0 = jnp.zeros_like(scores)

    def step(carry, _):
        g, khot, onehot_approx = carry
        khot_mask = jnp.maximum(1.0 - onehot_approx, EPSILON)
        g = g + jnp.log(khot_mask)
        onehot_approx = jax.nn.softmax(g / TAU, axis=-1)
        khot = khot + onehot_approx
        return (g, khot, onehot_approx), None

    (g, khot, onehot_approx), _ = jax.lax.scan(step, (g0, khot0, onehot0), None, length=K_SELECT)

    # hard k-hot with straight-through estimator
    _, ind = jax.lax.top_k(khot, K_SELECT)               # [B, k]
    rows = jnp.arange(scores.shape[0])[:, None]
    khot_hard = jnp.zeros_like(khot).at[rows, ind].set(1.0)
    res = khot_hard - jax.lax.stop_gradient(khot) + khot
    return res


def setup_inputs(seed: int = 0) -> dict:
    key = jax.random.key(seed)
    k1 = jax.random.fold_in(key, 1)
    k2 = jax.random.fold_in(key, 2)
    k3 = jax.random.fold_in(key, 3)
    k4 = jax.random.fold_in(key, 4)

    input_ids = jax.random.randint(k1, (B, S), 0, TOK_VOCAB, dtype=jnp.int64) if jax.config.read('jax_enable_x64') else jax.random.randint(k1, (B, S), 0, TOK_VOCAB).astype(jnp.int32)
    attention_mask = jnp.ones((B, S), dtype=input_ids.dtype)

    emb_table = jax.random.normal(k2, (TOK_VOCAB, D), dtype=jnp.float32) * 0.02
    W_cls = jax.random.normal(k3, (D, V), dtype=jnp.float32) * 0.02
    b_cls = jnp.zeros((V,), dtype=jnp.float32)

    u = jax.random.uniform(k4, (B, V), dtype=jnp.float32, minval=1e-10, maxval=1.0)
    gumbel_noise = -jnp.log(-jnp.log(u))

    return {
        'input_ids': input_ids,
        'attention_mask': attention_mask,
        'emb_table': emb_table,
        'W_cls': W_cls,
        'b_cls': b_cls,
        'gumbel_noise': gumbel_noise,
    }


def reference(input_ids, attention_mask, emb_table, W_cls, b_cls, gumbel_noise):
    logits = encoder_logits(input_ids, attention_mask, emb_table, W_cls, b_cls)  # [B, V]
    values = jax.nn.sigmoid(jnp.max(logits, axis=1))                             # [B]
    all_logprobs = jax.nn.log_softmax(logits, axis=-1)                           # [B, V]
    actions = subset_operator(logits, gumbel_noise)                              # [B, V]
    logprobs = all_logprobs * actions                                            # [B, V]
    return (values, logprobs, actions)

if __name__ == "__main__":
    import jax
    _d = setup_inputs()
    print(jax.jit(kernel)(*tuple(_d.values())))

</pallas_src>

<mosaic_0001>
#map = affine_map<(d0, d1) -> (0, 0)>
#map1 = affine_map<(d0, d1) -> (0, 0, 0)>
module attributes {stable_mosaic.version = 14 : i64} {
  func.func @_gather_pool_body(%arg0: i32, %arg1: i32, %arg2: memref<32000x64xf32, #tpu.memory_space<hbm>>, %arg3: memref<128x128xi32, #tpu.memory_space<hbm>>, %arg4: memref<4x8x64xf32, #tpu.memory_space<hbm>>, %arg5: memref<4x128xi32, #tpu.memory_space<vmem>>, %arg6: memref<512x64xf32, #tpu.memory_space<vmem>>, %arg7: memref<64xf32, #tpu.memory_space<vmem>>, %arg8: memref<!tpu.dma_semaphore, #tpu.memory_space<semaphore_mem>>) attributes {dimension_semantics = [#tpu.dimension_semantics<core_parallel>, #tpu.dimension_semantics<subcore_parallel>], iteration_bounds = array<i64: 2, 16>, scalar_prefetch = 0 : i64, scratch_operands = 4 : i64, tpu.core_type = #tpu.core_type<sc_vector_subcore>, window_params = [{transform_indices = #map}, {transform_indices = #map}, {transform_indices = #map1}]} {
    %mul3A = arith.constant 16 : i32
    %mul3A_0 = arith.muli %arg0, %mul3A : i32
    %add3A = arith.addi %mul3A_0, %arg1 : i32
    %jit3A = arith.constant 4 : i32
    %eq3A = arith.constant 0 : i32
    %eq3A_1 = arith.cmpi eq, %jit3A, %eq3A : i32
    %jit3A_2 = arith.constant 1 : i32
    %select_n3A = arith.select %eq3A_1, %jit3A_2, %jit3A : i32
    %rem3A = arith.remsi %add3A, %select_n3A : i32
    %ne3A = arith.constant 0 : i32
    %ne3A_3 = arith.cmpi ne, %rem3A, %ne3A : i32
    %lt3A = arith.constant 0 : i32
    %lt3A_4 = arith.cmpi slt, %rem3A, %lt3A : i32
    %lt3A_5 = arith.constant 0 : i32
    %lt3A_6 = arith.cmpi slt, %select_n3A, %lt3A_5 : i32
    %ne3A_7 = arith.xori %lt3A_4, %lt3A_6 : i1
    %and3A = arith.andi %ne3A_7, %ne3A_3 : i1
    %add3A_8 = arith.addi %rem3A, %select_n3A : i32
    %select_n3A_9 = arith.select %and3A, %add3A_8, %rem3A : i32
    %jit3A_10 = arith.constant 4 : i32
    %div3A = arith.divsi %add3A, %jit3A_10 : i32
    %sign3A = arith.constant 0 : i32
    %sign3A_11 = arith.cmpi sgt, %add3A, %sign3A : i32
    %sign3A_12 = arith.extui %sign3A_11 : i1 to i32
    %sign3A_13 = arith.constant 0 : i32
    %sign3A_14 = arith.cmpi slt, %add3A, %sign3A_13 : i32
    %sign3A_15 = arith.extui %sign3A_14 : i1 to i32
    %sign3A_16 = arith.subi %sign3A_12, %sign3A_15 : i32
    %sign3A_17 = arith.constant 0 : i32
    %sign3A_18 = arith.cmpi sgt, %jit3A_10, %sign3A_17 : i32
    %sign3A_19 = arith.extui %sign3A_18 : i1 to i32
    %sign3A_20 = arith.constant 0 : i32
    %sign3A_21 = arith.cmpi slt, %jit3A_10, %sign3A_20 : i32
    %sign3A_22 = arith.extui %sign3A_21 : i1 to i32
    %sign3A_23 = arith.subi %sign3A_19, %sign3A_22 : i32
    %ne3A_24 = arith.cmpi ne, %sign3A_16, %sign3A_23 : i32
    %rem3A_25 = arith.remsi %add3A, %jit3A_10 : i32
    %ne3A_26 = arith.constant 0 : i32
    %ne3A_27 = arith.cmpi ne, %rem3A_25, %ne3A_26 : i32
    %and3A_28 = arith.andi %ne3A_24, %ne3A_27 : i1
    %sub3A = arith.constant 1 : i32
    %sub3A_29 = arith.subi %div3A, %sub3A : i32
    %select_n3A_30 = arith.select %and3A_28, %sub3A_29, %div3A : i32
    %mul3A_31 = arith.constant 4 : i32
    %mul3A_32 = arith.muli %add3A, %mul3A_31 : i32
    "tpu.region"() ({
      %run_scoped3A = tpu.sem_alloc : memref<!tpu.dma_semaphore, #tpu.memory_space<semaphore_mem>>
      %dma_start3A_132 = arith.constant 0 : i32
      %dma_start3A_133 = tpu.memref_slice %arg3[%mul3A_32, %dma_start3A_132] : memref<128x128xi32, #tpu.memory_space<hbm>> -> memref<4x128xi32, #tpu.memory_space<hbm>>
      %dma_start3A_134 = arith.constant 0 : i32
      %dma_start3A_135 = tpu.memref_slice %arg3[%mul3A_32, %dma_start3A_134] : memref<128x128xi32, #tpu.memory_space<hbm>> -> memref<4x128xi32, #tpu.memory_space<hbm>>
      tpu.enqueue_dma source(%dma_start3A_135 : memref<4x128xi32, #tpu.memory_space<hbm>>) target(%arg5 : memref<4x128xi32, #tpu.memory_space<vmem>>) target_semaphore(%run_scoped3A : memref<!tpu.dma_semaphore, #tpu.memory_space<semaphore_mem>>)
      %dma_wait3A_136 = arith.constant 0 : i32
      %dma_wait3A_137 = tpu.memref_slice %arg3[%mul3A_32, %dma_wait3A_136] : memref<128x128xi32, #tpu.memory_space<hbm>> -> memref<4x128xi32, #tpu.memory_space<hbm>>
      %dma_wait3A_138 = arith.constant 0 : i32
      %dma_wait3A_139 = tpu.memref_slice %arg3[%mul3A_32, %dma_wait3A_138] : memref<128x128xi32, #tpu.memory_space<hbm>> -> memref<4x128xi32, #tpu.memory_space<hbm>>
      tpu.wait_dma2 semaphore(%run_scoped3A : memref<!tpu.dma_semaphore, #tpu.memory_space<semaphore_mem>>) src(%dma_wait3A_139 : memref<4x128xi32, #tpu.memory_space<hbm>>) dst(%arg5 : memref<4x128xi32, #tpu.memory_space<vmem>>)
      tpu.yield
    }) : () -> ()
    %dma_start3A = arith.constant 0 : i32
    %dma_start3A_33 = arith.constant 0 : i32
    %dma_start3A_34 = arith.constant 0 : i32
    %dma_start3A_35 = tpu.memref_slice %arg6[%dma_start3A_33, %dma_start3A_34] : memref<512x64xf32, #tpu.memory_space<vmem>> -> memref<128x64xf32, #tpu.memory_space<vmem>>
    %dma_start3A_36 = arith.constant 0 : i32
    %dma_start3A_37 = tpu.memref_slice %arg5[%dma_start3A, %dma_start3A_36] : memref<4x128xi32, #tpu.memory_space<vmem>> -> memref<1x128xi32, #tpu.memory_space<vmem>>
    %dma_start3A_38 = tpu.memref_squeeze %dma_start3A_37 : memref<1x128xi32, #tpu.memory_space<vmem>> -> memref<128xi32, #tpu.memory_space<vmem>>
    %dma_start3A_39 = arith.constant 0 : i32
    %dma_start3A_40 = arith.constant 0 : i32
    %dma_start3A_41 = tpu.memref_slice %arg2[%dma_start3A_39, %dma_start3A_40] : memref<32000x64xf32, #tpu.memory_space<hbm>> -> memref<32000x64xf32, #tpu.memory_space<hbm>>
    tpu.enqueue_indirect_dma source(%dma_start3A_41 : memref<32000x64xf32, #tpu.memory_space<hbm>>) target(%dma_start3A_35 : memref<128x64xf32, #tpu.memory_space<vmem>>) offsets(%dma_start3A_38 : memref<128xi32, #tpu.memory_space<vmem>>) semaphore(%arg8 : memref<!tpu.dma_semaphore, #tpu.memory_space<semaphore_mem>>)
    %dma_start3A_42 = arith.constant 1 : i32
    %dma_start3A_43 = arith.constant 128 : i32
    %dma_start3A_44 = arith.constant 0 : i32
    %dma_start3A_45 = tpu.memref_slice %arg6[%dma_start3A_43, %dma_start3A_44] : memref<512x64xf32, #tpu.memory_space<vmem>> -> memref<128x64xf32, #tpu.memory_space<vmem>>
    %dma_start3A_46 = arith.constant 0 : i32
    %dma_start3A_47 = tpu.memref_slice %arg5[%dma_start3A_42, %dma_start3A_46] : memref<4x128xi32, #tpu.memory_space<vmem>> -> memref<1x128xi32, #tpu.memory_space<vmem>>
    %dma_start3A_48 = tpu.memref_squeeze %dma_start3A_47 : memref<1x128xi32, #tpu.memory_space<vmem>> -> memref<128xi32, #tpu.memory_space<vmem>>
    %dma_start3A_49 = arith.constant 0 : i32
    %dma_start3A_50 = arith.constant 0 : i32
    %dma_start3A_51 = tpu.memref_slice %arg2[%dma_start3A_49, %dma_start3A_50] : memref<32000x64xf32, #tpu.memory_space<hbm>> -> memref<32000x64xf32, #tpu.memory_space<hbm>>
    tpu.enqueue_indirect_dma source(%dma_start3A_51 : memref<32000x64xf32, #tpu.memory_space<hbm>>) target(%dma_start3A_45 : memref<128x64xf32, #tpu.memory_space<vmem>>) offsets(%dma_start3A_48 : memref<128xi32, #tpu.memory_space<vmem>>) semaphore(%arg8 : memref<!tpu.dma_semaphore, #tpu.memory_space<semaphore_mem>>)
    %dma_start3A_52 = arith.constant 2 : i32
    %dma_start3A_53 = arith.constant 256 : i32
    %dma_start3A_54 = arith.constant 0 : i32
    %dma_start3A_55 = tpu.memref_slice %arg6[%dma_start3A_53, %dma_start3A_54] : memref<512x64xf32, #tpu.memory_space<vmem>> -> memref<128x64xf32, #tpu.memory_space<vmem>>
    %dma_start3A_56 = arith.constant 0 : i32
    %dma_start3A_57 = tpu.memref_slice %arg5[%dma_start3A_52, %dma_start3A_56] : memref<4x128xi32, #tpu.memory_space<vmem>> -> memref<1x128xi32, #tpu.memory_space<vmem>>
    %dma_start3A_58 = tpu.memref_squeeze %dma_start3A_57 : memref<1x128xi32, #tpu.memory_space<vmem>> -> memref<128xi32, #tpu.memory_space<vmem>>
    %dma_start3A_59 = arith.constant 0 : i32
    %dma_start3A_60 = arith.constant 0 : i32
    %dma_start3A_61 = tpu.memref_slice %arg2[%dma_start3A_59, %dma_start3A_60] : memref<32000x64xf32, #tpu.memory_space<hbm>> -> memref<32000x64xf32, #tpu.memory_space<hbm>>
    tpu.enqueue_indirect_dma source(%dma_start3A_61 : memref<32000x64xf32, #tpu.memory_space<hbm>>) target(%dma_start3A_55 : memref<128x64xf32, #tpu.memory_space<vmem>>) offsets(%dma_start3A_58 : memref<128xi32, #tpu.memory_space<vmem>>) semaphore(%arg8 : memref<!tpu.dma_semaphore, #tpu.memory_space<semaphore_mem>>)
    %dma_start3A_62 = arith.constant 3 : i32
    %dma_start3A_63 = arith.constant 384 : i32
    %dma_start3A_64 = arith.constant 0 : i32
    %dma_start3A_65 = tpu.memref_slice %arg6[%dma_start3A_63, %dma_start3A_64] : memref<512x64xf32, #tpu.memory_space<vmem>> -> memref<128x64xf32, #tpu.memory_space<vmem>>
    %dma_start3A_66 = arith.constant 0 : i32
    %dma_start3A_67 = tpu.memref_slice %arg5[%dma_start3A_62, %dma_start3A_66] : memref<4x128xi32, #tpu.memory_space<vmem>> -> memref<1x128xi32, #tpu.memory_space<vmem>>
    %dma_start3A_68 = tpu.memref_squeeze %dma_start3A_67 : memref<1x128xi32, #tpu.memory_space<vmem>> -> memref<128xi32, #tpu.memory_space<vmem>>
    %dma_start3A_69 = arith.constant 0 : i32
    %dma_start3A_70 = arith.constant 0 : i32
    %dma_start3A_71 = tpu.memref_slice %arg2[%dma_start3A_69, %dma_start3A_70] : memref<32000x64xf32, #tpu.memory_space<hbm>> -> memref<32000x64xf32, #tpu.memory_space<hbm>>
    tpu.enqueue_indirect_dma source(%dma_start3A_71 : memref<32000x64xf32, #tpu.memory_space<hbm>>) target(%dma_start3A_65 : memref<128x64xf32, #tpu.memory_space<vmem>>) offsets(%dma_start3A_68 : memref<128xi32, #tpu.memory_space<vmem>>) semaphore(%arg8 : memref<!tpu.dma_semaphore, #tpu.memory_space<semaphore_mem>>)
    %dma_wait3A = arith.constant 0 : i32
    %dma_wait3A_72 = arith.constant 0 : i32
    %dma_wait3A_73 = arith.constant 0 : i32
    %dma_wait3A_74 = tpu.memref_slice %arg6[%dma_wait3A_72, %dma_wait3A_73] : memref<512x64xf32, #tpu.memory_space<vmem>> -> memref<128x64xf32, #tpu.memory_space<vmem>>
    %dma_wait3A_75 = arith.constant 0 : i32
    %dma_wait3A_76 = tpu.memref_slice %arg5[%dma_wait3A, %dma_wait3A_75] : memref<4x128xi32, #tpu.memory_space<vmem>> -> memref<1x128xi32, #tpu.memory_space<vmem>>
    %dma_wait3A_77 = tpu.memref_squeeze %dma_wait3A_76 : memref<1x128xi32, #tpu.memory_space<vmem>> -> memref<128xi32, #tpu.memory_space<vmem>>
    %dma_wait3A_78 = arith.constant 0 : i32
    %dma_wait3A_79 = arith.constant 0 : i32
    %dma_wait3A_80 = tpu.memref_slice %arg2[%dma_wait3A_78, %dma_wait3A_79] : memref<32000x64xf32, #tpu.memory_space<hbm>> -> memref<32000x64xf32, #tpu.memory_space<hbm>>
    tpu.wait_indirect_dma semaphore(%arg8 : memref<!tpu.dma_semaphore, #tpu.memory_space<semaphore_mem>>) src(%dma_wait3A_80 : memref<32000x64xf32, #tpu.memory_space<hbm>>) dst(%dma_wait3A_74 : memref<128x64xf32, #tpu.memory_space<vmem>>)
    %dma_wait3A_81 = arith.constant 1 : i32
    %dma_wait3A_82 = arith.constant 128 : i32
    %dma_wait3A_83 = arith.constant 0 : i32
    %dma_wait3A_84 = tpu.memref_slice %arg6[%dma_wait3A_82, %dma_wait3A_83] : memref<512x64xf32, #tpu.memory_space<vmem>> -> memref<128x64xf32, #tpu.memory_space<vmem>>
    %dma_wait3A_85 = arith.constant 0 : i32
    %dma_wait3A_86 = tpu.memref_slice %arg5[%dma_wait3A_81, %dma_wait3A_85] : memref<4x128xi32, #tpu.memory_space<vmem>> -> memref<1x128xi32, #tpu.memory_space<vmem>>
    %dma_wait3A_87 = tpu.memref_squeeze %dma_wait3A_86 : memref<1x128xi32, #tpu.memory_space<vmem>> -> memref<128xi32, #tpu.memory_space<vmem>>
    %dma_wait3A_88 = arith.constant 0 : i32
    %dma_wait3A_89 = arith.constant 0 : i32
    %dma_wait3A_90 = tpu.memref_slice %arg2[%dma_wait3A_88, %dma_wait3A_89] : memref<32000x64xf32, #tpu.memory_space<hbm>> -> memref<32000x64xf32, #tpu.memory_space<hbm>>
    tpu.wait_indirect_dma semaphore(%arg8 : memref<!tpu.dma_semaphore, #tpu.memory_space<semaphore_mem>>) src(%dma_wait3A_90 : memref<32000x64xf32, #tpu.memory_space<hbm>>) dst(%dma_wait3A_84 : memref<128x64xf32, #tpu.memory_space<vmem>>)
    %dma_wait3A_91 = arith.constant 2 : i32
    %dma_wait3A_92 = arith.constant 256 : i32
    %dma_wait3A_93 = arith.constant 0 : i32
    %dma_wait3A_94 = tpu.memref_slice %arg6[%dma_wait3A_92, %dma_wait3A_93] : memref<512x64xf32, #tpu.memory_space<vmem>> -> memref<128x64xf32, #tpu.memory_space<vmem>>
    %dma_wait3A_95 = arith.constant 0 : i32
    %dma_wait3A_96 = tpu.memref_slice %arg5[%dma_wait3A_91, %dma_wait3A_95] : memref<4x128xi32, #tpu.memory_space<vmem>> -> memref<1x128xi32, #tpu.memory_space<vmem>>
    %dma_wait3A_97 = tpu.memref_squeeze %dma_wait3A_96 : memref<1x128xi32, #tpu.memory_space<vmem>> -> memref<128xi32, #tpu.memory_space<vmem>>
    %dma_wait3A_98 = arith.constant 0 : i32
    %dma_wait3A_99 = arith.constant 0 : i32
    %dma_wait3A_100 = tpu.memref_slice %arg2[%dma_wait3A_98, %dma_wait3A_99] : memref<32000x64xf32, #tpu.memory_space<hbm>> -> memref<32000x64xf32, #tpu.memory_space<hbm>>
    tpu.wait_indirect_dma semaphore(%arg8 : memref<!tpu.dma_semaphore, #tpu.memory_space<semaphore_mem>>) src(%dma_wait3A_100 : memref<32000x64xf32, #tpu.memory_space<hbm>>) dst(%dma_wait3A_94 : memref<128x64xf32, #tpu.memory_space<vmem>>)
    %dma_wait3A_101 = arith.constant 3 : i32
    %dma_wait3A_102 = arith.constant 384 : i32
    %dma_wait3A_103 = arith.constant 0 : i32
    %dma_wait3A_104 = tpu.memref_slice %arg6[%dma_wait3A_102, %dma_wait3A_103] : memref<512x64xf32, #tpu.memory_space<vmem>> -> memref<128x64xf32, #tpu.memory_space<vmem>>
    %dma_wait3A_105 = arith.constant 0 : i32
    %dma_wait3A_106 = tpu.memref_slice %arg5[%dma_wait3A_101, %dma_wait3A_105] : memref<4x128xi32, #tpu.memory_space<vmem>> -> memref<1x128xi32, #tpu.memory_space<vmem>>
    %dma_wait3A_107 = tpu.memref_squeeze %dma_wait3A_106 : memref<1x128xi32, #tpu.memory_space<vmem>> -> memref<128xi32, #tpu.memory_space<vmem>>
    %dma_wait3A_108 = arith.constant 0 : i32
    %dma_wait3A_109 = arith.constant 0 : i32
    %dma_wait3A_110 = tpu.memref_slice %arg2[%dma_wait3A_108, %dma_wait3A_109] : memref<32000x64xf32, #tpu.memory_space<hbm>> -> memref<32000x64xf32, #tpu.memory_space<hbm>>
    tpu.wait_indirect_dma semaphore(%arg8 : memref<!tpu.dma_semaphore, #tpu.memory_space<semaphore_mem>>) src(%dma_wait3A_110 : memref<32000x64xf32, #tpu.memory_space<hbm>>) dst(%dma_wait3A_104 : memref<128x64xf32, #tpu.memory_space<vmem>>)
    %broadcast_in_dim3A = arith.constant 0.000000e+00 : f32
    %broadcast_in_dim3A_111 = vector.broadcast %broadcast_in_dim3A : f32 to vector<16xf32>
    %scan3A = arith.constant 0 : i32
    %scan3A_112 = arith.constant 512 : i32
    %scan3A_113 = arith.addi %scan3A, %scan3A_112 : i32
    %scan3A_114 = arith.constant 1 : i32
    %scan3A_115:4 = scf.for %scan3A_132 = %scan3A to %scan3A_113 step %scan3A_114 iter_args(%scan3A_133 = %broadcast_in_dim3A_111, %scan3A_134 = %broadcast_in_dim3A_111, %scan3A_135 = %broadcast_in_dim3A_111, %scan3A_136 = %broadcast_in_dim3A_111) -> (vector<16xf32>, vector<16xf32>, vector<16xf32>, vector<16xf32>)  : i32 {
      %get3A = arith.index_cast %scan3A_132 : i32 to index
      %get3A_137 = arith.constant 0 : index
      %get3A_138 = tpu.vector_load %arg6[%get3A, %get3A_137] {strides = array<i32>} : memref<512x64xf32, #tpu.memory_space<vmem>>, vector<1x16xf32>,
      %get3A_139 = vector.shape_cast %get3A_138 : vector<1x16xf32> to vector<16xf32>
      %add3A_140 = arith.addf %scan3A_133, %get3A_139 : vector<16xf32>
      %get3A_141 = arith.index_cast %scan3A_132 : i32 to index
      %get3A_142 = arith.constant 16 : index
      %get3A_143 = tpu.vector_load %arg6[%get3A_141, %get3A_142] {strides = array<i32>} : memref<512x64xf32, #tpu.memory_space<vmem>>, vector<1x16xf32>,
      %get3A_144 = vector.shape_cast %get3A_143 : vector<1x16xf32> to vector<16xf32>
      %add3A_145 = arith.addf %scan3A_134, %get3A_144 : vector<16xf32>
      %get3A_146 = arith.index_cast %scan3A_132 : i32 to index
      %get3A_147 = arith.constant 32 : index
      %get3A_148 = tpu.vector_load %arg6[%get3A_146, %get3A_147] {strides = array<i32>} : memref<512x64xf32, #tpu.memory_space<vmem>>, vector<1x16xf32>,
      %get3A_149 = vector.shape_cast %get3A_148 : vector<1x16xf32> to vector<16xf32>
      %add3A_150 = arith.addf %scan3A_135, %get3A_149 : vector<16xf32>
      %get3A_151 = arith.index_cast %scan3A_132 : i32 to index
      %get3A_152 = arith.constant 48 : index
      %get3A_153 = tpu.vector_load %arg6[%get3A_151, %get3A_152] {strides = array<i32>} : memref<512x64xf32, #tpu.memory_space<vmem>>, vector<1x16xf32>,
      %get3A_154 = vector.shape_cast %get3A_153 : vector<1x16xf32> to vector<16xf32>
      %add3A_155 = arith.addf %scan3A_136, %get3A_154 : vector<16xf32>
      scf.yield %add3A_140, %add3A_145, %add3A_150, %add3A_155 : vector<16xf32>, vector<16xf32>, vector<16xf32>, vector<16xf32>
    }
    %scan3A_116 = arith.constant 512 : i32
    %swap3A = arith.constant 0 : index
    %swap3A_117 = tpu.vector_load %arg7[%swap3A] {strides = array<i32>} : memref<64xf32, #tpu.memory_space<vmem>>, vector<16xf32>,
    %swap3A_118 = vector.shape_cast %swap3A_117 : vector<16xf32> to vector<16xf32>
    %swap3A_119 = vector.shape_cast %scan3A_115#0 : vector<16xf32> to vector<16xf32>
    tpu.vector_store %arg7[%swap3A], %swap3A_119 {strides = array<i32>} : memref<64xf32, #tpu.memory_space<vmem>>, vector<16xf32>,
    %swap3A_120 = arith.constant 16 : index
    %swap3A_121 = tpu.vector_load %arg7[%swap3A_120] {strides = array<i32>} : memref<64xf32, #tpu.memory_space<vmem>>, vector<16xf32>,
    %swap3A_122 = vector.shape_cast %swap3A_121 : vector<16xf32> to vector<16xf32>
    %swap3A_123 = vector.shape_cast %scan3A_115#1 : vector<16xf32> to vector<16xf32>
    tpu.vector_store %arg7[%swap3A_120], %swap3A_123 {strides = array<i32>} : memref<64xf32, #tpu.memory_space<vmem>>, vector<16xf32>,
    %swap3A_124 = arith.constant 32 : index
    %swap3A_125 = tpu.vector_load %arg7[%swap3A_124] {strides = array<i32>} : memref<64xf32, #tpu.memory_space<vmem>>, vector<16xf32>,
    %swap3A_126 = vector.shape_cast %swap3A_125 : vector<16xf32> to vector<16xf32>
    %swap3A_127 = vector.shape_cast %scan3A_115#2 : vector<16xf32> to vector<16xf32>
    tpu.vector_store %arg7[%swap3A_124], %swap3A_127 {strides = array<i32>} : memref<64xf32, #tpu.memory_space<vmem>>, vector<16xf32>,
    %swap3A_128 = arith.constant 48 : index
    %swap3A_129 = tpu.vector_load %arg7[%swap3A_128] {strides = array<i32>} : memref<64xf32, #tpu.memory_space<vmem>>, vector<16xf32>,
    %swap3A_130 = vector.shape_cast %swap3A_129 : vector<16xf32> to vector<16xf32>
    %swap3A_131 = vector.shape_cast %scan3A_115#3 : vector<16xf32> to vector<16xf32>
    tpu.vector_store %arg7[%swap3A_128], %swap3A_131 {strides = array<i32>} : memref<64xf32, #tpu.memory_space<vmem>>, vector<16xf32>,
    "tpu.region"() ({
      %run_scoped3A = tpu.sem_alloc : memref<!tpu.dma_semaphore, #tpu.memory_space<semaphore_mem>>
      %dma_start3A_132 = arith.constant 0 : i32
      %dma_start3A_133 = tpu.memref_slice %arg4[%select_n3A_9, %select_n3A_30, %dma_start3A_132] : memref<4x8x64xf32, #tpu.memory_space<hbm>> -> memref<1x1x64xf32, #tpu.memory_space<hbm>>
      %dma_start3A_134 = tpu.memref_squeeze %dma_start3A_133 : memref<1x1x64xf32, #tpu.memory_space<hbm>> -> memref<64xf32, #tpu.memory_space<hbm>>
      %dma_start3A_135 = arith.constant 0 : i32
      %dma_start3A_136 = tpu.memref_slice %arg4[%select_n3A_9, %select_n3A_30, %dma_start3A_135] : memref<4x8x64xf32, #tpu.memory_space<hbm>> -> memref<1x1x64xf32, #tpu.memory_space<hbm>>
      %dma_start3A_137 = tpu.memref_squeeze %dma_start3A_136 : memref<1x1x64xf32, #tpu.memory_space<hbm>> -> memref<64xf32, #tpu.memory_space<hbm>>
      tpu.enqueue_dma source(%arg7 : memref<64xf32, #tpu.memory_space<vmem>>) target(%dma_start3A_137 : memref<64xf32, #tpu.memory_space<hbm>>) target_semaphore(%run_scoped3A : memref<!tpu.dma_semaphore, #tpu.memory_space<semaphore_mem>>)
      %dma_wait3A_138 = arith.constant 0 : i32
      %dma_wait3A_139 = tpu.memref_slice %arg4[%select_n3A_9, %select_n3A_30, %dma_wait3A_138] : memref<4x8x64xf32, #tpu.memory_space<hbm>> -> memref<1x1x64xf32, #tpu.memory_space<hbm>>
      %dma_wait3A_140 = tpu.memref_squeeze %dma_wait3A_139 : memref<1x1x64xf32, #tpu.memory_space<hbm>> -> memref<64xf32, #tpu.memory_space<hbm>>
      %dma_wait3A_141 = arith.constant 0 : i32
      %dma_wait3A_142 = tpu.memref_slice %arg4[%select_n3A_9, %select_n3A_30, %dma_wait3A_141] : memref<4x8x64xf32, #tpu.memory_space<hbm>> -> memref<1x1x64xf32, #tpu.memory_space<hbm>>
      %dma_wait3A_143 = tpu.memref_squeeze %dma_wait3A_142 : memref<1x1x64xf32, #tpu.memory_space<hbm>> -> memref<64xf32, #tpu.memory_space<hbm>>
      tpu.wait_dma2 semaphore(%run_scoped3A : memref<!tpu.dma_semaphore, #tpu.memory_space<semaphore_mem>>) src(%arg7 : memref<64xf32, #tpu.memory_space<vmem>>) dst(%dma_wait3A_143 : memref<64xf32, #tpu.memory_space<hbm>>)
      tpu.yield
    }) : () -> ()
    return
  }
}

module attributes {stable_mosaic.version = 14 : i64} {
  func.func @_main_body(%arg0: memref<4x8x64xf32, #tpu.memory_space<vmem>>, %arg1: memref<64x2048xf32, #tpu.memory_space<vmem>>, %arg2: memref<1x2048xf32, #tpu.memory_space<vmem>>, %arg3: memref<8x2048xf32, #tpu.memory_space<vmem>>, %arg4: memref<8x1xf32, #tpu.memory_space<vmem>>, %arg5: memref<8x2048xf32, #tpu.memory_space<vmem>>, %arg6: memref<8x2048xf32, #tpu.memory_space<vmem>>) attributes {dimension_semantics = [], scalar_prefetch = 0 : i64, scratch_operands = 0 : i64, tpu.core_type = #tpu.core_type<tc>} {
    %get3A = arith.constant 0 : index
    %get3A_0 = arith.constant 0 : index
    %get3A_1 = arith.constant 0 : index
    %get3A_2 = vector.load %arg0[%get3A, %get3A_0, %get3A_1] : memref<4x8x64xf32, #tpu.memory_space<vmem>>, vector<4x8x64xf32>
    %slice3A = vector.extract_strided_slice %get3A_2 {offsets = [0, 0, 0], sizes = [1, 8, 64], strides = [1, 1, 1]} : vector<4x8x64xf32> to vector<1x8x64xf32>
    %squeeze3A = vector.shape_cast %slice3A : vector<1x8x64xf32> to vector<8x64xf32>
    %slice3A_3 = vector.extract_strided_slice %get3A_2 {offsets = [1, 0, 0], sizes = [1, 8, 64], strides = [1, 1, 1]} : vector<4x8x64xf32> to vector<1x8x64xf32>
    %squeeze3A_4 = vector.shape_cast %slice3A_3 : vector<1x8x64xf32> to vector<8x64xf32>
    %add3A = arith.addf %squeeze3A, %squeeze3A_4 : vector<8x64xf32>
    %slice3A_5 = vector.extract_strided_slice %get3A_2 {offsets = [2, 0, 0], sizes = [1, 8, 64], strides = [1, 1, 1]} : vector<4x8x64xf32> to vector<1x8x64xf32>
    %squeeze3A_6 = vector.shape_cast %slice3A_5 : vector<1x8x64xf32> to vector<8x64xf32>
    %add3A_7 = arith.addf %add3A, %squeeze3A_6 : vector<8x64xf32>
    %slice3A_8 = vector.extract_strided_slice %get3A_2 {offsets = [3, 0, 0], sizes = [1, 8, 64], strides = [1, 1, 1]} : vector<4x8x64xf32> to vector<1x8x64xf32>
    %squeeze3A_9 = vector.shape_cast %slice3A_8 : vector<1x8x64xf32> to vector<8x64xf32>
    %add3A_10 = arith.addf %add3A_7, %squeeze3A_9 : vector<8x64xf32>
    %mul3A = arith.constant 4.8828125E-4 : f32
    %mul3A_11 = vector.broadcast %mul3A : f32 to vector<8x64xf32>
    %mul3A_12 = arith.mulf %add3A_10, %mul3A_11 : vector<8x64xf32>
    %get3A_13 = arith.constant 0 : index
    %get3A_14 = arith.constant 0 : index
    %get3A_15 = vector.load %arg1[%get3A_13, %get3A_14] : memref<64x2048xf32, #tpu.memory_space<vmem>>, vector<64x2048xf32>
    %get3A_16 = arith.constant 0 : index
    %get3A_17 = arith.constant 0 : index
    %get3A_18 = vector.load %arg2[%get3A_16, %get3A_17] : memref<1x2048xf32, #tpu.memory_space<vmem>>, vector<1x2048xf32>
    %get3A_19 = arith.constant 0 : index
    %get3A_20 = arith.constant 0 : index
    %get3A_21 = vector.load %arg3[%get3A_19, %get3A_20] : memref<8x2048xf32, #tpu.memory_space<vmem>>, vector<8x2048xf32>
    %dot_general3A = arith.constant dense<0.000000e+00> : vector<8x2048xf32>
    %dot_general3A_22 = tpu.matmul %mul3A_12, %get3A_15, %dot_general3A {dimension_numbers = #tpu.dot_dimension_numbers<[1], [0], [0], [1], [0, 0, 1, 1], [], []>, transpose_lhs_hint = false} : vector<8x64xf32>, vector<64x2048xf32>, vector<8x2048xf32> -> vector<8x2048xf32>
    %add3A_23 = vector.broadcast %get3A_18 : vector<1x2048xf32> to vector<8x2048xf32>
    %add3A_24 = arith.addf %dot_general3A_22, %add3A_23 : vector<8x2048xf32>
    %reduce_max3A = arith.constant dense<0xFF800000> : vector<8xf32>
    %reduce_max3A_25 = vector.multi_reduction <maximumf>, %add3A_24, %reduce_max3A [1] : vector<8x2048xf32> to vector<8xf32>
    %broadcast_in_dim3A = vector.shape_cast %reduce_max3A_25 : vector<8xf32> to vector<8x1xf32>
    %logistic3A = arith.negf %broadcast_in_dim3A : vector<8x1xf32>
    %logistic3A_26 = math.exp %logistic3A : vector<8x1xf32>
    %logistic3A_27 = arith.constant 1.000000e+00 : f32
    %logistic3A_28 = vector.broadcast %logistic3A_27 : f32 to vector<8x1xf32>
    %logistic3A_29 = arith.addf %logistic3A_28, %logistic3A_26 : vector<8x1xf32>
    %logistic3A_30 = arith.divf %logistic3A_28, %logistic3A_29 : vector<8x1xf32>
    %swap3A = arith.constant 0 : index
    %swap3A_31 = arith.constant 0 : index
    %swap3A_32 = vector.load %arg4[%swap3A, %swap3A_31] : memref<8x1xf32, #tpu.memory_space<vmem>>, vector<8x1xf32>
    tpu.vector_store %arg4[%swap3A, %swap3A_31], %logistic3A_30 {strides = array<i32>} : memref<8x1xf32, #tpu.memory_space<vmem>>, vector<8x1xf32>,
    %sub3A = vector.broadcast %broadcast_in_dim3A : vector<8x1xf32> to vector<8x2048xf32>
    %sub3A_33 = arith.subf %add3A_24, %sub3A : vector<8x2048xf32>
    %exp3A = math.exp %sub3A_33 : vector<8x2048xf32>
    %reduce_sum3A = arith.constant dense<0.000000e+00> : vector<8xf32>
    %reduce_sum3A_34 = vector.multi_reduction <add>, %exp3A, %reduce_sum3A [1] : vector<8x2048xf32> to vector<8xf32>
    %broadcast_in_dim3A_35 = vector.shape_cast %reduce_sum3A_34 : vector<8xf32> to vector<8x1xf32>
    %log3A = math.log %broadcast_in_dim3A_35 : vector<8x1xf32>
    %sub3A_36 = vector.broadcast %broadcast_in_dim3A : vector<8x1xf32> to vector<8x2048xf32>
    %sub3A_37 = arith.subf %add3A_24, %sub3A_36 : vector<8x2048xf32>
    %sub3A_38 = vector.broadcast %log3A : vector<8x1xf32> to vector<8x2048xf32>
    %sub3A_39 = arith.subf %sub3A_37, %sub3A_38 : vector<8x2048xf32>
    %add3A_40 = arith.addf %add3A_24, %get3A_21 : vector<8x2048xf32>
    %reduce_max3A_41 = arith.constant dense<0xFF800000> : vector<8xf32>
    %reduce_max3A_42 = vector.multi_reduction <maximumf>, %add3A_40, %reduce_max3A_41 [1] : vector<8x2048xf32> to vector<8xf32>
    %broadcast_in_dim3A_43 = vector.shape_cast %reduce_max3A_42 : vector<8xf32> to vector<8x1xf32>
    %sub3A_44 = vector.broadcast %broadcast_in_dim3A_43 : vector<8x1xf32> to vector<8x2048xf32>
    %sub3A_45 = arith.subf %add3A_40, %sub3A_44 : vector<8x2048xf32>
    %exp3A_46 = math.exp %sub3A_45 : vector<8x2048xf32>
    %reduce_sum3A_47 = arith.constant dense<0.000000e+00> : vector<8xf32>
    %reduce_sum3A_48 = vector.multi_reduction <add>, %exp3A_46, %reduce_sum3A_47 [1] : vector<8x2048xf32> to vector<8xf32>
    %broadcast_in_dim3A_49 = vector.shape_cast %reduce_sum3A_48 : vector<8xf32> to vector<8x1xf32>
    %div3A = arith.constant 1.000000e+00 : f32
    %div3A_50 = vector.broadcast %div3A : f32 to vector<8x1xf32>
    %div3A_51 = arith.divf %div3A_50, %broadcast_in_dim3A_49 : vector<8x1xf32>
    %mul3A_52 = arith.mulf %exp3A_46, %exp3A_46 : vector<8x2048xf32>
    %reduce_sum3A_53 = arith.constant dense<0.000000e+00> : vector<8xf32>
    %reduce_sum3A_54 = vector.multi_reduction <add>, %mul3A_52, %reduce_sum3A_53 [1] : vector<8x2048xf32> to vector<8xf32>
    %broadcast_in_dim3A_55 = vector.shape_cast %reduce_sum3A_54 : vector<8xf32> to vector<8x1xf32>
    %mul3A_56 = arith.mulf %div3A_51, %broadcast_in_dim3A_55 : vector<8x1xf32>
    %sub3A_57 = arith.subf %broadcast_in_dim3A_49, %mul3A_56 : vector<8x1xf32>
    %broadcast_in_dim3A_58 = arith.constant 0.000000e+00 : f32
    %broadcast_in_dim3A_59 = vector.broadcast %broadcast_in_dim3A_58 : f32 to vector<8x2048xf32>
    %scan3A = arith.constant 0 : i32
    %scan3A_60 = arith.constant 1000 : i32
    %scan3A_61 = arith.addi %scan3A, %scan3A_60 : i32
    %scan3A_62 = arith.constant 50 : i32
    %scan3A_63:4 = scf.for %scan3A_148 = %scan3A to %scan3A_61 step %scan3A_62 iter_args(%scan3A_149 = %exp3A_46, %scan3A_150 = %broadcast_in_dim3A_49, %scan3A_151 = %sub3A_57, %scan3A_152 = %broadcast_in_dim3A_59) -> (vector<8x2048xf32>, vector<8x1xf32>, vector<8x1xf32>, vector<8x2048xf32>)  : i32 {
      %div3A_153 = arith.constant 1.000000e+00 : f32
      %div3A_154 = vector.broadcast %div3A_153 : f32 to vector<8x1xf32>
      %div3A_155 = arith.divf %div3A_154, %scan3A_150 : vector<8x1xf32>
      %mul3A_156 = vector.broadcast %div3A_155 : vector<8x1xf32> to vector<8x2048xf32>
      %mul3A_157 = arith.mulf %scan3A_149, %mul3A_156 : vector<8x2048xf32>
      %add3A_158 = arith.addf %scan3A_152, %mul3A_157 : vector<8x2048xf32>
      %sub3A_159 = arith.constant 1.000000e+00 : f32
      %sub3A_160 = vector.broadcast %sub3A_159 : f32 to vector<8x2048xf32>
      %sub3A_161 = arith.subf %sub3A_160, %mul3A_157 : vector<8x2048xf32>
      %max3A = arith.constant 1.17549435E-38 : f32
      %max3A_162 = vector.broadcast %max3A : f32 to vector<8x2048xf32>
      %max3A_163 = arith.maximumf %sub3A_161, %max3A_162 : vector<8x2048xf32>
      %mul3A_164 = arith.mulf %scan3A_149, %max3A_163 : vector<8x2048xf32>
      %mul3A_165 = arith.mulf %scan3A_149, %scan3A_149 : vector<8x2048xf32>
      %mul3A_166 = arith.mulf %mul3A_165, %scan3A_149 : vector<8x2048xf32>
      %mul3A_167 = arith.mulf %mul3A_165, %mul3A_165 : vector<8x2048xf32>
      %reduce_sum3A_168 = arith.constant dense<0.000000e+00> : vector<8xf32>
      %reduce_sum3A_169 = vector.multi_reduction <add>, %mul3A_165, %reduce_sum3A_168 [1] : vector<8x2048xf32> to vector<8xf32>
      %broadcast_in_dim3A_170 = vector.shape_cast %reduce_sum3A_169 : vector<8xf32> to vector<8x1xf32>
      %reduce_sum3A_171 = arith.constant dense<0.000000e+00> : vector<8xf32>
      %reduce_sum3A_172 = vector.multi_reduction <add>, %mul3A_166, %reduce_sum3A_171 [1] : vector<8x2048xf32> to vector<8xf32>
      %broadcast_in_dim3A_173 = vector.shape_cast %reduce_sum3A_172 : vector<8xf32> to vector<8x1xf32>
      %reduce_sum3A_174 = arith.constant dense<0.000000e+00> : vector<8xf32>
      %reduce_sum3A_175 = vector.multi_reduction <add>, %mul3A_167, %reduce_sum3A_174 [1] : vector<8x2048xf32> to vector<8xf32>
      %broadcast_in_dim3A_176 = vector.shape_cast %reduce_sum3A_175 : vector<8xf32> to vector<8x1xf32>
      %div3A_177 = arith.constant 1.000000e+00 : f32
      %div3A_178 = vector.broadcast %div3A_177 : f32 to vector<8x1xf32>
      %div3A_179 = arith.divf %div3A_178, %scan3A_151 : vector<8x1xf32>
      %mul3A_180 = arith.constant 2.000000e+00 : f32
      %mul3A_181 = vector.broadcast %mul3A_180 : f32 to vector<8x1xf32>
      %mul3A_182 = arith.mulf %mul3A_181, %div3A_155 : vector<8x1xf32>
      %mul3A_183 = arith.mulf %mul3A_182, %broadcast_in_dim3A_173 : vector<8x1xf32>
      %sub3A_184 = arith.subf %broadcast_in_dim3A_170, %mul3A_183 : vector<8x1xf32>
      %mul3A_185 = arith.mulf %div3A_155, %div3A_155 : vector<8x1xf32>
      %mul3A_186 = arith.mulf %mul3A_185, %broadcast_in_dim3A_176 : vector<8x1xf32>
      %add3A_187 = arith.addf %sub3A_184, %mul3A_186 : vector<8x1xf32>
      %mul3A_188 = arith.mulf %div3A_179, %add3A_187 : vector<8x1xf32>
      %sub3A_189 = arith.subf %scan3A_151, %mul3A_188 : vector<8x1xf32>
      %scan3A_190 = arith.constant 1 : i32
      %scan3A_191 = arith.addi %scan3A_148, %scan3A_190 : i32
      %div3A_192 = arith.constant 1.000000e+00 : f32
      %div3A_193 = vector.broadcast %div3A_192 : f32 to vector<8x1xf32>
      %div3A_194 = arith.divf %div3A_193, %scan3A_151 : vector<8x1xf32>
      %mul3A_195 = vector.broadcast %div3A_194 : vector<8x1xf32> to vector<8x2048xf32>
      %mul3A_196 = arith.mulf %mul3A_164, %mul3A_195 : vector<8x2048xf32>
      %add3A_197 = arith.addf %add3A_158, %mul3A_196 : vector<8x2048xf32>
      %sub3A_198 = arith.constant 1.000000e+00 : f32
      %sub3A_199 = vector.broadcast %sub3A_198 : f32 to vector<8x2048xf32>
      %sub3A_200 = arith.subf %sub3A_199, %mul3A_196 : vector<8x2048xf32>
      %max3A_201 = arith.constant 1.17549435E-38 : f32
      %max3A_202 = vector.broadcast %max3A_201 : f32 to vector<8x2048xf32>
      %max3A_203 = arith.maximumf %sub3A_200, %max3A_202 : vector<8x2048xf32>
      %mul3A_204 = arith.mulf %mul3A_164, %max3A_203 : vector<8x2048xf32>
      %mul3A_205 = arith.mulf %mul3A_164, %mul3A_164 : vector<8x2048xf32>
      %mul3A_206 = arith.mulf %mul3A_205, %mul3A_164 : vector<8x2048xf32>
      %mul3A_207 = arith.mulf %mul3A_205, %mul3A_205 : vector<8x2048xf32>
      %reduce_sum3A_208 = arith.constant dense<0.000000e+00> : vector<8xf32>
      %reduce_sum3A_209 = vector.multi_reduction <add>, %mul3A_205, %reduce_sum3A_208 [1] : vector<8x2048xf32> to vector<8xf32>
      %broadcast_in_dim3A_210 = vector.shape_cast %reduce_sum3A_209 : vector<8xf32> to vector<8x1xf32>
      %reduce_sum3A_211 = arith.constant dense<0.000000e+00> : vector<8xf32>
      %reduce_sum3A_212 = vector.multi_reduction <add>, %mul3A_206, %reduce_sum3A_211 [1] : vector<8x2048xf32> to vector<8xf32>
      %broadcast_in_dim3A_213 = vector.shape_cast %reduce_sum3A_212 : vector<8xf32> to vector<8x1xf32>
      %reduce_sum3A_214 = arith.constant dense<0.000000e+00> : vector<8xf32>
      %reduce_sum3A_215 = vector.multi_reduction <add>, %mul3A_207, %reduce_sum3A_214 [1] : vector<8x2048xf32> to vector<8xf32>
      %broadcast_in_dim3A_216 = vector.shape_cast %reduce_sum3A_215 : vector<8xf32> to vector<8x1xf32>
      %div3A_217 = arith.constant 1.000000e+00 : f32
      %div3A_218 = vector.broadcast %div3A_217 : f32 to vector<8x1xf32>
      %div3A_219 = arith.divf %div3A_218, %sub3A_189 : vector<8x1xf32>
      %mul3A_220 = arith.constant 2.000000e+00 : f32
      %mul3A_221 = vector.broadcast %mul3A_220 : f32 to vector<8x1xf32>
      %mul3A_222 = arith.mulf %mul3A_221, %div3A_194 : vector<8x1xf32>
      %mul3A_223 = arith.mulf %mul3A_222, %broadcast_in_dim3A_213 : vector<8x1xf32>
      %sub3A_224 = arith.subf %broadcast_in_dim3A_210, %mul3A_223 : vector<8x1xf32>
      %mul3A_225 = arith.mulf %div3A_194, %div3A_194 : vector<8x1xf32>
      %mul3A_226 = arith.mulf %mul3A_225, %broadcast_in_dim3A_216 : vector<8x1xf32>
      %add3A_227 = arith.addf %sub3A_224, %mul3A_226 : vector<8x1xf32>
      %mul3A_228 = arith.mulf %div3A_219, %add3A_227 : vector<8x1xf32>
      %sub3A_229 = arith.subf %sub3A_189, %mul3A_228 : vector<8x1xf32>
      %scan3A_230 = arith.constant 2 : i32
      %scan3A_231 = arith.addi %scan3A_148, %scan3A_230 : i32
      %div3A_232 = arith.constant 1.000000e+00 : f32
      %div3A_233 = vector.broadcast %div3A_232 : f32 to vector<8x1xf32>
      %div3A_234 = arith.divf %div3A_233, %sub3A_189 : vector<8x1xf32>
      %mul3A_235 = vector.broadcast %div3A_234 : vector<8x1xf32> to vector<8x2048xf32>
      %mul3A_236 = arith.mulf %mul3A_204, %mul3A_235 : vector<8x2048xf32>
      %add3A_237 = arith.addf %add3A_197, %mul3A_236 : vector<8x2048xf32>
      %sub3A_238 = arith.constant 1.000000e+00 : f32
      %sub3A_239 = vector.broadcast %sub3A_238 : f32 to vector<8x2048xf32>
      %sub3A_240 = arith.subf %sub3A_239, %mul3A_236 : vector<8x2048xf32>
      %max3A_241 = arith.constant 1.17549435E-38 : f32
      %max3A_242 = vector.broadcast %max3A_241 : f32 to vector<8x2048xf32>
      %max3A_243 = arith.maximumf %sub3A_240, %max3A_242 : vector<8x2048xf32>
      %mul3A_244 = arith.mulf %mul3A_204, %max3A_243 : vector<8x2048xf32>
      %mul3A_245 = arith.mulf %mul3A_204, %mul3A_204 : vector<8x2048xf32>
      %mul3A_246 = arith.mulf %mul3A_245, %mul3A_204 : vector<8x2048xf32>
      %mul3A_247 = arith.mulf %mul3A_245, %mul3A_245 : vector<8x2048xf32>
      %reduce_sum3A_248 = arith.constant dense<0.000000e+00> : vector<8xf32>
      %reduce_sum3A_249 = vector.multi_reduction <add>, %mul3A_245, %reduce_sum3A_248 [1] : vector<8x2048xf32> to vector<8xf32>
      %broadcast_in_dim3A_250 = vector.shape_cast %reduce_sum3A_249 : vector<8xf32> to vector<8x1xf32>
      %reduce_sum3A_251 = arith.constant dense<0.000000e+00> : vector<8xf32>
      %reduce_sum3A_252 = vector.multi_reduction <add>, %mul3A_246, %reduce_sum3A_251 [1] : vector<8x2048xf32> to vector<8xf32>
      %broadcast_in_dim3A_253 = vector.shape_cast %reduce_sum3A_252 : vector<8xf32> to vector<8x1xf32>
      %reduce_sum3A_254 = arith.constant dense<0.000000e+00> : vector<8xf32>
      %reduce_sum3A_255 = vector.multi_reduction <add>, %mul3A_247, %reduce_sum3A_254 [1] : vector<8x2048xf32> to vector<8xf32>
      %broadcast_in_dim3A_256 = vector.shape_cast %reduce_sum3A_255 : vector<8xf32> to vector<8x1xf32>
      %div3A_257 = arith.constant 1.000000e+00 : f32
      %div3A_258 = vector.broadcast %div3A_257 : f32 to vector<8x1xf32>
      %div3A_259 = arith.divf %div3A_258, %sub3A_229 : vector<8x1xf32>
      %mul3A_260 = arith.constant 2.000000e+00 : f32
      %mul3A_261 = vector.broadcast %mul3A_260 : f32 to vector<8x1xf32>
      %mul3A_262 = arith.mulf %mul3A_261, %div3A_234 : vector<8x1xf32>
      %mul3A_263 = arith.mulf %mul3A_262, %broadcast_in_dim3A_253 : vector<8x1xf32>
      %sub3A_264 = arith.subf %broadcast_in_dim3A_250, %mul3A_263 : vector<8x1xf32>
      %mul3A_265 = arith.mulf %div3A_234, %div3A_234 : vector<8x1xf32>
      %mul3A_266 = arith.mulf %mul3A_265, %broadcast_in_dim3A_256 : vector<8x1xf32>
      %add3A_267 = arith.addf %sub3A_264, %mul3A_266 : vector<8x1xf32>
      %mul3A_268 = arith.mulf %div3A_259, %add3A_267 : vector<8x1xf32>
      %sub3A_269 = arith.subf %sub3A_229, %mul3A_268 : vector<8x1xf32>
      %scan3A_270 = arith.constant 3 : i32
      %scan3A_271 = arith.addi %scan3A_148, %scan3A_270 : i32
      %div3A_272 = arith.constant 1.000000e+00 : f32
      %div3A_273 = vector.broadcast %div3A_272 : f32 to vector<8x1xf32>
      %div3A_274 = arith.divf %div3A_273, %sub3A_229 : vector<8x1xf32>
      %mul3A_275 = vector.broadcast %div3A_274 : vector<8x1xf32> to vector<8x2048xf32>
      %mul3A_276 = arith.mulf %mul3A_244, %mul3A_275 : vector<8x2048xf32>
      %add3A_277 = arith.addf %add3A_237, %mul3A_276 : vector<8x2048xf32>
      %sub3A_278 = arith.constant 1.000000e+00 : f32
      %sub3A_279 = vector.broadcast %sub3A_278 : f32 to vector<8x2048xf32>
      %sub3A_280 = arith.subf %sub3A_279, %mul3A_276 : vector<8x2048xf32>
      %max3A_281 = arith.constant 1.17549435E-38 : f32
      %max3A_282 = vector.broadcast %max3A_281 : f32 to vector<8x2048xf32>
      %max3A_283 = arith.maximumf %sub3A_280, %max3A_282 : vector<8x2048xf32>
      %mul3A_284 = arith.mulf %mul3A_244, %max3A_283 : vector<8x2048xf32>
      %mul3A_285 = arith.mulf %mul3A_244, %mul3A_244 : vector<8x2048xf32>
      %mul3A_286 = arith.mulf %mul3A_285, %mul3A_244 : vector<8x2048xf32>
      %mul3A_287 = arith.mulf %mul3A_285, %mul3A_285 : vector<8x2048xf32>
      %reduce_sum3A_288 = arith.constant dense<0.000000e+00> : vector<8xf32>
      %reduce_sum3A_289 = vector.multi_reduction <add>, %mul3A_285, %reduce_sum3A_288 [1] : vector<8x2048xf32> to vector<8xf32>
      %broadcast_in_dim3A_290 = vector.shape_cast %reduce_sum3A_289 : vector<8xf32> to vector<8x1xf32>
      %reduce_sum3A_291 = arith.constant dense<0.000000e+00> : vector<8xf32>
      %reduce_sum3A_292 = vector.multi_reduction <add>, %mul3A_286, %reduce_sum3A_291 [1] : vector<8x2048xf32> to vector<8xf32>
      %broadcast_in_dim3A_293 = vector.shape_cast %reduce_sum3A_292 : vector<8xf32> to vector<8x1xf32>
      %reduce_sum3A_294 = arith.constant dense<0.000000e+00> : vector<8xf32>
      %reduce_sum3A_295 = vector.multi_reduction <add>, %mul3A_287, %reduce_sum3A_294 [1] : vector<8x2048xf32> to vector<8xf32>
      %broadcast_in_dim3A_296 = vector.shape_cast %reduce_sum3A_295 : vector<8xf32> to vector<8x1xf32>
      %div3A_297 = arith.constant 1.000000e+00 : f32
      %div3A_298 = vector.broadcast %div3A_297 : f32 to vector<8x1xf32>
      %div3A_299 = arith.divf %div3A_298, %sub3A_269 : vector<8x1xf32>
      %mul3A_300 = arith.constant 2.000000e+00 : f32
      %mul3A_301 = vector.broadcast %mul3A_300 : f32 to vector<8x1xf32>
      %mul3A_302 = arith.mulf %mul3A_301, %div3A_274 : vector<8x1xf32>
      %mul3A_303 = arith.mulf %mul3A_302, %broadcast_in_dim3A_293 : vector<8x1xf32>
      %sub3A_304 = arith.subf %broadcast_in_dim3A_290, %mul3A_303 : vector<8x1xf32>
      %mul3A_305 = arith.mulf %div3A_274, %div3A_274 : vector<8x1xf32>
      %mul3A_306 = arith.mulf %mul3A_305, %broadcast_in_dim3A_296 : vector<8x1xf32>
      %add3A_307 = arith.addf %sub3A_304, %mul3A_306 : vector<8x1xf32>
      %mul3A_308 = arith.mulf %div3A_299, %add3A_307 : vector<8x1xf32>
      %sub3A_309 = arith.subf %sub3A_269, %mul3A_308 : vector<8x1xf32>
      %scan3A_310 = arith.constant 4 : i32
      %scan3A_311 = arith.addi %scan3A_148, %scan3A_310 : i32
      %div3A_312 = arith.constant 1.000000e+00 : f32
      %div3A_313 = vector.broadcast %div3A_312 : f32 to vector<8x1xf32>
      %div3A_314 = arith.divf %div3A_313, %sub3A_269 : vector<8x1xf32>
      %mul3A_315 = vector.broadcast %div3A_314 : vector<8x1xf32> to vector<8x2048xf32>
      %mul3A_316 = arith.mulf %mul3A_284, %mul3A_315 : vector<8x2048xf32>
      %add3A_317 = arith.addf %add3A_277, %mul3A_316 : vector<8x2048xf32>
      %sub3A_318 = arith.constant 1.000000e+00 : f32
      %sub3A_319 = vector.broadcast %sub3A_318 : f32 to vector<8x2048xf32>
      %sub3A_320 = arith.subf %sub3A_319, %mul3A_316 : vector<8x2048xf32>
      %max3A_321 = arith.constant 1.17549435E-38 : f32
      %max3A_322 = vector.broadcast %max3A_321 : f32 to vector<8x2048xf32>
      %max3A_323 = arith.maximumf %sub3A_320, %max3A_322 : vector<8x2048xf32>
      %mul3A_324 = arith.mulf %mul3A_284, %max3A_323 : vector<8x2048xf32>
      %mul3A_325 = arith.mulf %mul3A_284, %mul3A_284 : vector<8x2048xf32>
      %mul3A_326 = arith.mulf %mul3A_325, %mul3A_284 : vector<8x2048xf32>
      %mul3A_327 = arith.mulf %mul3A_325, %mul3A_325 : vector<8x2048xf32>
      %reduce_sum3A_328 = arith.constant dense<0.000000e+00> : vector<8xf32>
      %reduce_sum3A_329 = vector.multi_reduction <add>, %mul3A_325, %reduce_sum3A_328 [1] : vector<8x2048xf32> to vector<8xf32>
      %broadcast_in_dim3A_330 = vector.shape_cast %reduce_sum3A_329 : vector<8xf32> to vector<8x1xf32>
      %reduce_sum3A_331 = arith.constant dense<0.000000e+00> : vector<8xf32>
      %reduce_sum3A_332 = vector.multi_reduction <add>, %mul3A_326, %reduce_sum3A_331 [1] : vector<8x2048xf32> to vector<8xf32>
      %broadcast_in_dim3A_333 = vector.shape_cast %reduce_sum3A_332 : vector<8xf32> to vector<8x1xf32>
      %reduce_sum3A_334 = arith.constant dense<0.000000e+00> : vector<8xf32>
      %reduce_sum3A_335 = vector.multi_reduction <add>, %mul3A_327, %reduce_sum3A_334 [1] : vector<8x2048xf32> to vector<8xf32>
      %broadcast_in_dim3A_336 = vector.shape_cast %reduce_sum3A_335 : vector<8xf32> to vector<8x1xf32>
      %div3A_337 = arith.constant 1.000000e+00 : f32
      %div3A_338 = vector.broadcast %div3A_337 : f32 to vector<8x1xf32>
      %div3A_339 = arith.divf %div3A_338, %sub3A_309 : vector<8x1xf32>
      %mul3A_340 = arith.constant 2.000000e+00 : f32
      %mul3A_341 = vector.broadcast %mul3A_340 : f32 to vector<8x1xf32>
      %mul3A_342 = arith.mulf %mul3A_341, %div3A_314 : vector<8x1xf32>
      %mul3A_343 = arith.mulf %mul3A_342, %broadcast_in_dim3A_333 : vector<8x1xf32>
      %sub3A_344 = arith.subf %broadcast_in_dim3A_330, %mul3A_343 : vector<8x1xf32>
      %mul3A_345 = arith.mulf %div3A_314, %div3A_314 : vector<8x1xf32>
      %mul3A_346 = arith.mulf %mul3A_345, %broadcast_in_dim3A_336 : vector<8x1xf32>
      %add3A_347 = arith.addf %sub3A_344, %mul3A_346 : vector<8x1xf32>
      %mul3A_348 = arith.mulf %div3A_339, %add3A_347 : vector<8x1xf32>
      %sub3A_349 = arith.subf %sub3A_309, %mul3A_348 : vector<8x1xf32>
      %scan3A_350 = arith.constant 5 : i32
      %scan3A_351 = arith.addi %scan3A_148, %scan3A_350 : i32
      %div3A_352 = arith.constant 1.000000e+00 : f32
      %div3A_353 = vector.broadcast %div3A_352 : f32 to vector<8x1xf32>
      %div3A_354 = arith.divf %div3A_353, %sub3A_309 : vector<8x1xf32>
      %mul3A_355 = vector.broadcast %div3A_354 : vector<8x1xf32> to vector<8x2048xf32>
      %mul3A_356 = arith.mulf %mul3A_324, %mul3A_355 : vector<8x2048xf32>
      %add3A_357 = arith.addf %add3A_317, %mul3A_356 : vector<8x2048xf32>
      %sub3A_358 = arith.constant 1.000000e+00 : f32
      %sub3A_359 = vector.broadcast %sub3A_358 : f32 to vector<8x2048xf32>
      %sub3A_360 = arith.subf %sub3A_359, %mul3A_356 : vector<8x2048xf32>
      %max3A_361 = arith.constant 1.17549435E-38 : f32
      %max3A_362 = vector.broadcast %max3A_361 : f32 to vector<8x2048xf32>
      %max3A_363 = arith.maximumf %sub3A_360, %max3A_362 : vector<8x2048xf32>
      %mul3A_364 = arith.mulf %mul3A_324, %max3A_363 : vector<8x2048xf32>
      %mul3A_365 = arith.mulf %mul3A_324, %mul3A_324 : vector<8x2048xf32>
      %mul3A_366 = arith.mulf %mul3A_365, %mul3A_324 : vector<8x2048xf32>
      %mul3A_367 = arith.mulf %mul3A_365, %mul3A_365 : vector<8x2048xf32>
      %reduce_sum3A_368 = arith.constant dense<0.000000e+00> : vector<8xf32>
      %reduce_sum3A_369 = vector.multi_reduction <add>, %mul3A_365, %reduce_sum3A_368 [1] : vector<8x2048xf32> to vector<8xf32>
      %broadcast_in_dim3A_370 = vector.shape_cast %reduce_sum3A_369 : vector<8xf32> to vector<8x1xf32>
      %reduce_sum3A_371 = arith.constant dense<0.000000e+00> : vector<8xf32>
      %reduce_sum3A_372 = vector.multi_reduction <add>, %mul3A_366, %reduce_sum3A_371 [1] : vector<8x2048xf32> to vector<8xf32>
      %broadcast_in_dim3A_373 = vector.shape_cast %reduce_sum3A_372 : vector<8xf32> to vector<8x1xf32>
      %reduce_sum3A_374 = arith.constant dense<0.000000e+00> : vector<8xf32>
      %reduce_sum3A_375 = vector.multi_reduction <add>, %mul3A_367, %reduce_sum3A_374 [1] : vector<8x2048xf32> to vector<8xf32>
      %broadcast_in_dim3A_376 = vector.shape_cast %reduce_sum3A_375 : vector<8xf32> to vector<8x1xf32>
      %div3A_377 = arith.constant 1.000000e+00 : f32
      %div3A_378 = vector.broadcast %div3A_377 : f32 to vector<8x1xf32>
      %div3A_379 = arith.divf %div3A_378, %sub3A_349 : vector<8x1xf32>
      %mul3A_380 = arith.constant 2.000000e+00 : f32
      %mul3A_381 = vector.broadcast %mul3A_380 : f32 to vector<8x1xf32>
      %mul3A_382 = arith.mulf %mul3A_381, %div3A_354 : vector<8x1xf32>
      %mul3A_383 = arith.mulf %mul3A_382, %broadcast_in_dim3A_373 : vector<8x1xf32>
      %sub3A_384 = arith.subf %broadcast_in_dim3A_370, %mul3A_383 : vector<8x1xf32>
      %mul3A_385 = arith.mulf %div3A_354, %div3A_354 : vector<8x1xf32>
      %mul3A_386 = arith.mulf %mul3A_385, %broadcast_in_dim3A_376 : vector<8x1xf32>
      %add3A_387 = arith.addf %sub3A_384, %mul3A_386 : vector<8x1xf32>
      %mul3A_388 = arith.mulf %div3A_379, %add3A_387 : vector<8x1xf32>
      %sub3A_389 = arith.subf %sub3A_349, %mul3A_388 : vector<8x1xf32>
      %scan3A_390 = arith.constant 6 : i32
      %scan3A_391 = arith.addi %scan3A_148, %scan3A_390 : i32
      %div3A_392 = arith.constant 1.000000e+00 : f32
      %div3A_393 = vector.broadcast %div3A_392 : f32 to vector<8x1xf32>
      %div3A_394 = arith.divf %div3A_393, %sub3A_349 : vector<8x1xf32>
      %mul3A_395 = vector.broadcast %div3A_394 : vector<8x1xf32> to vector<8x2048xf32>
      %mul3A_396 = arith.mulf %mul3A_364, %mul3A_395 : vector<8x2048xf32>
      %add3A_397 = arith.addf %add3A_357, %mul3A_396 : vector<8x2048xf32>
      %sub3A_398 = arith.constant 1.000000e+00 : f32
      %sub3A_399 = vector.broadcast %sub3A_398 : f32 to vector<8x2048xf32>
      %sub3A_400 = arith.subf %sub3A_399, %mul3A_396 : vector<8x2048xf32>
      %max3A_401 = arith.constant 1.17549435E-38 : f32
      %max3A_402 = vector.broadcast %max3A_401 : f32 to vector<8x2048xf32>
      %max3A_403 = arith.maximumf %sub3A_400, %max3A_402 : vector<8x2048xf32>
      %mul3A_404 = arith.mulf %mul3A_364, %max3A_403 : vector<8x2048xf32>
      %mul3A_405 = arith.mulf %mul3A_364, %mul3A_364 : vector<8x2048xf32>
      %mul3A_406 = arith.mulf %mul3A_405, %mul3A_364 : vector<8x2048xf32>
      %mul3A_407 = arith.mulf %mul3A_405, %mul3A_405 : vector<8x2048xf32>
      %reduce_sum3A_408 = arith.constant dense<0.000000e+00> : vector<8xf32>
      %reduce_sum3A_409 = vector.multi_reduction <add>, %mul3A_405, %reduce_sum3A_408 [1] : vector<8x2048xf32> to vector<8xf32>
      %broadcast_in_dim3A_410 = vector.shape_cast %reduce_sum3A_409 : vector<8xf32> to vector<8x1xf32>
      %reduce_sum3A_411 = arith.constant dense<0.000000e+00> : vector<8xf32>
      %reduce_sum3A_412 = vector.multi_reduction <add>, %mul3A_406, %reduce_sum3A_411 [1] : vector<8x2048xf32> to vector<8xf32>
      %broadcast_in_dim3A_413 = vector.shape_cast %reduce_sum3A_412 : vector<8xf32> to vector<8x1xf32>
      %reduce_sum3A_414 = arith.constant dense<0.000000e+00> : vector<8xf32>
      %reduce_sum3A_415 = vector.multi_reduction <add>, %mul3A_407, %reduce_sum3A_414 [1] : vector<8x2048xf32> to vector<8xf32>
      %broadcast_in_dim3A_416 = vector.shape_cast %reduce_sum3A_415 : vector<8xf32> to vector<8x1xf32>
      %div3A_417 = arith.constant 1.000000e+00 : f32
      %div3A_418 = vector.broadcast %div3A_417 : f32 to vector<8x1xf32>
      %div3A_419 = arith.divf %div3A_418, %sub3A_389 : vector<8x1xf32>
      %mul3A_420 = arith.constant 2.000000e+00 : f32
      %mul3A_421 = vector.broadcast %mul3A_420 : f32 to vector<8x1xf32>
      %mul3A_422 = arith.mulf %mul3A_421, %div3A_394 : vector<8x1xf32>
      %mul3A_423 = arith.mulf %mul3A_422, %broadcast_in_dim3A_413 : vector<8x1xf32>
      %sub3A_424 = arith.subf %broadcast_in_dim3A_410, %mul3A_423 : vector<8x1xf32>
      %mul3A_425 = arith.mulf %div3A_394, %div3A_394 : vector<8x1xf32>
      %mul3A_426 = arith.mulf %mul3A_425, %broadcast_in_dim3A_416 : vector<8x1xf32>
      %add3A_427 = arith.addf %sub3A_424, %mul3A_426 : vector<8x1xf32>
      %mul3A_428 = arith.mulf %div3A_419, %add3A_427 : vector<8x1xf32>
      %sub3A_429 = arith.subf %sub3A_389, %mul3A_428 : vector<8x1xf32>
      %scan3A_430 = arith.constant 7 : i32
      %scan3A_431 = arith.addi %scan3A_148, %scan3A_430 : i32
      %div3A_432 = arith.constant 1.000000e+00 : f32
      %div3A_433 = vector.broadcast %div3A_432 : f32 to vector<8x1xf32>
      %div3A_434 = arith.divf %div3A_433, %sub3A_389 : vector<8x1xf32>
      %mul3A_435 = vector.broadcast %div3A_434 : vector<8x1xf32> to vector<8x2048xf32>
      %mul3A_436 = arith.mulf %mul3A_404, %mul3A_435 : vector<8x2048xf32>
      %add3A_437 = arith.addf %add3A_397, %mul3A_436 : vector<8x2048xf32>
      %sub3A_438 = arith.constant 1.000000e+00 : f32
      %sub3A_439 = vector.broadcast %sub3A_438 : f32 to vector<8x2048xf32>
      %sub3A_440 = arith.subf %sub3A_439, %mul3A_436 : vector<8x2048xf32>
      %max3A_441 = arith.constant 1.17549435E-38 : f32
      %max3A_442 = vector.broadcast %max3A_441 : f32 to vector<8x2048xf32>
      %max3A_443 = arith.maximumf %sub3A_440, %max3A_442 : vector<8x2048xf32>
      %mul3A_444 = arith.mulf %mul3A_404, %max3A_443 : vector<8x2048xf32>
      %mul3A_445 = arith.mulf %mul3A_404, %mul3A_404 : vector<8x2048xf32>
      %mul3A_446 = arith.mulf %mul3A_445, %mul3A_404 : vector<8x2048xf32>
      %mul3A_447 = arith.mulf %mul3A_445, %mul3A_445 : vector<8x2048xf32>
      %reduce_sum3A_448 = arith.constant dense<0.000000e+00> : vector<8xf32>
      %reduce_sum3A_449 = vector.multi_reduction <add>, %mul3A_445, %reduce_sum3A_448 [1] : vector<8x2048xf32> to vector<8xf32>
      %broadcast_in_dim3A_450 = vector.shape_cast %reduce_sum3A_449 : vector<8xf32> to vector<8x1xf32>
      %reduce_sum3A_451 = arith.constant dense<0.000000e+00> : vector<8xf32>
      %reduce_sum3A_452 = vector.multi_reduction <add>, %mul3A_446, %reduce_sum3A_451 [1] : vector<8x2048xf32> to vector<8xf32>
      %broadcast_in_dim3A_453 = vector.shape_cast %reduce_sum3A_452 : vector<8xf32> to vector<8x1xf32>
      %reduce_sum3A_454 = arith.constant dense<0.000000e+00> : vector<8xf32>
      %reduce_sum3A_455 = vector.multi_reduction <add>, %mul3A_447, %reduce_sum3A_454 [1] : vector<8x2048xf32> to vector<8xf32>
      %broadcast_in_dim3A_456 = vector.shape_cast %reduce_sum3A_455 : vector<8xf32> to vector<8x1xf32>
      %div3A_457 = arith.constant 1.000000e+00 : f32
      %div3A_458 = vector.broadcast %div3A_457 : f32 to vector<8x1xf32>
      %div3A_459 = arith.divf %div3A_458, %sub3A_429 : vector<8x1xf32>
      %mul3A_460 = arith.constant 2.000000e+00 : f32
      %mul3A_461 = vector.broadcast %mul3A_460 : f32 to vector<8x1xf32>
      %mul3A_462 = arith.mulf %mul3A_461, %div3A_434 : vector<8x1xf32>
      %mul3A_463 = arith.mulf %mul3A_462, %broadcast_in_dim3A_453 : vector<8x1xf32>
      %sub3A_464 = arith.subf %broadcast_in_dim3A_450, %mul3A_463 : vector<8x1xf32>
      %mul3A_465 = arith.mulf %div3A_434, %div3A_434 : vector<8x1xf32>
      %mul3A_466 = arith.mulf %mul3A_465, %broadcast_in_dim3A_456 : vector<8x1xf32>
      %add3A_467 = arith.addf %sub3A_464, %mul3A_466 : vector<8x1xf32>
      %mul3A_468 = arith.mulf %div3A_459, %add3A_467 : vector<8x1xf32>
      %sub3A_469 = arith.subf %sub3A_429, %mul3A_468 : vector<8x1xf32>
      %scan3A_470 = arith.constant 8 : i32
      %scan3A_471 = arith.addi %scan3A_148, %scan3A_470 : i32
      %div3A_472 = arith.constant 1.000000e+00 : f32
      %div3A_473 = vector.broadcast %div3A_472 : f32 to vector<8x1xf32>
      %div3A_474 = arith.divf %div3A_473, %sub3A_429 : vector<8x1xf32>
      %mul3A_475 = vector.broadcast %div3A_474 : vector<8x1xf32> to vector<8x2048xf32>
      %mul3A_476 = arith.mulf %mul3A_444, %mul3A_475 : vector<8x2048xf32>
      %add3A_477 = arith.addf %add3A_437, %mul3A_476 : vector<8x2048xf32>
      %sub3A_478 = arith.constant 1.000000e+00 : f32
      %sub3A_479 = vector.broadcast %sub3A_478 : f32 to vector<8x2048xf32>
      %sub3A_480 = arith.subf %sub3A_479, %mul3A_476 : vector<8x2048xf32>
      %max3A_481 = arith.constant 1.17549435E-38 : f32
      %max3A_482 = vector.broadcast %max3A_481 : f32 to vector<8x2048xf32>
      %max3A_483 = arith.maximumf %sub3A_480, %max3A_482 : vector<8x2048xf32>
      %mul3A_484 = arith.mulf %mul3A_444, %max3A_483 : vector<8x2048xf32>
      %mul3A_485 = arith.mulf %mul3A_444, %mul3A_444 : vector<8x2048xf32>
      %mul3A_486 = arith.mulf %mul3A_485, %mul3A_444 : vector<8x2048xf32>
      %mul3A_487 = arith.mulf %mul3A_485, %mul3A_485 : vector<8x2048xf32>
      %reduce_sum3A_488 = arith.constant dense<0.000000e+00> : vector<8xf32>
      %reduce_sum3A_489 = vector.multi_reduction <add>, %mul3A_485, %reduce_sum3A_488 [1] : vector<8x2048xf32> to vector<8xf32>
      %broadcast_in_dim3A_490 = vector.shape_cast %reduce_sum3A_489 : vector<8xf32> to vector<8x1xf32>
      %reduce_sum3A_491 = arith.constant dense<0.000000e+00> : vector<8xf32>
      %reduce_sum3A_492 = vector.multi_reduction <add>, %mul3A_486, %reduce_sum3A_491 [1] : vector<8x2048xf32> to vector<8xf32>
      %broadcast_in_dim3A_493 = vector.shape_cast %reduce_sum3A_492 : vector<8xf32> to vector<8x1xf32>
      %reduce_sum3A_494 = arith.constant dense<0.000000e+00> : vector<8xf32>
      %reduce_sum3A_495 = vector.multi_reduction <add>, %mul3A_487, %reduce_sum3A_494 [1] : vector<8x2048xf32> to vector<8xf32>
      %broadcast_in_dim3A_496 = vector.shape_cast %reduce_sum3A_495 : vector<8xf32> to vector<8x1xf32>
      %div3A_497 = arith.constant 1.000000e+00 : f32
      %div3A_498 = vector.broadcast %div3A_497 : f32 to vector<8x1xf32>
      %div3A_499 = arith.divf %div3A_498, %sub3A_469 : vector<8x1xf32>
      %mul3A_500 = arith.constant 2.000000e+00 : f32
      %mul3A_501 = vector.broadcast %mul3A_500 : f32 to vector<8x1xf32>
      %mul3A_502 = arith.mulf %mul3A_501, %div3A_474 : vector<8x1xf32>
      %mul3A_503 = arith.mulf %mul3A_502, %broadcast_in_dim3A_493 : vector<8x1xf32>
      %sub3A_504 = arith.subf %broadcast_in_dim3A_490, %mul3A_503 : vector<8x1xf32>
      %mul3A_505 = arith.mulf %div3A_474, %div3A_474 : vector<8x1xf32>
      %mul3A_506 = arith.mulf %mul3A_505, %broadcast_in_dim3A_496 : vector<8x1xf32>
      %add3A_507 = arith.addf %sub3A_504, %mul3A_506 : vector<8x1xf32>
      %mul3A_508 = arith.mulf %div3A_499, %add3A_507 : vector<8x1xf32>
      %sub3A_509 = arith.subf %sub3A_469, %mul3A_508 : vector<8x1xf32>
      %scan3A_510 = arith.constant 9 : i32
      %scan3A_511 = arith.addi %scan3A_148, %scan3A_510 : i32
      %div3A_512 = arith.constant 1.000000e+00 : f32
      %div3A_513 = vector.broadcast %div3A_512 : f32 to vector<8x1xf32>
      %div3A_514 = arith.divf %div3A_513, %sub3A_469 : vector<8x1xf32>
      %mul3A_515 = vector.broadcast %div3A_514 : vector<8x1xf32> to vector<8x2048xf32>
      %mul3A_516 = arith.mulf %mul3A_484, %mul3A_515 : vector<8x2048xf32>
      %add3A_517 = arith.addf %add3A_477, %mul3A_516 : vector<8x2048xf32>
      %sub3A_518 = arith.constant 1.000000e+00 : f32
      %sub3A_519 = vector.broadcast %sub3A_518 : f32 to vector<8x2048xf32>
      %sub3A_520 = arith.subf %sub3A_519, %mul3A_516 : vector<8x2048xf32>
      %max3A_521 = arith.constant 1.17549435E-38 : f32
      %max3A_522 = vector.broadcast %max3A_521 : f32 to vector<8x2048xf32>
      %max3A_523 = arith.maximumf %sub3A_520, %max3A_522 : vector<8x2048xf32>
      %mul3A_524 = arith.mulf %mul3A_484, %max3A_523 : vector<8x2048xf32>
      %mul3A_525 = arith.mulf %mul3A_484, %mul3A_484 : vector<8x2048xf32>
      %mul3A_526 = arith.mulf %mul3A_525, %mul3A_484 : vector<8x2048xf32>
      %mul3A_527 = arith.mulf %mul3A_525, %mul3A_525 : vector<8x2048xf32>
      %reduce_sum3A_528 = arith.constant dense<0.000000e+00> : vector<8xf32>
      %reduce_sum3A_529 = vector.multi_reduction <add>, %mul3A_525, %reduce_sum3A_528 [1] : vector<8x2048xf32> to vector<8xf32>
      %broadcast_in_dim3A_530 = vector.shape_cast %reduce_sum3A_529 : vector<8xf32> to vector<8x1xf32>
      %reduce_sum3A_531 = arith.constant dense<0.000000e+00> : vector<8xf32>
      %reduce_sum3A_532 = vector.multi_reduction <add>, %mul3A_526, %reduce_sum3A_531 [1] : vector<8x2048xf32> to vector<8xf32>
      %broadcast_in_dim3A_533 = vector.shape_cast %reduce_sum3A_532 : vector<8xf32> to vector<8x1xf32>
      %reduce_sum3A_534 = arith.constant dense<0.000000e+00> : vector<8xf32>
      %reduce_sum3A_535 = vector.multi_reduction <add>, %mul3A_527, %reduce_sum3A_534 [1] : vector<8x2048xf32> to vector<8xf32>
      %broadcast_in_dim3A_536 = vector.shape_cast %reduce_sum3A_535 : vector<8xf32> to vector<8x1xf32>
      %div3A_537 = arith.constant 1.000000e+00 : f32
      %div3A_538 = vector.broadcast %div3A_537 : f32 to vector<8x1xf32>
      %div3A_539 = arith.divf %div3A_538, %sub3A_509 : vector<8x1xf32>
      %mul3A_540 = arith.constant 2.000000e+00 : f32
      %mul3A_541 = vector.broadcast %mul3A_540 : f32 to vector<8x1xf32>
      %mul3A_542 = arith.mulf %mul3A_541, %div3A_514 : vector<8x1xf32>
      %mul3A_543 = arith.mulf %mul3A_542, %broadcast_in_dim3A_533 : vector<8x1xf32>
      %sub3A_544 = arith.subf %broadcast_in_dim3A_530, %mul3A_543 : vector<8x1xf32>
      %mul3A_545 = arith.mulf %div3A_514, %div3A_514 : vector<8x1xf32>
      %mul3A_546 = arith.mulf %mul3A_545, %broadcast_in_dim3A_536 : vector<8x1xf32>
      %add3A_547 = arith.addf %sub3A_544, %mul3A_546 : vector<8x1xf32>
      %mul3A_548 = arith.mulf %div3A_539, %add3A_547 : vector<8x1xf32>
      %sub3A_549 = arith.subf %sub3A_509, %mul3A_548 : vector<8x1xf32>
      %scan3A_550 = arith.constant 10 : i32
      %scan3A_551 = arith.addi %scan3A_148, %scan3A_550 : i32
      %div3A_552 = arith.constant 1.000000e+00 : f32
      %div3A_553 = vector.broadcast %div3A_552 : f32 to vector<8x1xf32>
      %div3A_554 = arith.divf %div3A_553, %sub3A_509 : vector<8x1xf32>
      %mul3A_555 = vector.broadcast %div3A_554 : vector<8x1xf32> to vector<8x2048xf32>
      %mul3A_556 = arith.mulf %mul3A_524, %mul3A_555 : vector<8x2048xf32>
      %add3A_557 = arith.addf %add3A_517, %mul3A_556 : vector<8x2048xf32>
      %sub3A_558 = arith.constant 1.000000e+00 : f32
      %sub3A_559 = vector.broadcast %sub3A_558 : f32 to vector<8x2048xf32>
      %sub3A_560 = arith.subf %sub3A_559, %mul3A_556 : vector<8x2048xf32>
      %max3A_561 = arith.constant 1.17549435E-38 : f32
      %max3A_562 = vector.broadcast %max3A_561 : f32 to vector<8x2048xf32>
      %max3A_563 = arith.maximumf %sub3A_560, %max3A_562 : vector<8x2048xf32>
      %mul3A_564 = arith.mulf %mul3A_524, %max3A_563 : vector<8x2048xf32>
      %mul3A_565 = arith.mulf %mul3A_524, %mul3A_524 : vector<8x2048xf32>
      %mul3A_566 = arith.mulf %mul3A_565, %mul3A_524 : vector<8x2048xf32>
      %mul3A_567 = arith.mulf %mul3A_565, %mul3A_565 : vector<8x2048xf32>
      %reduce_sum3A_568 = arith.constant dense<0.000000e+00> : vector<8xf32>
      %reduce_sum3A_569 = vector.multi_reduction <add>, %mul3A_565, %reduce_sum3A_568 [1] : vector<8x2048xf32> to vector<8xf32>
      %broadcast_in_dim3A_570 = vector.shape_cast %reduce_sum3A_569 : vector<8xf32> to vector<8x1xf32>
      %reduce_sum3A_571 = arith.constant dense<0.000000e+00> : vector<8xf32>
      %reduce_sum3A_572 = vector.multi_reduction <add>, %mul3A_566, %reduce_sum3A_571 [1] : vector<8x2048xf32> to vector<8xf32>
      %broadcast_in_dim3A_573 = vector.shape_cast %reduce_sum3A_572 : vector<8xf32> to vector<8x1xf32>
      %reduce_sum3A_574 = arith.constant dense<0.000000e+00> : vector<8xf32>
      %reduce_sum3A_575 = vector.multi_reduction <add>, %mul3A_567, %reduce_sum3A_574 [1] : vector<8x2048xf32> to vector<8xf32>
      %broadcast_in_dim3A_576 = vector.shape_cast %reduce_sum3A_575 : vector<8xf32> to vector<8x1xf32>
      %div3A_577 = arith.constant 1.000000e+00 : f32
      %div3A_578 = vector.broadcast %div3A_577 : f32 to vector<8x1xf32>
      %div3A_579 = arith.divf %div3A_578, %sub3A_549 : vector<8x1xf32>
      %mul3A_580 = arith.constant 2.000000e+00 : f32
      %mul3A_581 = vector.broadcast %mul3A_580 : f32 to vector<8x1xf32>
      %mul3A_582 = arith.mulf %mul3A_581, %div3A_554 : vector<8x1xf32>
      %mul3A_583 = arith.mulf %mul3A_582, %broadcast_in_dim3A_573 : vector<8x1xf32>
      %sub3A_584 = arith.subf %broadcast_in_dim3A_570, %mul3A_583 : vector<8x1xf32>
      %mul3A_585 = arith.mulf %div3A_554, %div3A_554 : vector<8x1xf32>
      %mul3A_586 = arith.mulf %mul3A_585, %broadcast_in_dim3A_576 : vector<8x1xf32>
      %add3A_587 = arith.addf %sub3A_584, %mul3A_586 : vector<8x1xf32>
      %mul3A_588 = arith.mulf %div3A_579, %add3A_587 : vector<8x1xf32>
      %sub3A_589 = arith.subf %sub3A_549, %mul3A_588 : vector<8x1xf32>
      %scan3A_590 = arith.constant 11 : i32
      %scan3A_591 = arith.addi %scan3A_148, %scan3A_590 : i32
      %div3A_592 = arith.constant 1.000000e+00 : f32
      %div3A_593 = vector.broadcast %div3A_592 : f32 to vector<8x1xf32>
      %div3A_594 = arith.divf %div3A_593, %sub3A_549 : vector<8x1xf32>
      %mul3A_595 = vector.broadcast %div3A_594 : vector<8x1xf32> to vector<8x2048xf32>
      %mul3A_596 = arith.mulf %mul3A_564, %mul3A_595 : vector<8x2048xf32>
      %add3A_597 = arith.addf %add3A_557, %mul3A_596 : vector<8x2048xf32>
      %sub3A_598 = arith.constant 1.000000e+00 : f32
      %sub3A_599 = vector.broadcast %sub3A_598 : f32 to vector<8x2048xf32>
      %sub3A_600 = arith.subf %sub3A_599, %mul3A_596 : vector<8x2048xf32>
      %max3A_601 = arith.constant 1.17549435E-38 : f32
      %max3A_602 = vector.broadcast %max3A_601 : f32 to vector<8x2048xf32>
      %max3A_603 = arith.maximumf %sub3A_600, %max3A_602 : vector<8x2048xf32>
      %mul3A_604 = arith.mulf %mul3A_564, %max3A_603 : vector<8x2048xf32>
      %mul3A_605 = arith.mulf %mul3A_564, %mul3A_564 : vector<8x2048xf32>
      %mul3A_606 = arith.mulf %mul3A_605, %mul3A_564 : vector<8x2048xf32>
      %mul3A_607 = arith.mulf %mul3A_605, %mul3A_605 : vector<8x2048xf32>
      %reduce_sum3A_608 = arith.constant dense<0.000000e+00> : vector<8xf32>
      %reduce_sum3A_609 = vector.multi_reduction <add>, %mul3A_605, %reduce_sum3A_608 [1] : vector<8x2048xf32> to vector<8xf32>
      %broadcast_in_dim3A_610 = vector.shape_cast %reduce_sum3A_609 : vector<8xf32> to vector<8x1xf32>
      %reduce_sum3A_611 = arith.constant dense<0.000000e+00> : vector<8xf32>
      %reduce_sum3A_612 = vector.multi_reduction <add>, %mul3A_606, %reduce_sum3A_611 [1] : vector<8x2048xf32> to vector<8xf32>
      %broadcast_in_dim3A_613 = vector.shape_cast %reduce_sum3A_612 : vector<8xf32> to vector<8x1xf32>
      %reduce_sum3A_614 = arith.constant dense<0.000000e+00> : vector<8xf32>
      %reduce_sum3A_615 = vector.multi_reduction <add>, %mul3A_607, %reduce_sum3A_614 [1] : vector<8x2048xf32> to vector<8xf32>
      %broadcast_in_dim3A_616 = vector.shape_cast %reduce_sum3A_615 : vector<8xf32> to vector<8x1xf32>
      %div3A_617 = arith.constant 1.000000e+00 : f32
      %div3A_618 = vector.broadcast %div3A_617 : f32 to vector<8x1xf32>
      %div3A_619 = arith.divf %div3A_618, %sub3A_589 : vector<8x1xf32>
      %mul3A_620 = arith.constant 2.000000e+00 : f32
      %mul3A_621 = vector.broadcast %mul3A_620 : f32 to vector<8x1xf32>
      %mul3A_622 = arith.mulf %mul3A_621, %div3A_594 : vector<8x1xf32>
      %mul3A_623 = arith.mulf %mul3A_622, %broadcast_in_dim3A_613 : vector<8x1xf32>
      %sub3A_624 = arith.subf %broadcast_in_dim3A_610, %mul3A_623 : vector<8x1xf32>
      %mul3A_625 = arith.mulf %div3A_594, %div3A_594 : vector<8x1xf32>
      %mul3A_626 = arith.mulf %mul3A_625, %broadcast_in_dim3A_616 : vector<8x1xf32>
      %add3A_627 = arith.addf %sub3A_624, %mul3A_626 : vector<8x1xf32>
      %mul3A_628 = arith.mulf %div3A_619, %add3A_627 : vector<8x1xf32>
      %sub3A_629 = arith.subf %sub3A_589, %mul3A_628 : vector<8x1xf32>
      %scan3A_630 = arith.constant 12 : i32
      %scan3A_631 = arith.addi %scan3A_148, %scan3A_630 : i32
      %div3A_632 = arith.constant 1.000000e+00 : f32
      %div3A_633 = vector.broadcast %div3A_632 : f32 to vector<8x1xf32>
      %div3A_634 = arith.divf %div3A_633, %sub3A_589 : vector<8x1xf32>
      %mul3A_635 = vector.broadcast %div3A_634 : vector<8x1xf32> to vector<8x2048xf32>
      %mul3A_636 = arith.mulf %mul3A_604, %mul3A_635 : vector<8x2048xf32>
      %add3A_637 = arith.addf %add3A_597, %mul3A_636 : vector<8x2048xf32>
      %sub3A_638 = arith.constant 1.000000e+00 : f32
      %sub3A_639 = vector.broadcast %sub3A_638 : f32 to vector<8x2048xf32>
      %sub3A_640 = arith.subf %sub3A_639, %mul3A_636 : vector<8x2048xf32>
      %max3A_641 = arith.constant 1.17549435E-38 : f32
      %max3A_642 = vector.broadcast %max3A_641 : f32 to vector<8x2048xf32>
      %max3A_643 = arith.maximumf %sub3A_640, %max3A_642 : vector<8x2048xf32>
      %mul3A_644 = arith.mulf %mul3A_604, %max3A_643 : vector<8x2048xf32>
      %mul3A_645 = arith.mulf %mul3A_604, %mul3A_604 : vector<8x2048xf32>
      %mul3A_646 = arith.mulf %mul3A_645, %mul3A_604 : vector<8x2048xf32>
      %mul3A_647 = arith.mulf %mul3A_645, %mul3A_645 : vector<8x2048xf32>
      %reduce_sum3A_648 = arith.constant dense<0.000000e+00> : vector<8xf32>
      %reduce_sum3A_649 = vector.multi_reduction <add>, %mul3A_645, %reduce_sum3A_648 [1] : vector<8x2048xf32> to vector<8xf32>
      %broadcast_in_dim3A_650 = vector.shape_cast %reduce_sum3A_649 : vector<8xf32> to vector<8x1xf32>
      %reduce_sum3A_651 = arith.constant dense<0.000000e+00> : vector<8xf32>
      %reduce_sum3A_652 = vector.multi_reduction <add>, %mul3A_646, %reduce_sum3A_651 [1] : vector<8x2048xf32> to vector<8xf32>
      %broadcast_in_dim3A_653 = vector.shape_cast %reduce_sum3A_652 : vector<8xf32> to vector<8x1xf32>
      %reduce_sum3A_654 = arith.constant dense<0.000000e+00> : vector<8xf32>
      %reduce_sum3A_655 = vector.multi_reduction <add>, %mul3A_647, %reduce_sum3A_654 [1] : vector<8x2048xf32> to vector<8xf32>
      %broadcast_in_dim3A_656 = vector.shape_cast %reduce_sum3A_655 : vector<8xf32> to vector<8x1xf32>
      %div3A_657 = arith.constant 1.000000e+00 : f32
      %div3A_658 = vector.broadcast %div3A_657 : f32 to vector<8x1xf32>
      %div3A_659 = arith.divf %div3A_658, %sub3A_629 : vector<8x1xf32>
      %mul3A_660 = arith.constant 2.000000e+00 : f32
      %mul3A_661 = vector.broadcast %mul3A_660 : f32 to vector<8x1xf32>
      %mul3A_662 = arith.mulf %mul3A_661, %div3A_634 : vector<8x1xf32>
      %mul3A_663 = arith.mulf %mul3A_662, %broadcast_in_dim3A_653 : vector<8x1xf32>
      %sub3A_664 = arith.subf %broadcast_in_dim3A_650, %mul3A_663 : vector<8x1xf32>
      %mul3A_665 = arith.mulf %div3A_634, %div3A_634 : vector<8x1xf32>
      %mul3A_666 = arith.mulf %mul3A_665, %broadcast_in_dim3A_656 : vector<8x1xf32>
      %add3A_667 = arith.addf %sub3A_664, %mul3A_666 : vector<8x1xf32>
      %mul3A_668 = arith.mulf %div3A_659, %add3A_667 : vector<8x1xf32>
      %sub3A_669 = arith.subf %sub3A_629, %mul3A_668 : vector<8x1xf32>
      %scan3A_670 = arith.constant 13 : i32
      %scan3A_671 = arith.addi %scan3A_148, %scan3A_670 : i32
      %div3A_672 = arith.constant 1.000000e+00 : f32
      %div3A_673 = vector.broadcast %div3A_672 : f32 to vector<8x1xf32>
      %div3A_674 = arith.divf %div3A_673, %sub3A_629 : vector<8x1xf32>
      %mul3A_675 = vector.broadcast %div3A_674 : vector<8x1xf32> to vector<8x2048xf32>
      %mul3A_676 = arith.mulf %mul3A_644, %mul3A_675 : vector<8x2048xf32>
      %add3A_677 = arith.addf %add3A_637, %mul3A_676 : vector<8x2048xf32>
      %sub3A_678 = arith.constant 1.000000e+00 : f32
      %sub3A_679 = vector.broadcast %sub3A_678 : f32 to vector<8x2048xf32>
      %sub3A_680 = arith.subf %sub3A_679, %mul3A_676 : vector<8x2048xf32>
      %max3A_681 = arith.constant 1.17549435E-38 : f32
      %max3A_682 = vector.broadcast %max3A_681 : f32 to vector<8x2048xf32>
      %max3A_683 = arith.maximumf %sub3A_680, %max3A_682 : vector<8x2048xf32>
      %mul3A_684 = arith.mulf %mul3A_644, %max3A_683 : vector<8x2048xf32>
      %mul3A_685 = arith.mulf %mul3A_644, %mul3A_644 : vector<8x2048xf32>
      %mul3A_686 = arith.mulf %mul3A_685, %mul3A_644 : vector<8x2048xf32>
      %mul3A_687 = arith.mulf %mul3A_685, %mul3A_685 : vector<8x2048xf32>
      %reduce_sum3A_688 = arith.constant dense<0.000000e+00> : vector<8xf32>
      %reduce_sum3A_689 = vector.multi_reduction <add>, %mul3A_685, %reduce_sum3A_688 [1] : vector<8x2048xf32> to vector<8xf32>
      %broadcast_in_dim3A_690 = vector.shape_cast %reduce_sum3A_689 : vector<8xf32> to vector<8x1xf32>
      %reduce_sum3A_691 = arith.constant dense<0.000000e+00> : vector<8xf32>
      %reduce_sum3A_692 = vector.multi_reduction <add>, %mul3A_686, %reduce_sum3A_691 [1] : vector<8x2048xf32> to vector<8xf32>
      %broadcast_in_dim3A_693 = vector.shape_cast %reduce_sum3A_692 : vector<8xf32> to vector<8x1xf32>
      %reduce_sum3A_694 = arith.constant dense<0.000000e+00> : vector<8xf32>
      %reduce_sum3A_695 = vector.multi_reduction <add>, %mul3A_687, %reduce_sum3A_694 [1] : vector<8x2048xf32> to vector<8xf32>
      %broadcast_in_dim3A_696 = vector.shape_cast %reduce_sum3A_695 : vector<8xf32> to vector<8x1xf32>
      %div3A_697 = arith.constant 1.000000e+00 : f32
      %div3A_698 = vector.broadcast %div3A_697 : f32 to vector<8x1xf32>
      %div3A_699 = arith.divf %div3A_698, %sub3A_669 : vector<8x1xf32>
      %mul3A_700 = arith.constant 2.000000e+00 : f32
      %mul3A_701 = vector.broadcast %mul3A_700 : f32 to vector<8x1xf32>
      %mul3A_702 = arith.mulf %mul3A_701, %div3A_674 : vector<8x1xf32>
      %mul3A_703 = arith.mulf %mul3A_702, %broadcast_in_dim3A_693 : vector<8x1xf32>
      %sub3A_704 = arith.subf %broadcast_in_dim3A_690, %mul3A_703 : vector<8x1xf32>
      %mul3A_705 = arith.mulf %div3A_674, %div3A_674 : vector<8x1xf32>
      %mul3A_706 = arith.mulf %mul3A_705, %broadcast_in_dim3A_696 : vector<8x1xf32>
      %add3A_707 = arith.addf %sub3A_704, %mul3A_706 : vector<8x1xf32>
      %mul3A_708 = arith.mulf %div3A_699, %add3A_707 : vector<8x1xf32>
      %sub3A_709 = arith.subf %sub3A_669, %mul3A_708 : vector<8x1xf32>
      %scan3A_710 = arith.constant 14 : i32
      %scan3A_711 = arith.addi %scan3A_148, %scan3A_710 : i32
      %div3A_712 = arith.constant 1.000000e+00 : f32
      %div3A_713 = vector.broadcast %div3A_712 : f32 to vector<8x1xf32>
      %div3A_714 = arith.divf %div3A_713, %sub3A_669 : vector<8x1xf32>
      %mul3A_715 = vector.broadcast %div3A_714 : vector<8x1xf32> to vector<8x2048xf32>
      %mul3A_716 = arith.mulf %mul3A_684, %mul3A_715 : vector<8x2048xf32>
      %add3A_717 = arith.addf %add3A_677, %mul3A_716 : vector<8x2048xf32>
      %sub3A_718 = arith.constant 1.000000e+00 : f32
      %sub3A_719 = vector.broadcast %sub3A_718 : f32 to vector<8x2048xf32>
      %sub3A_720 = arith.subf %sub3A_719, %mul3A_716 : vector<8x2048xf32>
      %max3A_721 = arith.constant 1.17549435E-38 : f32
      %max3A_722 = vector.broadcast %max3A_721 : f32 to vector<8x2048xf32>
      %max3A_723 = arith.maximumf %sub3A_720, %max3A_722 : vector<8x2048xf32>
      %mul3A_724 = arith.mulf %mul3A_684, %max3A_723 : vector<8x2048xf32>
      %mul3A_725 = arith.mulf %mul3A_684, %mul3A_684 : vector<8x2048xf32>
      %mul3A_726 = arith.mulf %mul3A_725, %mul3A_684 : vector<8x2048xf32>
      %mul3A_727 = arith.mulf %mul3A_725, %mul3A_725 : vector<8x2048xf32>
      %reduce_sum3A_728 = arith.constant dense<0.000000e+00> : vector<8xf32>
      %reduce_sum3A_729 = vector.multi_reduction <add>, %mul3A_725, %reduce_sum3A_728 [1] : vector<8x2048xf32> to vector<8xf32>
      %broadcast_in_dim3A_730 = vector.shape_cast %reduce_sum3A_729 : vector<8xf32> to vector<8x1xf32>
      %reduce_sum3A_731 = arith.constant dense<0.000000e+00> : vector<8xf32>
      %reduce_sum3A_732 = vector.multi_reduction <add>, %mul3A_726, %reduce_sum3A_731 [1] : vector<8x2048xf32> to vector<8xf32>
      %broadcast_in_dim3A_733 = vector.shape_cast %reduce_sum3A_732 : vector<8xf32> to vector<8x1xf32>
      %reduce_sum3A_734 = arith.constant dense<0.000000e+00> : vector<8xf32>
      %reduce_sum3A_735 = vector.multi_reduction <add>, %mul3A_727, %reduce_sum3A_734 [1] : vector<8x2048xf32> to vector<8xf32>
      %broadcast_in_dim3A_736 = vector.shape_cast %reduce_sum3A_735 : vector<8xf32> to vector<8x1xf32>
      %div3A_737 = arith.constant 1.000000e+00 : f32
      %div3A_738 = vector.broadcast %div3A_737 : f32 to vector<8x1xf32>
      %div3A_739 = arith.divf %div3A_738, %sub3A_709 : vector<8x1xf32>
      %mul3A_740 = arith.constant 2.000000e+00 : f32
      %mul3A_741 = vector.broadcast %mul3A_740 : f32 to vector<8x1xf32>
      %mul3A_742 = arith.mulf %mul3A_741, %div3A_714 : vector<8x1xf32>
      %mul3A_743 = arith.mulf %mul3A_742, %broadcast_in_dim3A_733 : vector<8x1xf32>
      %sub3A_744 = arith.subf %broadcast_in_dim3A_730, %mul3A_743 : vector<8x1xf32>
      %mul3A_745 = arith.mulf %div3A_714, %div3A_714 : vector<8x1xf32>
      %mul3A_746 = arith.mulf %mul3A_745, %broadcast_in_dim3A_736 : vector<8x1xf32>
      %add3A_747 = arith.addf %sub3A_744, %mul3A_746 : vector<8x1xf32>
      %mul3A_748 = arith.mulf %div3A_739, %add3A_747 : vector<8x1xf32>
      %sub3A_749 = arith.subf %sub3A_709, %mul3A_748 : vector<8x1xf32>
      %scan3A_750 = arith.constant 15 : i32
      %scan3A_751 = arith.addi %scan3A_148, %scan3A_750 : i32
      %div3A_752 = arith.constant 1.000000e+00 : f32
      %div3A_753 = vector.broadcast %div3A_752 : f32 to vector<8x1xf32>
      %div3A_754 = arith.divf %div3A_753, %sub3A_709 : vector<8x1xf32>
      %mul3A_755 = vector.broadcast %div3A_754 : vector<8x1xf32> to vector<8x2048xf32>
      %mul3A_756 = arith.mulf %mul3A_724, %mul3A_755 : vector<8x2048xf32>
      %add3A_757 = arith.addf %add3A_717, %mul3A_756 : vector<8x2048xf32>
      %sub3A_758 = arith.constant 1.000000e+00 : f32
      %sub3A_759 = vector.broadcast %sub3A_758 : f32 to vector<8x2048xf32>
      %sub3A_760 = arith.subf %sub3A_759, %mul3A_756 : vector<8x2048xf32>
      %max3A_761 = arith.constant 1.17549435E-38 : f32
      %max3A_762 = vector.broadcast %max3A_761 : f32 to vector<8x2048xf32>
      %max3A_763 = arith.maximumf %sub3A_760, %max3A_762 : vector<8x2048xf32>
      %mul3A_764 = arith.mulf %mul3A_724, %max3A_763 : vector<8x2048xf32>
      %mul3A_765 = arith.mulf %mul3A_724, %mul3A_724 : vector<8x2048xf32>
      %mul3A_766 = arith.mulf %mul3A_765, %mul3A_724 : vector<8x2048xf32>
      %mul3A_767 = arith.mulf %mul3A_765, %mul3A_765 : vector<8x2048xf32>
      %reduce_sum3A_768 = arith.constant dense<0.000000e+00> : vector<8xf32>
      %reduce_sum3A_769 = vector.multi_reduction <add>, %mul3A_765, %reduce_sum3A_768 [1] : vector<8x2048xf32> to vector<8xf32>
      %broadcast_in_dim3A_770 = vector.shape_cast %reduce_sum3A_769 : vector<8xf32> to vector<8x1xf32>
      %reduce_sum3A_771 = arith.constant dense<0.000000e+00> : vector<8xf32>
      %reduce_sum3A_772 = vector.multi_reduction <add>, %mul3A_766, %reduce_sum3A_771 [1] : vector<8x2048xf32> to vector<8xf32>
      %broadcast_in_dim3A_773 = vector.shape_cast %reduce_sum3A_772 : vector<8xf32> to vector<8x1xf32>
      %reduce_sum3A_774 = arith.constant dense<0.000000e+00> : vector<8xf32>
      %reduce_sum3A_775 = vector.multi_reduction <add>, %mul3A_767, %reduce_sum3A_774 [1] : vector<8x2048xf32> to vector<8xf32>
      %broadcast_in_dim3A_776 = vector.shape_cast %reduce_sum3A_775 : vector<8xf32> to vector<8x1xf32>
      %div3A_777 = arith.constant 1.000000e+00 : f32
      %div3A_778 = vector.broadcast %div3A_777 : f32 to vector<8x1xf32>
      %div3A_779 = arith.divf %div3A_778, %sub3A_749 : vector<8x1xf32>
      %mul3A_780 = arith.constant 2.000000e+00 : f32
      %mul3A_781 = vector.broadcast %mul3A_780 : f32 to vector<8x1xf32>
      %mul3A_782 = arith.mulf %mul3A_781, %div3A_754 : vector<8x1xf32>
      %mul3A_783 = arith.mulf %mul3A_782, %broadcast_in_dim3A_773 : vector<8x1xf32>
      %sub3A_784 = arith.subf %broadcast_in_dim3A_770, %mul3A_783 : vector<8x1xf32>
      %mul3A_785 = arith.mulf %div3A_754, %div3A_754 : vector<8x1xf32>
      %mul3A_786 = arith.mulf %mul3A_785, %broadcast_in_dim3A_776 : vector<8x1xf32>
      %add3A_787 = arith.addf %sub3A_784, %mul3A_786 : vector<8x1xf32>
      %mul3A_788 = arith.mulf %div3A_779, %add3A_787 : vector<8x1xf32>
      %sub3A_789 = arith.subf %sub3A_749, %mul3A_788 : vector<8x1xf32>
      %scan3A_790 = arith.constant 16 : i32
      %scan3A_791 = arith.addi %scan3A_148, %scan3A_790 : i32
      %div3A_792 = arith.constant 1.000000e+00 : f32
      %div3A_793 = vector.broadcast %div3A_792 : f32 to vector<8x1xf32>
      %div3A_794 = arith.divf %div3A_793, %sub3A_749 : vector<8x1xf32>
      %mul3A_795 = vector.broadcast %div3A_794 : vector<8x1xf32> to vector<8x2048xf32>
      %mul3A_796 = arith.mulf %mul3A_764, %mul3A_795 : vector<8x2048xf32>
      %add3A_797 = arith.addf %add3A_757, %mul3A_796 : vector<8x2048xf32>
      %sub3A_798 = arith.constant 1.000000e+00 : f32
      %sub3A_799 = vector.broadcast %sub3A_798 : f32 to vector<8x2048xf32>
      %sub3A_800 = arith.subf %sub3A_799, %mul3A_796 : vector<8x2048xf32>
      %max3A_801 = arith.constant 1.17549435E-38 : f32
      %max3A_802 = vector.broadcast %max3A_801 : f32 to vector<8x2048xf32>
      %max3A_803 = arith.maximumf %sub3A_800, %max3A_802 : vector<8x2048xf32>
      %mul3A_804 = arith.mulf %mul3A_764, %max3A_803 : vector<8x2048xf32>
      %mul3A_805 = arith.mulf %mul3A_764, %mul3A_764 : vector<8x2048xf32>
      %mul3A_806 = arith.mulf %mul3A_805, %mul3A_764 : vector<8x2048xf32>
      %mul3A_807 = arith.mulf %mul3A_805, %mul3A_805 : vector<8x2048xf32>
      %reduce_sum3A_808 = arith.constant dense<0.000000e+00> : vector<8xf32>
      %reduce_sum3A_809 = vector.multi_reduction <add>, %mul3A_805, %reduce_sum3A_808 [1] : vector<8x2048xf32> to vector<8xf32>
      %broadcast_in_dim3A_810 = vector.shape_cast %reduce_sum3A_809 : vector<8xf32> to vector<8x1xf32>
      %reduce_sum3A_811 = arith.constant dense<0.000000e+00> : vector<8xf32>
      %reduce_sum3A_812 = vector.multi_reduction <add>, %mul3A_806, %reduce_sum3A_811 [1] : vector<8x2048xf32> to vector<8xf32>
      %broadcast_in_dim3A_813 = vector.shape_cast %reduce_sum3A_812 : vector<8xf32> to vector<8x1xf32>
      %reduce_sum3A_814 = arith.constant dense<0.000000e+00> : vector<8xf32>
      %reduce_sum3A_815 = vector.multi_reduction <add>, %mul3A_807, %reduce_sum3A_814 [1] : vector<8x2048xf32> to vector<8xf32>
      %broadcast_in_dim3A_816 = vector.shape_cast %reduce_sum3A_815 : vector<8xf32> to vector<8x1xf32>
      %div3A_817 = arith.constant 1.000000e+00 : f32
      %div3A_818 = vector.broadcast %div3A_817 : f32 to vector<8x1xf32>
      %div3A_819 = arith.divf %div3A_818, %sub3A_789 : vector<8x1xf32>
      %mul3A_820 = arith.constant 2.000000e+00 : f32
      %mul3A_821 = vector.broadcast %mul3A_820 : f32 to vector<8x1xf32>
      %mul3A_822 = arith.mulf %mul3A_821, %div3A_794 : vector<8x1xf32>
      %mul3A_823 = arith.mulf %mul3A_822, %broadcast_in_dim3A_813 : vector<8x1xf32>
      %sub3A_824 = arith.subf %broadcast_in_dim3A_810, %mul3A_823 : vector<8x1xf32>
      %mul3A_825 = arith.mulf %div3A_794, %div3A_794 : vector<8x1xf32>
      %mul3A_826 = arith.mulf %mul3A_825, %broadcast_in_dim3A_816 : vector<8x1xf32>
      %add3A_827 = arith.addf %sub3A_824, %mul3A_826 : vector<8x1xf32>
      %mul3A_828 = arith.mulf %div3A_819, %add3A_827 : vector<8x1xf32>
      %sub3A_829 = arith.subf %sub3A_789, %mul3A_828 : vector<8x1xf32>
      %scan3A_830 = arith.constant 17 : i32
      %scan3A_831 = arith.addi %scan3A_148, %scan3A_830 : i32
      %div3A_832 = arith.constant 1.000000e+00 : f32
      %div3A_833 = vector.broadcast %div3A_832 : f32 to vector<8x1xf32>
      %div3A_834 = arith.divf %div3A_833, %sub3A_789 : vector<8x1xf32>
      %mul3A_835 = vector.broadcast %div3A_834 : vector<8x1xf32> to vector<8x2048xf32>
      %mul3A_836 = arith.mulf %mul3A_804, %mul3A_835 : vector<8x2048xf32>
      %add3A_837 = arith.addf %add3A_797, %mul3A_836 : vector<8x2048xf32>
      %sub3A_838 = arith.constant 1.000000e+00 : f32
      %sub3A_839 = vector.broadcast %sub3A_838 : f32 to vector<8x2048xf32>
      %sub3A_840 = arith.subf %sub3A_839, %mul3A_836 : vector<8x2048xf32>
      %max3A_841 = arith.constant 1.17549435E-38 : f32
      %max3A_842 = vector.broadcast %max3A_841 : f32 to vector<8x2048xf32>
      %max3A_843 = arith.maximumf %sub3A_840, %max3A_842 : vector<8x2048xf32>
      %mul3A_844 = arith.mulf %mul3A_804, %max3A_843 : vector<8x2048xf32>
      %mul3A_845 = arith.mulf %mul3A_804, %mul3A_804 : vector<8x2048xf32>
      %mul3A_846 = arith.mulf %mul3A_845, %mul3A_804 : vector<8x2048xf32>
      %mul3A_847 = arith.mulf %mul3A_845, %mul3A_845 : vector<8x2048xf32>
      %reduce_sum3A_848 = arith.constant dense<0.000000e+00> : vector<8xf32>
      %reduce_sum3A_849 = vector.multi_reduction <add>, %mul3A_845, %reduce_sum3A_848 [1] : vector<8x2048xf32> to vector<8xf32>
      %broadcast_in_dim3A_850 = vector.shape_cast %reduce_sum3A_849 : vector<8xf32> to vector<8x1xf32>
      %reduce_sum3A_851 = arith.constant dense<0.000000e+00> : vector<8xf32>
      %reduce_sum3A_852 = vector.multi_reduction <add>, %mul3A_846, %reduce_sum3A_851 [1] : vector<8x2048xf32> to vector<8xf32>
      %broadcast_in_dim3A_853 = vector.shape_cast %reduce_sum3A_852 : vector<8xf32> to vector<8x1xf32>
      %reduce_sum3A_854 = arith.constant dense<0.000000e+00> : vector<8xf32>
      %reduce_sum3A_855 = vector.multi_reduction <add>, %mul3A_847, %reduce_sum3A_854 [1] : vector<8x2048xf32> to vector<8xf32>
      %broadcast_in_dim3A_856 = vector.shape_cast %reduce_sum3A_855 : vector<8xf32> to vector<8x1xf32>
      %div3A_857 = arith.constant 1.000000e+00 : f32
      %div3A_858 = vector.broadcast %div3A_857 : f32 to vector<8x1xf32>
      %div3A_859 = arith.divf %div3A_858, %sub3A_829 : vector<8x1xf32>
      %mul3A_860 = arith.constant 2.000000e+00 : f32
      %mul3A_861 = vector.broadcast %mul3A_860 : f32 to vector<8x1xf32>
      %mul3A_862 = arith.mulf %mul3A_861, %div3A_834 : vector<8x1xf32>
      %mul3A_863 = arith.mulf %mul3A_862, %broadcast_in_dim3A_853 : vector<8x1xf32>
      %sub3A_864 = arith.subf %broadcast_in_dim3A_850, %mul3A_863 : vector<8x1xf32>
      %mul3A_865 = arith.mulf %div3A_834, %div3A_834 : vector<8x1xf32>
      %mul3A_866 = arith.mulf %mul3A_865, %broadcast_in_dim3A_856 : vector<8x1xf32>
      %add3A_867 = arith.addf %sub3A_864, %mul3A_866 : vector<8x1xf32>
      %mul3A_868 = arith.mulf %div3A_859, %add3A_867 : vector<8x1xf32>
      %sub3A_869 = arith.subf %sub3A_829, %mul3A_868 : vector<8x1xf32>
      %scan3A_870 = arith.constant 18 : i32
      %scan3A_871 = arith.addi %scan3A_148, %scan3A_870 : i32
      %div3A_872 = arith.constant 1.000000e+00 : f32
      %div3A_873 = vector.broadcast %div3A_872 : f32 to vector<8x1xf32>
      %div3A_874 = arith.divf %div3A_873, %sub3A_829 : vector<8x1xf32>
      %mul3A_875 = vector.broadcast %div3A_874 : vector<8x1xf32> to vector<8x2048xf32>
      %mul3A_876 = arith.mulf %mul3A_844, %mul3A_875 : vector<8x2048xf32>
      %add3A_877 = arith.addf %add3A_837, %mul3A_876 : vector<8x2048xf32>
      %sub3A_878 = arith.constant 1.000000e+00 : f32
      %sub3A_879 = vector.broadcast %sub3A_878 : f32 to vector<8x2048xf32>
      %sub3A_880 = arith.subf %sub3A_879, %mul3A_876 : vector<8x2048xf32>
      %max3A_881 = arith.constant 1.17549435E-38 : f32
      %max3A_882 = vector.broadcast %max3A_881 : f32 to vector<8x2048xf32>
      %max3A_883 = arith.maximumf %sub3A_880, %max3A_882 : vector<8x2048xf32>
      %mul3A_884 = arith.mulf %mul3A_844, %max3A_883 : vector<8x2048xf32>
      %mul3A_885 = arith.mulf %mul3A_844, %mul3A_844 : vector<8x2048xf32>
      %mul3A_886 = arith.mulf %mul3A_885, %mul3A_844 : vector<8x2048xf32>
      %mul3A_887 = arith.mulf %mul3A_885, %mul3A_885 : vector<8x2048xf32>
      %reduce_sum3A_888 = arith.constant dense<0.000000e+00> : vector<8xf32>
      %reduce_sum3A_889 = vector.multi_reduction <add>, %mul3A_885, %reduce_sum3A_888 [1] : vector<8x2048xf32> to vector<8xf32>
      %broadcast_in_dim3A_890 = vector.shape_cast %reduce_sum3A_889 : vector<8xf32> to vector<8x1xf32>
      %reduce_sum3A_891 = arith.constant dense<0.000000e+00> : vector<8xf32>
      %reduce_sum3A_892 = vector.multi_reduction <add>, %mul3A_886, %reduce_sum3A_891 [1] : vector<8x2048xf32> to vector<8xf32>
      %broadcast_in_dim3A_893 = vector.shape_cast %reduce_sum3A_892 : vector<8xf32> to vector<8x1xf32>
      %reduce_sum3A_894 = arith.constant dense<0.000000e+00> : vector<8xf32>
      %reduce_sum3A_895 = vector.multi_reduction <add>, %mul3A_887, %reduce_sum3A_894 [1] : vector<8x2048xf32> to vector<8xf32>
      %broadcast_in_dim3A_896 = vector.shape_cast %reduce_sum3A_895 : vector<8xf32> to vector<8x1xf32>
      %div3A_897 = arith.constant 1.000000e+00 : f32
      %div3A_898 = vector.broadcast %div3A_897 : f32 to vector<8x1xf32>
      %div3A_899 = arith.divf %div3A_898, %sub3A_869 : vector<8x1xf32>
      %mul3A_900 = arith.constant 2.000000e+00 : f32
      %mul3A_901 = vector.broadcast %mul3A_900 : f32 to vector<8x1xf32>
      %mul3A_902 = arith.mulf %mul3A_901, %div3A_874 : vector<8x1xf32>
      %mul3A_903 = arith.mulf %mul3A_902, %broadcast_in_dim3A_893 : vector<8x1xf32>
      %sub3A_904 = arith.subf %broadcast_in_dim3A_890, %mul3A_903 : vector<8x1xf32>
      %mul3A_905 = arith.mulf %div3A_874, %div3A_874 : vector<8x1xf32>
      %mul3A_906 = arith.mulf %mul3A_905, %broadcast_in_dim3A_896 : vector<8x1xf32>
      %add3A_907 = arith.addf %sub3A_904, %mul3A_906 : vector<8x1xf32>
      %mul3A_908 = arith.mulf %div3A_899, %add3A_907 : vector<8x1xf32>
      %sub3A_909 = arith.subf %sub3A_869, %mul3A_908 : vector<8x1xf32>
      %scan3A_910 = arith.constant 19 : i32
      %scan3A_911 = arith.addi %scan3A_148, %scan3A_910 : i32
      %div3A_912 = arith.constant 1.000000e+00 : f32
      %div3A_913 = vector.broadcast %div3A_912 : f32 to vector<8x1xf32>
      %div3A_914 = arith.divf %div3A_913, %sub3A_869 : vector<8x1xf32>
      %mul3A_915 = vector.broadcast %div3A_914 : vector<8x1xf32> to vector<8x2048xf32>
      %mul3A_916 = arith.mulf %mul3A_884, %mul3A_915 : vector<8x2048xf32>
      %add3A_917 = arith.addf %add3A_877, %mul3A_916 : vector<8x2048xf32>
      %sub3A_918 = arith.constant 1.000000e+00 : f32
      %sub3A_919 = vector.broadcast %sub3A_918 : f32 to vector<8x2048xf32>
      %sub3A_920 = arith.subf %sub3A_919, %mul3A_916 : vector<8x2048xf32>
      %max3A_921 = arith.constant 1.17549435E-38 : f32
      %max3A_922 = vector.broadcast %max3A_921 : f32 to vector<8x2048xf32>
      %max3A_923 = arith.maximumf %sub3A_920, %max3A_922 : vector<8x2048xf32>
      %mul3A_924 = arith.mulf %mul3A_884, %max3A_923 : vector<8x2048xf32>
      %mul3A_925 = arith.mulf %mul3A_884, %mul3A_884 : vector<8x2048xf32>
      %mul3A_926 = arith.mulf %mul3A_925, %mul3A_884 : vector<8x2048xf32>
      %mul3A_927 = arith.mulf %mul3A_925, %mul3A_925 : vector<8x2048xf32>
      %reduce_sum3A_928 = arith.constant dense<0.000000e+00> : vector<8xf32>
      %reduce_sum3A_929 = vector.multi_reduction <add>, %mul3A_925, %reduce_sum3A_928 [1] : vector<8x2048xf32> to vector<8xf32>
      %broadcast_in_dim3A_930 = vector.shape_cast %reduce_sum3A_929 : vector<8xf32> to vector<8x1xf32>
      %reduce_sum3A_931 = arith.constant dense<0.000000e+00> : vector<8xf32>
      %reduce_sum3A_932 = vector.multi_reduction <add>, %mul3A_926, %reduce_sum3A_931 [1] : vector<8x2048xf32> to vector<8xf32>
      %broadcast_in_dim3A_933 = vector.shape_cast %reduce_sum3A_932 : vector<8xf32> to vector<8x1xf32>
      %reduce_sum3A_934 = arith.constant dense<0.000000e+00> : vector<8xf32>
      %reduce_sum3A_935 = vector.multi_reduction <add>, %mul3A_927, %reduce_sum3A_934 [1] : vector<8x2048xf32> to vector<8xf32>
      %broadcast_in_dim3A_936 = vector.shape_cast %reduce_sum3A_935 : vector<8xf32> to vector<8x1xf32>
      %div3A_937 = arith.constant 1.000000e+00 : f32
      %div3A_938 = vector.broadcast %div3A_937 : f32 to vector<8x1xf32>
      %div3A_939 = arith.divf %div3A_938, %sub3A_909 : vector<8x1xf32>
      %mul3A_940 = arith.constant 2.000000e+00 : f32
      %mul3A_941 = vector.broadcast %mul3A_940 : f32 to vector<8x1xf32>
      %mul3A_942 = arith.mulf %mul3A_941, %div3A_914 : vector<8x1xf32>
      %mul3A_943 = arith.mulf %mul3A_942, %broadcast_in_dim3A_933 : vector<8x1xf32>
      %sub3A_944 = arith.subf %broadcast_in_dim3A_930, %mul3A_943 : vector<8x1xf32>
      %mul3A_945 = arith.mulf %div3A_914, %div3A_914 : vector<8x1xf32>
      %mul3A_946 = arith.mulf %mul3A_945, %broadcast_in_dim3A_936 : vector<8x1xf32>
      %add3A_947 = arith.addf %sub3A_944, %mul3A_946 : vector<8x1xf32>
      %mul3A_948 = arith.mulf %div3A_939, %add3A_947 : vector<8x1xf32>
      %sub3A_949 = arith.subf %sub3A_909, %mul3A_948 : vector<8x1xf32>
      %scan3A_950 = arith.constant 20 : i32
      %scan3A_951 = arith.addi %scan3A_148, %scan3A_950 : i32
      %div3A_952 = arith.constant 1.000000e+00 : f32
      %div3A_953 = vector.broadcast %div3A_952 : f32 to vector<8x1xf32>
      %div3A_954 = arith.divf %div3A_953, %sub3A_909 : vector<8x1xf32>
      %mul3A_955 = vector.broadcast %div3A_954 : vector<8x1xf32> to vector<8x2048xf32>
      %mul3A_956 = arith.mulf %mul3A_924, %mul3A_955 : vector<8x2048xf32>
      %add3A_957 = arith.addf %add3A_917, %mul3A_956 : vector<8x2048xf32>
      %sub3A_958 = arith.constant 1.000000e+00 : f32
      %sub3A_959 = vector.broadcast %sub3A_958 : f32 to vector<8x2048xf32>
      %sub3A_960 = arith.subf %sub3A_959, %mul3A_956 : vector<8x2048xf32>
      %max3A_961 = arith.constant 1.17549435E-38 : f32
      %max3A_962 = vector.broadcast %max3A_961 : f32 to vector<8x2048xf32>
      %max3A_963 = arith.maximumf %sub3A_960, %max3A_962 : vector<8x2048xf32>
      %mul3A_964 = arith.mulf %mul3A_924, %max3A_963 : vector<8x2048xf32>
      %mul3A_965 = arith.mulf %mul3A_924, %mul3A_924 : vector<8x2048xf32>
      %mul3A_966 = arith.mulf %mul3A_965, %mul3A_924 : vector<8x2048xf32>
      %mul3A_967 = arith.mulf %mul3A_965, %mul3A_965 : vector<8x2048xf32>
      %reduce_sum3A_968 = arith.constant dense<0.000000e+00> : vector<8xf32>
      %reduce_sum3A_969 = vector.multi_reduction <add>, %mul3A_965, %reduce_sum3A_968 [1] : vector<8x2048xf32> to vector<8xf32>
      %broadcast_in_dim3A_970 = vector.shape_cast %reduce_sum3A_969 : vector<8xf32> to vector<8x1xf32>
      %reduce_sum3A_971 = arith.constant dense<0.000000e+00> : vector<8xf32>
      %reduce_sum3A_972 = vector.multi_reduction <add>, %mul3A_966, %reduce_sum3A_971 [1] : vector<8x2048xf32> to vector<8xf32>
      %broadcast_in_dim3A_973 = vector.shape_cast %reduce_sum3A_972 : vector<8xf32> to vector<8x1xf32>
      %reduce_sum3A_974 = arith.constant dense<0.000000e+00> : vector<8xf32>
      %reduce_sum3A_975 = vector.multi_reduction <add>, %mul3A_967, %reduce_sum3A_974 [1] : vector<8x2048xf32> to vector<8xf32>
      %broadcast_in_dim3A_976 = vector.shape_cast %reduce_sum3A_975 : vector<8xf32> to vector<8x1xf32>
      %div3A_977 = arith.constant 1.000000e+00 : f32
      %div3A_978 = vector.broadcast %div3A_977 : f32 to vector<8x1xf32>
      %div3A_979 = arith.divf %div3A_978, %sub3A_949 : vector<8x1xf32>
      %mul3A_980 = arith.constant 2.000000e+00 : f32
      %mul3A_981 = vector.broadcast %mul3A_980 : f32 to vector<8x1xf32>
      %mul3A_982 = arith.mulf %mul3A_981, %div3A_954 : vector<8x1xf32>
      %mul3A_983 = arith.mulf %mul3A_982, %broadcast_in_dim3A_973 : vector<8x1xf32>
      %sub3A_984 = arith.subf %broadcast_in_dim3A_970, %mul3A_983 : vector<8x1xf32>
      %mul3A_985 = arith.mulf %div3A_954, %div3A_954 : vector<8x1xf32>
      %mul3A_986 = arith.mulf %mul3A_985, %broadcast_in_dim3A_976 : vector<8x1xf32>
      %add3A_987 = arith.addf %sub3A_984, %mul3A_986 : vector<8x1xf32>
      %mul3A_988 = arith.mulf %div3A_979, %add3A_987 : vector<8x1xf32>
      %sub3A_989 = arith.subf %sub3A_949, %mul3A_988 : vector<8x1xf32>
      %scan3A_990 = arith.constant 21 : i32
      %scan3A_991 = arith.addi %scan3A_148, %scan3A_990 : i32
      %div3A_992 = arith.constant 1.000000e+00 : f32
      %div3A_993 = vector.broadcast %div3A_992 : f32 to vector<8x1xf32>
      %div3A_994 = arith.divf %div3A_993, %sub3A_949 : vector<8x1xf32>
      %mul3A_995 = vector.broadcast %div3A_994 : vector<8x1xf32> to vector<8x2048xf32>
      %mul3A_996 = arith.mulf %mul3A_964, %mul3A_995 : vector<8x2048xf32>
      %add3A_997 = arith.addf %add3A_957, %mul3A_996 : vector<8x2048xf32>
      %sub3A_998 = arith.constant 1.000000e+00 : f32
      %sub3A_999 = vector.broadcast %sub3A_998 : f32 to vector<8x2048xf32>
      %sub3A_1000 = arith.subf %sub3A_999, %mul3A_996 : vector<8x2048xf32>
      %max3A_1001 = arith.constant 1.17549435E-38 : f32
      %max3A_1002 = vector.broadcast %max3A_1001 : f32 to vector<8x2048xf32>
      %max3A_1003 = arith.maximumf %sub3A_1000, %max3A_1002 : vector<8x2048xf32>
      %mul3A_1004 = arith.mulf %mul3A_964, %max3A_1003 : vector<8x2048xf32>
      %mul3A_1005 = arith.mulf %mul3A_964, %mul3A_964 : vector<8x2048xf32>
      %mul3A_1006 = arith.mulf %mul3A_1005, %mul3A_964 : vector<8x2048xf32>
      %mul3A_1007 = arith.mulf %mul3A_1005, %mul3A_1005 : vector<8x2048xf32>
      %reduce_sum3A_1008 = arith.constant dense<0.000000e+00> : vector<8xf32>
      %reduce_sum3A_1009 = vector.multi_reduction <add>, %mul3A_1005, %reduce_sum3A_1008 [1] : vector<8x2048xf32> to vector<8xf32>
      %broadcast_in_dim3A_1010 = vector.shape_cast %reduce_sum3A_1009 : vector<8xf32> to vector<8x1xf32>
      %reduce_sum3A_1011 = arith.constant dense<0.000000e+00> : vector<8xf32>
      %reduce_sum3A_1012 = vector.multi_reduction <add>, %mul3A_1006, %reduce_sum3A_1011 [1] : vector<8x2048xf32> to vector<8xf32>
      %broadcast_in_dim3A_1013 = vector.shape_cast %reduce_sum3A_1012 : vector<8xf32> to vector<8x1xf32>
      %reduce_sum3A_1014 = arith.constant dense<0.000000e+00> : vector<8xf32>
      %reduce_sum3A_1015 = vector.multi_reduction <add>, %mul3A_1007, %reduce_sum3A_1014 [1] : vector<8x2048xf32> to vector<8xf32>
      %broadcast_in_dim3A_1016 = vector.shape_cast %reduce_sum3A_1015 : vector<8xf32> to vector<8x1xf32>
      %div3A_1017 = arith.constant 1.000000e+00 : f32
      %div3A_1018 = vector.broadcast %div3A_1017 : f32 to vector<8x1xf32>
      %div3A_1019 = arith.divf %div3A_1018, %sub3A_989 : vector<8x1xf32>
      %mul3A_1020 = arith.constant 2.000000e+00 : f32
      %mul3A_1021 = vector.broadcast %mul3A_1020 : f32 to vector<8x1xf32>
      %mul3A_1022 = arith.mulf %mul3A_1021, %div3A_994 : vector<8x1xf32>
      %mul3A_1023 = arith.mulf %mul3A_1022, %broadcast_in_dim3A_1013 : vector<8x1xf32>
      %sub3A_1024 = arith.subf %broadcast_in_dim3A_1010, %mul3A_1023 : vector<8x1xf32>
      %mul3A_1025 = arith.mulf %div3A_994, %div3A_994 : vector<8x1xf32>
      %mul3A_1026 = arith.mulf %mul3A_1025, %broadcast_in_dim3A_1016 : vector<8x1xf32>
      %add3A_1027 = arith.addf %sub3A_1024, %mul3A_1026 : vector<8x1xf32>
      %mul3A_1028 = arith.mulf %div3A_1019, %add3A_1027 : vector<8x1xf32>
      %sub3A_1029 = arith.subf %sub3A_989, %mul3A_1028 : vector<8x1xf32>
      %scan3A_1030 = arith.constant 22 : i32
      %scan3A_1031 = arith.addi %scan3A_148, %scan3A_1030 : i32
      %div3A_1032 = arith.constant 1.000000e+00 : f32
      %div3A_1033 = vector.broadcast %div3A_1032 : f32 to vector<8x1xf32>
      %div3A_1034 = arith.divf %div3A_1033, %sub3A_989 : vector<8x1xf32>
      %mul3A_1035 = vector.broadcast %div3A_1034 : vector<8x1xf32> to vector<8x2048xf32>
      %mul3A_1036 = arith.mulf %mul3A_1004, %mul3A_1035 : vector<8x2048xf32>
      %add3A_1037 = arith.addf %add3A_997, %mul3A_1036 : vector<8x2048xf32>
      %sub3A_1038 = arith.constant 1.000000e+00 : f32
      %sub3A_1039 = vector.broadcast %sub3A_1038 : f32 to vector<8x2048xf32>
      %sub3A_1040 = arith.subf %sub3A_1039, %mul3A_1036 : vector<8x2048xf32>
      %max3A_1041 = arith.constant 1.17549435E-38 : f32
      %max3A_1042 = vector.broadcast %max3A_1041 : f32 to vector<8x2048xf32>
      %max3A_1043 = arith.maximumf %sub3A_1040, %max3A_1042 : vector<8x2048xf32>
      %mul3A_1044 = arith.mulf %mul3A_1004, %max3A_1043 : vector<8x2048xf32>
      %mul3A_1045 = arith.mulf %mul3A_1004, %mul3A_1004 : vector<8x2048xf32>
      %mul3A_1046 = arith.mulf %mul3A_1045, %mul3A_1004 : vector<8x2048xf32>
      %mul3A_1047 = arith.mulf %mul3A_1045, %mul3A_1045 : vector<8x2048xf32>
      %reduce_sum3A_1048 = arith.constant dense<0.000000e+00> : vector<8xf32>
      %reduce_sum3A_1049 = vector.multi_reduction <add>, %mul3A_1045, %reduce_sum3A_1048 [1] : vector<8x2048xf32> to vector<8xf32>
      %broadcast_in_dim3A_1050 = vector.shape_cast %reduce_sum3A_1049 : vector<8xf32> to vector<8x1xf32>
      %reduce_sum3A_1051 = arith.constant dense<0.000000e+00> : vector<8xf32>
      %reduce_sum3A_1052 = vector.multi_reduction <add>, %mul3A_1046, %reduce_sum3A_1051 [1] : vector<8x2048xf32> to vector<8xf32>
      %broadcast_in_dim3A_1053 = vector.shape_cast %reduce_sum3A_1052 : vector<8xf32> to vector<8x1xf32>
      %reduce_sum3A_1054 = arith.constant dense<0.000000e+00> : vector<8xf32>
      %reduce_sum3A_1055 = vector.multi_reduction <add>, %mul3A_1047, %reduce_sum3A_1054 [1] : vector<8x2048xf32> to vector<8xf32>
      %broadcast_in_dim3A_1056 = vector.shape_cast %reduce_sum3A_1055 : vector<8xf32> to vector<8x1xf32>
      %div3A_1057 = arith.constant 1.000000e+00 : f32
      %div3A_1058 = vector.broadcast %div3A_1057 : f32 to vector<8x1xf32>
      %div3A_1059 = arith.divf %div3A_1058, %sub3A_1029 : vector<8x1xf32>
      %mul3A_1060 = arith.constant 2.000000e+00 : f32
      %mul3A_1061 = vector.broadcast %mul3A_1060 : f32 to vector<8x1xf32>
      %mul3A_1062 = arith.mulf %mul3A_1061, %div3A_1034 : vector<8x1xf32>
      %mul3A_1063 = arith.mulf %mul3A_1062, %broadcast_in_dim3A_1053 : vector<8x1xf32>
      %sub3A_1064 = arith.subf %broadcast_in_dim3A_1050, %mul3A_1063 : vector<8x1xf32>
      %mul3A_1065 = arith.mulf %div3A_1034, %div3A_1034 : vector<8x1xf32>
      %mul3A_1066 = arith.mulf %mul3A_1065, %broadcast_in_dim3A_1056 : vector<8x1xf32>
      %add3A_1067 = arith.addf %sub3A_1064, %mul3A_1066 : vector<8x1xf32>
      %mul3A_1068 = arith.mulf %div3A_1059, %add3A_1067 : vector<8x1xf32>
      %sub3A_1069 = arith.subf %sub3A_1029, %mul3A_1068 : vector<8x1xf32>
      %scan3A_1070 = arith.constant 23 : i32
      %scan3A_1071 = arith.addi %scan3A_148, %scan3A_1070 : i32
      %div3A_1072 = arith.constant 1.000000e+00 : f32
      %div3A_1073 = vector.broadcast %div3A_1072 : f32 to vector<8x1xf32>
      %div3A_1074 = arith.divf %div3A_1073, %sub3A_1029 : vector<8x1xf32>
      %mul3A_1075 = vector.broadcast %div3A_1074 : vector<8x1xf32> to vector<8x2048xf32>
      %mul3A_1076 = arith.mulf %mul3A_1044, %mul3A_1075 : vector<8x2048xf32>
      %add3A_1077 = arith.addf %add3A_1037, %mul3A_1076 : vector<8x2048xf32>
      %sub3A_1078 = arith.constant 1.000000e+00 : f32
      %sub3A_1079 = vector.broadcast %sub3A_1078 : f32 to vector<8x2048xf32>
      %sub3A_1080 = arith.subf %sub3A_1079, %mul3A_1076 : vector<8x2048xf32>
      %max3A_1081 = arith.constant 1.17549435E-38 : f32
      %max3A_1082 = vector.broadcast %max3A_1081 : f32 to vector<8x2048xf32>
      %max3A_1083 = arith.maximumf %sub3A_1080, %max3A_1082 : vector<8x2048xf32>
      %mul3A_1084 = arith.mulf %mul3A_1044, %max3A_1083 : vector<8x2048xf32>
      %mul3A_1085 = arith.mulf %mul3A_1044, %mul3A_1044 : vector<8x2048xf32>
      %mul3A_1086 = arith.mulf %mul3A_1085, %mul3A_1044 : vector<8x2048xf32>
      %mul3A_1087 = arith.mulf %mul3A_1085, %mul3A_1085 : vector<8x2048xf32>
      %reduce_sum3A_1088 = arith.constant dense<0.000000e+00> : vector<8xf32>
      %reduce_sum3A_1089 = vector.multi_reduction <add>, %mul3A_1085, %reduce_sum3A_1088 [1] : vector<8x2048xf32> to vector<8xf32>
      %broadcast_in_dim3A_1090 = vector.shape_cast %reduce_sum3A_1089 : vector<8xf32> to vector<8x1xf32>
      %reduce_sum3A_1091 = arith.constant dense<0.000000e+00> : vector<8xf32>
      %reduce_sum3A_1092 = vector.multi_reduction <add>, %mul3A_1086, %reduce_sum3A_1091 [1] : vector<8x2048xf32> to vector<8xf32>
      %broadcast_in_dim3A_1093 = vector.shape_cast %reduce_sum3A_1092 : vector<8xf32> to vector<8x1xf32>
      %reduce_sum3A_1094 = arith.constant dense<0.000000e+00> : vector<8xf32>
      %reduce_sum3A_1095 = vector.multi_reduction <add>, %mul3A_1087, %reduce_sum3A_1094 [1] : vector<8x2048xf32> to vector<8xf32>
      %broadcast_in_dim3A_1096 = vector.shape_cast %reduce_sum3A_1095 : vector<8xf32> to vector<8x1xf32>
      %div3A_1097 = arith.constant 1.000000e+00 : f32
      %div3A_1098 = vector.broadcast %div3A_1097 : f32 to vector<8x1xf32>
      %div3A_1099 = arith.divf %div3A_1098, %sub3A_1069 : vector<8x1xf32>
      %mul3A_1100 = arith.constant 2.000000e+00 : f32
      %mul3A_1101 = vector.broadcast %mul3A_1100 : f32 to vector<8x1xf32>
      %mul3A_1102 = arith.mulf %mul3A_1101, %div3A_1074 : vector<8x1xf32>
      %mul3A_1103 = arith.mulf %mul3A_1102, %broadcast_in_dim3A_1093 : vector<8x1xf32>
      %sub3A_1104 = arith.subf %broadcast_in_dim3A_1090, %mul3A_1103 : vector<8x1xf32>
      %mul3A_1105 = arith.mulf %div3A_1074, %div3A_1074 : vector<8x1xf32>
      %mul3A_1106 = arith.mulf %mul3A_1105, %broadcast_in_dim3A_1096 : vector<8x1xf32>
      %add3A_1107 = arith.addf %sub3A_1104, %mul3A_1106 : vector<8x1xf32>
      %mul3A_1108 = arith.mulf %div3A_1099, %add3A_1107 : vector<8x1xf32>
      %sub3A_1109 = arith.subf %sub3A_1069, %mul3A_1108 : vector<8x1xf32>
      %scan3A_1110 = arith.constant 24 : i32
      %scan3A_1111 = arith.addi %scan3A_148, %scan3A_1110 : i32
      %div3A_1112 = arith.constant 1.000000e+00 : f32
      %div3A_1113 = vector.broadcast %div3A_1112 : f32 to vector<8x1xf32>
      %div3A_1114 = arith.divf %div3A_1113, %sub3A_1069 : vector<8x1xf32>
      %mul3A_1115 = vector.broadcast %div3A_1114 : vector<8x1xf32> to vector<8x2048xf32>
      %mul3A_1116 = arith.mulf %mul3A_1084, %mul3A_1115 : vector<8x2048xf32>
      %add3A_1117 = arith.addf %add3A_1077, %mul3A_1116 : vector<8x2048xf32>
      %sub3A_1118 = arith.constant 1.000000e+00 : f32
      %sub3A_1119 = vector.broadcast %sub3A_1118 : f32 to vector<8x2048xf32>
      %sub3A_1120 = arith.subf %sub3A_1119, %mul3A_1116 : vector<8x2048xf32>
      %max3A_1121 = arith.constant 1.17549435E-38 : f32
      %max3A_1122 = vector.broadcast %max3A_1121 : f32 to vector<8x2048xf32>
      %max3A_1123 = arith.maximumf %sub3A_1120, %max3A_1122 : vector<8x2048xf32>
      %mul3A_1124 = arith.mulf %mul3A_1084, %max3A_1123 : vector<8x2048xf32>
      %mul3A_1125 = arith.mulf %mul3A_1084, %mul3A_1084 : vector<8x2048xf32>
      %mul3A_1126 = arith.mulf %mul3A_1125, %mul3A_1084 : vector<8x2048xf32>
      %mul3A_1127 = arith.mulf %mul3A_1125, %mul3A_1125 : vector<8x2048xf32>
      %reduce_sum3A_1128 = arith.constant dense<0.000000e+00> : vector<8xf32>
      %reduce_sum3A_1129 = vector.multi_reduction <add>, %mul3A_1125, %reduce_sum3A_1128 [1] : vector<8x2048xf32> to vector<8xf32>
      %broadcast_in_dim3A_1130 = vector.shape_cast %reduce_sum3A_1129 : vector<8xf32> to vector<8x1xf32>
      %reduce_sum3A_1131 = arith.constant dense<0.000000e+00> : vector<8xf32>
      %reduce_sum3A_1132 = vector.multi_reduction <add>, %mul3A_1126, %reduce_sum3A_1131 [1] : vector<8x2048xf32> to vector<8xf32>
      %broadcast_in_dim3A_1133 = vector.shape_cast %reduce_sum3A_1132 : vector<8xf32> to vector<8x1xf32>
      %reduce_sum3A_1134 = arith.constant dense<0.000000e+00> : vector<8xf32>
      %reduce_sum3A_1135 = vector.multi_reduction <add>, %mul3A_1127, %reduce_sum3A_1134 [1] : vector<8x2048xf32> to vector<8xf32>
      %broadcast_in_dim3A_1136 = vector.shape_cast %reduce_sum3A_1135 : vector<8xf32> to vector<8x1xf32>
      %div3A_1137 = arith.constant 1.000000e+00 : f32
      %div3A_1138 = vector.broadcast %div3A_1137 : f32 to vector<8x1xf32>
      %div3A_1139 = arith.divf %div3A_1138, %sub3A_1109 : vector<8x1xf32>
      %mul3A_1140 = arith.constant 2.000000e+00 : f32
      %mul3A_1141 = vector.broadcast %mul3A_1140 : f32 to vector<8x1xf32>
      %mul3A_1142 = arith.mulf %mul3A_1141, %div3A_1114 : vector<8x1xf32>
      %mul3A_1143 = arith.mulf %mul3A_1142, %broadcast_in_dim3A_1133 : vector<8x1xf32>
      %sub3A_1144 = arith.subf %broadcast_in_dim3A_1130, %mul3A_1143 : vector<8x1xf32>
      %mul3A_1145 = arith.mulf %div3A_1114, %div3A_1114 : vector<8x1xf32>
      %mul3A_1146 = arith.mulf %mul3A_1145, %broadcast_in_dim3A_1136 : vector<8x1xf32>
      %add3A_1147 = arith.addf %sub3A_1144, %mul3A_1146 : vector<8x1xf32>
      %mul3A_1148 = arith.mulf %div3A_1139, %add3A_1147 : vector<8x1xf32>
      %sub3A_1149 = arith.subf %sub3A_1109, %mul3A_1148 : vector<8x1xf32>
      %scan3A_1150 = arith.constant 25 : i32
      %scan3A_1151 = arith.addi %scan3A_148, %scan3A_1150 : i32
      %div3A_1152 = arith.constant 1.000000e+00 : f32
      %div3A_1153 = vector.broadcast %div3A_1152 : f32 to vector<8x1xf32>
      %div3A_1154 = arith.divf %div3A_1153, %sub3A_1109 : vector<8x1xf32>
      %mul3A_1155 = vector.broadcast %div3A_1154 : vector<8x1xf32> to vector<8x2048xf32>
      %mul3A_1156 = arith.mulf %mul3A_1124, %mul3A_1155 : vector<8x2048xf32>
      %add3A_1157 = arith.addf %add3A_1117, %mul3A_1156 : vector<8x2048xf32>
      %sub3A_1158 = arith.constant 1.000000e+00 : f32
      %sub3A_1159 = vector.broadcast %sub3A_1158 : f32 to vector<8x2048xf32>
      %sub3A_1160 = arith.subf %sub3A_1159, %mul3A_1156 : vector<8x2048xf32>
      %max3A_1161 = arith.constant 1.17549435E-38 : f32
      %max3A_1162 = vector.broadcast %max3A_1161 : f32 to vector<8x2048xf32>
      %max3A_1163 = arith.maximumf %sub3A_1160, %max3A_1162 : vector<8x2048xf32>
      %mul3A_1164 = arith.mulf %mul3A_1124, %max3A_1163 : vector<8x2048xf32>
      %mul3A_1165 = arith.mulf %mul3A_1124, %mul3A_1124 : vector<8x2048xf32>
      %mul3A_1166 = arith.mulf %mul3A_1165, %mul3A_1124 : vector<8x2048xf32>
      %mul3A_1167 = arith.mulf %mul3A_1165, %mul3A_1165 : vector<8x2048xf32>
      %reduce_sum3A_1168 = arith.constant dense<0.000000e+00> : vector<8xf32>
      %reduce_sum3A_1169 = vector.multi_reduction <add>, %mul3A_1165, %reduce_sum3A_1168 [1] : vector<8x2048xf32> to vector<8xf32>
      %broadcast_in_dim3A_1170 = vector.shape_cast %reduce_sum3A_1169 : vector<8xf32> to vector<8x1xf32>
      %reduce_sum3A_1171 = arith.constant dense<0.000000e+00> : vector<8xf32>
      %reduce_sum3A_1172 = vector.multi_reduction <add>, %mul3A_1166, %reduce_sum3A_1171 [1] : vector<8x2048xf32> to vector<8xf32>
      %broadcast_in_dim3A_1173 = vector.shape_cast %reduce_sum3A_1172 : vector<8xf32> to vector<8x1xf32>
      %reduce_sum3A_1174 = arith.constant dense<0.000000e+00> : vector<8xf32>
      %reduce_sum3A_1175 = vector.multi_reduction <add>, %mul3A_1167, %reduce_sum3A_1174 [1] : vector<8x2048xf32> to vector<8xf32>
      %broadcast_in_dim3A_1176 = vector.shape_cast %reduce_sum3A_1175 : vector<8xf32> to vector<8x1xf32>
      %div3A_1177 = arith.constant 1.000000e+00 : f32
      %div3A_1178 = vector.broadcast %div3A_1177 : f32 to vector<8x1xf32>
      %div3A_1179 = arith.divf %div3A_1178, %sub3A_1149 : vector<8x1xf32>
      %mul3A_1180 = arith.constant 2.000000e+00 : f32
      %mul3A_1181 = vector.broadcast %mul3A_1180 : f32 to vector<8x1xf32>
      %mul3A_1182 = arith.mulf %mul3A_1181, %div3A_1154 : vector<8x1xf32>
      %mul3A_1183 = arith.mulf %mul3A_1182, %broadcast_in_dim3A_1173 : vector<8x1xf32>
      %sub3A_1184 = arith.subf %broadcast_in_dim3A_1170, %mul3A_1183 : vector<8x1xf32>
      %mul3A_1185 = arith.mulf %div3A_1154, %div3A_1154 : vector<8x1xf32>
      %mul3A_1186 = arith.mulf %mul3A_1185, %broadcast_in_dim3A_1176 : vector<8x1xf32>
      %add3A_1187 = arith.addf %sub3A_1184, %mul3A_1186 : vector<8x1xf32>
      %mul3A_1188 = arith.mulf %div3A_1179, %add3A_1187 : vector<8x1xf32>
      %sub3A_1189 = arith.subf %sub3A_1149, %mul3A_1188 : vector<8x1xf32>
      %scan3A_1190 = arith.constant 26 : i32
      %scan3A_1191 = arith.addi %scan3A_148, %scan3A_1190 : i32
      %div3A_1192 = arith.constant 1.000000e+00 : f32
      %div3A_1193 = vector.broadcast %div3A_1192 : f32 to vector<8x1xf32>
      %div3A_1194 = arith.divf %div3A_1193, %sub3A_1149 : vector<8x1xf32>
      %mul3A_1195 = vector.broadcast %div3A_1194 : vector<8x1xf32> to vector<8x2048xf32>
      %mul3A_1196 = arith.mulf %mul3A_1164, %mul3A_1195 : vector<8x2048xf32>
      %add3A_1197 = arith.addf %add3A_1157, %mul3A_1196 : vector<8x2048xf32>
      %sub3A_1198 = arith.constant 1.000000e+00 : f32
      %sub3A_1199 = vector.broadcast %sub3A_1198 : f32 to vector<8x2048xf32>
      %sub3A_1200 = arith.subf %sub3A_1199, %mul3A_1196 : vector<8x2048xf32>
      %max3A_1201 = arith.constant 1.17549435E-38 : f32
      %max3A_1202 = vector.broadcast %max3A_1201 : f32 to vector<8x2048xf32>
      %max3A_1203 = arith.maximumf %sub3A_1200, %max3A_1202 : vector<8x2048xf32>
      %mul3A_1204 = arith.mulf %mul3A_1164, %max3A_1203 : vector<8x2048xf32>
      %mul3A_1205 = arith.mulf %mul3A_1164, %mul3A_1164 : vector<8x2048xf32>
      %mul3A_1206 = arith.mulf %mul3A_1205, %mul3A_1164 : vector<8x2048xf32>
      %mul3A_1207 = arith.mulf %mul3A_1205, %mul3A_1205 : vector<8x2048xf32>
      %reduce_sum3A_1208 = arith.constant dense<0.000000e+00> : vector<8xf32>
      %reduce_sum3A_1209 = vector.multi_reduction <add>, %mul3A_1205, %reduce_sum3A_1208 [1] : vector<8x2048xf32> to vector<8xf32>
      %broadcast_in_dim3A_1210 = vector.shape_cast %reduce_sum3A_1209 : vector<8xf32> to vector<8x1xf32>
      %reduce_sum3A_1211 = arith.constant dense<0.000000e+00> : vector<8xf32>
      %reduce_sum3A_1212 = vector.multi_reduction <add>, %mul3A_1206, %reduce_sum3A_1211 [1] : vector<8x2048xf32> to vector<8xf32>
      %broadcast_in_dim3A_1213 = vector.shape_cast %reduce_sum3A_1212 : vector<8xf32> to vector<8x1xf32>
      %reduce_sum3A_1214 = arith.constant dense<0.000000e+00> : vector<8xf32>
      %reduce_sum3A_1215 = vector.multi_reduction <add>, %mul3A_1207, %reduce_sum3A_1214 [1] : vector<8x2048xf32> to vector<8xf32>
      %broadcast_in_dim3A_1216 = vector.shape_cast %reduce_sum3A_1215 : vector<8xf32> to vector<8x1xf32>
      %div3A_1217 = arith.constant 1.000000e+00 : f32
      %div3A_1218 = vector.broadcast %div3A_1217 : f32 to vector<8x1xf32>
      %div3A_1219 = arith.divf %div3A_1218, %sub3A_1189 : vector<8x1xf32>
      %mul3A_1220 = arith.constant 2.000000e+00 : f32
      %mul3A_1221 = vector.broadcast %mul3A_1220 : f32 to vector<8x1xf32>
      %mul3A_1222 = arith.mulf %mul3A_1221, %div3A_1194 : vector<8x1xf32>
      %mul3A_1223 = arith.mulf %mul3A_1222, %broadcast_in_dim3A_1213 : vector<8x1xf32>
      %sub3A_1224 = arith.subf %broadcast_in_dim3A_1210, %mul3A_1223 : vector<8x1xf32>
      %mul3A_1225 = arith.mulf %div3A_1194, %div3A_1194 : vector<8x1xf32>
      %mul3A_1226 = arith.mulf %mul3A_1225, %broadcast_in_dim3A_1216 : vector<8x1xf32>
      %add3A_1227 = arith.addf %sub3A_1224, %mul3A_1226 : vector<8x1xf32>
      %mul3A_1228 = arith.mulf %div3A_1219, %add3A_1227 : vector<8x1xf32>
      %sub3A_1229 = arith.subf %sub3A_1189, %mul3A_1228 : vector<8x1xf32>
      %scan3A_1230 = arith.constant 27 : i32
      %scan3A_1231 = arith.addi %scan3A_148, %scan3A_1230 : i32
      %div3A_1232 = arith.constant 1.000000e+00 : f32
      %div3A_1233 = vector.broadcast %div3A_1232 : f32 to vector<8x1xf32>
      %div3A_1234 = arith.divf %div3A_1233, %sub3A_1189 : vector<8x1xf32>
      %mul3A_1235 = vector.broadcast %div3A_1234 : vector<8x1xf32> to vector<8x2048xf32>
      %mul3A_1236 = arith.mulf %mul3A_1204, %mul3A_1235 : vector<8x2048xf32>
      %add3A_1237 = arith.addf %add3A_1197, %mul3A_1236 : vector<8x2048xf32>
      %sub3A_1238 = arith.constant 1.000000e+00 : f32
      %sub3A_1239 = vector.broadcast %sub3A_1238 : f32 to vector<8x2048xf32>
      %sub3A_1240 = arith.subf %sub3A_1239, %mul3A_1236 : vector<8x2048xf32>
      %max3A_1241 = arith.constant 1.17549435E-38 : f32
      %max3A_1242 = vector.broadcast %max3A_1241 : f32 to vector<8x2048xf32>
      %max3A_1243 = arith.maximumf %sub3A_1240, %max3A_1242 : vector<8x2048xf32>
      %mul3A_1244 = arith.mulf %mul3A_1204, %max3A_1243 : vector<8x2048xf32>
      %mul3A_1245 = arith.mulf %mul3A_1204, %mul3A_1204 : vector<8x2048xf32>
      %mul3A_1246 = arith.mulf %mul3A_1245, %mul3A_1204 : vector<8x2048xf32>
      %mul3A_1247 = arith.mulf %mul3A_1245, %mul3A_1245 : vector<8x2048xf32>
      %reduce_sum3A_1248 = arith.constant dense<0.000000e+00> : vector<8xf32>
      %reduce_sum3A_1249 = vector.multi_reduction <add>, %mul3A_1245, %reduce_sum3A_1248 [1] : vector<8x2048xf32> to vector<8xf32>
      %broadcast_in_dim3A_1250 = vector.shape_cast %reduce_sum3A_1249 : vector<8xf32> to vector<8x1xf32>
      %reduce_sum3A_1251 = arith.constant dense<0.000000e+00> : vector<8xf32>
      %reduce_sum3A_1252 = vector.multi_reduction <add>, %mul3A_1246, %reduce_sum3A_1251 [1] : vector<8x2048xf32> to vector<8xf32>
      %broadcast_in_dim3A_1253 = vector.shape_cast %reduce_sum3A_1252 : vector<8xf32> to vector<8x1xf32>
      %reduce_sum3A_1254 = arith.constant dense<0.000000e+00> : vector<8xf32>
      %reduce_sum3A_1255 = vector.multi_reduction <add>, %mul3A_1247, %reduce_sum3A_1254 [1] : vector<8x2048xf32> to vector<8xf32>
      %broadcast_in_dim3A_1256 = vector.shape_cast %reduce_sum3A_1255 : vector<8xf32> to vector<8x1xf32>
      %div3A_1257 = arith.constant 1.000000e+00 : f32
      %div3A_1258 = vector.broadcast %div3A_1257 : f32 to vector<8x1xf32>
      %div3A_1259 = arith.divf %div3A_1258, %sub3A_1229 : vector<8x1xf32>
      %mul3A_1260 = arith.constant 2.000000e+00 : f32
      %mul3A_1261 = vector.broadcast %mul3A_1260 : f32 to vector<8x1xf32>
      %mul3A_1262 = arith.mulf %mul3A_1261, %div3A_1234 : vector<8x1xf32>
      %mul3A_1263 = arith.mulf %mul3A_1262, %broadcast_in_dim3A_1253 : vector<8x1xf32>
      %sub3A_1264 = arith.subf %broadcast_in_dim3A_1250, %mul3A_1263 : vector<8x1xf32>
      %mul3A_1265 = arith.mulf %div3A_1234, %div3A_1234 : vector<8x1xf32>
      %mul3A_1266 = arith.mulf %mul3A_1265, %broadcast_in_dim3A_1256 : vector<8x1xf32>
      %add3A_1267 = arith.addf %sub3A_1264, %mul3A_1266 : vector<8x1xf32>
      %mul3A_1268 = arith.mulf %div3A_1259, %add3A_1267 : vector<8x1xf32>
      %sub3A_1269 = arith.subf %sub3A_1229, %mul3A_1268 : vector<8x1xf32>
      %scan3A_1270 = arith.constant 28 : i32
      %scan3A_1271 = arith.addi %scan3A_148, %scan3A_1270 : i32
      %div3A_1272 = arith.constant 1.000000e+00 : f32
      %div3A_1273 = vector.broadcast %div3A_1272 : f32 to vector<8x1xf32>
      %div3A_1274 = arith.divf %div3A_1273, %sub3A_1229 : vector<8x1xf32>
      %mul3A_1275 = vector.broadcast %div3A_1274 : vector<8x1xf32> to vector<8x2048xf32>
      %mul3A_1276 = arith.mulf %mul3A_1244, %mul3A_1275 : vector<8x2048xf32>
      %add3A_1277 = arith.addf %add3A_1237, %mul3A_1276 : vector<8x2048xf32>
      %sub3A_1278 = arith.constant 1.000000e+00 : f32
      %sub3A_1279 = vector.broadcast %sub3A_1278 : f32 to vector<8x2048xf32>
      %sub3A_1280 = arith.subf %sub3A_1279, %mul3A_1276 : vector<8x2048xf32>
      %max3A_1281 = arith.constant 1.17549435E-38 : f32
      %max3A_1282 = vector.broadcast %max3A_1281 : f32 to vector<8x2048xf32>
      %max3A_1283 = arith.maximumf %sub3A_1280, %max3A_1282 : vector<8x2048xf32>
      %mul3A_1284 = arith.mulf %mul3A_1244, %max3A_1283 : vector<8x2048xf32>
      %mul3A_1285 = arith.mulf %mul3A_1244, %mul3A_1244 : vector<8x2048xf32>
      %mul3A_1286 = arith.mulf %mul3A_1285, %mul3A_1244 : vector<8x2048xf32>
      %mul3A_1287 = arith.mulf %mul3A_1285, %mul3A_1285 : vector<8x2048xf32>
      %reduce_sum3A_1288 = arith.constant dense<0.000000e+00> : vector<8xf32>
      %reduce_sum3A_1289 = vector.multi_reduction <add>, %mul3A_1285, %reduce_sum3A_1288 [1] : vector<8x2048xf32> to vector<8xf32>
      %broadcast_in_dim3A_1290 = vector.shape_cast %reduce_sum3A_1289 : vector<8xf32> to vector<8x1xf32>
      %reduce_sum3A_1291 = arith.constant dense<0.000000e+00> : vector<8xf32>
      %reduce_sum3A_1292 = vector.multi_reduction <add>, %mul3A_1286, %reduce_sum3A_1291 [1] : vector<8x2048xf32> to vector<8xf32>
      %broadcast_in_dim3A_1293 = vector.shape_cast %reduce_sum3A_1292 : vector<8xf32> to vector<8x1xf32>
      %reduce_sum3A_1294 = arith.constant dense<0.000000e+00> : vector<8xf32>
      %reduce_sum3A_1295 = vector.multi_reduction <add>, %mul3A_1287, %reduce_sum3A_1294 [1] : vector<8x2048xf32> to vector<8xf32>
      %broadcast_in_dim3A_1296 = vector.shape_cast %reduce_sum3A_1295 : vector<8xf32> to vector<8x1xf32>
      %div3A_1297 = arith.constant 1.000000e+00 : f32
      %div3A_1298 = vector.broadcast %div3A_1297 : f32 to vector<8x1xf32>
      %div3A_1299 = arith.divf %div3A_1298, %sub3A_1269 : vector<8x1xf32>
      %mul3A_1300 = arith.constant 2.000000e+00 : f32
      %mul3A_1301 = vector.broadcast %mul3A_1300 : f32 to vector<8x1xf32>
      %mul3A_1302 = arith.mulf %mul3A_1301, %div3A_1274 : vector<8x1xf32>
      %mul3A_1303 = arith.mulf %mul3A_1302, %broadcast_in_dim3A_1293 : vector<8x1xf32>
      %sub3A_1304 = arith.subf %broadcast_in_dim3A_1290, %mul3A_1303 : vector<8x1xf32>
      %mul3A_1305 = arith.mulf %div3A_1274, %div3A_1274 : vector<8x1xf32>
      %mul3A_1306 = arith.mulf %mul3A_1305, %broadcast_in_dim3A_1296 : vector<8x1xf32>
      %add3A_1307 = arith.addf %sub3A_1304, %mul3A_1306 : vector<8x1xf32>
      %mul3A_1308 = arith.mulf %div3A_1299, %add3A_1307 : vector<8x1xf32>
      %sub3A_1309 = arith.subf %sub3A_1269, %mul3A_1308 : vector<8x1xf32>
      %scan3A_1310 = arith.constant 29 : i32
      %scan3A_1311 = arith.addi %scan3A_148, %scan3A_1310 : i32
      %div3A_1312 = arith.constant 1.000000e+00 : f32
      %div3A_1313 = vector.broadcast %div3A_1312 : f32 to vector<8x1xf32>
      %div3A_1314 = arith.divf %div3A_1313, %sub3A_1269 : vector<8x1xf32>
      %mul3A_1315 = vector.broadcast %div3A_1314 : vector<8x1xf32> to vector<8x2048xf32>
      %mul3A_1316 = arith.mulf %mul3A_1284, %mul3A_1315 : vector<8x2048xf32>
      %add3A_1317 = arith.addf %add3A_1277, %mul3A_1316 : vector<8x2048xf32>
      %sub3A_1318 = arith.constant 1.000000e+00 : f32
      %sub3A_1319 = vector.broadcast %sub3A_1318 : f32 to vector<8x2048xf32>
      %sub3A_1320 = arith.subf %sub3A_1319, %mul3A_1316 : vector<8x2048xf32>
      %max3A_1321 = arith.constant 1.17549435E-38 : f32
      %max3A_1322 = vector.broadcast %max3A_1321 : f32 to vector<8x2048xf32>
      %max3A_1323 = arith.maximumf %sub3A_1320, %max3A_1322 : vector<8x2048xf32>
      %mul3A_1324 = arith.mulf %mul3A_1284, %max3A_1323 : vector<8x2048xf32>
      %mul3A_1325 = arith.mulf %mul3A_1284, %mul3A_1284 : vector<8x2048xf32>
      %mul3A_1326 = arith.mulf %mul3A_1325, %mul3A_1284 : vector<8x2048xf32>
      %mul3A_1327 = arith.mulf %mul3A_1325, %mul3A_1325 : vector<8x2048xf32>
      %reduce_sum3A_1328 = arith.constant dense<0.000000e+00> : vector<8xf32>
      %reduce_sum3A_1329 = vector.multi_reduction <add>, %mul3A_1325, %reduce_sum3A_1328 [1] : vector<8x2048xf32> to vector<8xf32>
      %broadcast_in_dim3A_1330 = vector.shape_cast %reduce_sum3A_1329 : vector<8xf32> to vector<8x1xf32>
      %reduce_sum3A_1331 = arith.constant dense<0.000000e+00> : vector<8xf32>
      %reduce_sum3A_1332 = vector.multi_reduction <add>, %mul3A_1326, %reduce_sum3A_1331 [1] : vector<8x2048xf32> to vector<8xf32>
      %broadcast_in_dim3A_1333 = vector.shape_cast %reduce_sum3A_1332 : vector<8xf32> to vector<8x1xf32>
      %reduce_sum3A_1334 = arith.constant dense<0.000000e+00> : vector<8xf32>
      %reduce_sum3A_1335 = vector.multi_reduction <add>, %mul3A_1327, %reduce_sum3A_1334 [1] : vector<8x2048xf32> to vector<8xf32>
      %broadcast_in_dim3A_1336 = vector.shape_cast %reduce_sum3A_1335 : vector<8xf32> to vector<8x1xf32>
      %div3A_1337 = arith.constant 1.000000e+00 : f32
      %div3A_1338 = vector.broadcast %div3A_1337 : f32 to vector<8x1xf32>
      %div3A_1339 = arith.divf %div3A_1338, %sub3A_1309 : vector<8x1xf32>
      %mul3A_1340 = arith.constant 2.000000e+00 : f32
      %mul3A_1341 = vector.broadcast %mul3A_1340 : f32 to vector<8x1xf32>
      %mul3A_1342 = arith.mulf %mul3A_1341, %div3A_1314 : vector<8x1xf32>
      %mul3A_1343 = arith.mulf %mul3A_1342, %broadcast_in_dim3A_1333 : vector<8x1xf32>
      %sub3A_1344 = arith.subf %broadcast_in_dim3A_1330, %mul3A_1343 : vector<8x1xf32>
      %mul3A_1345 = arith.mulf %div3A_1314, %div3A_1314 : vector<8x1xf32>
      %mul3A_1346 = arith.mulf %mul3A_1345, %broadcast_in_dim3A_1336 : vector<8x1xf32>
      %add3A_1347 = arith.addf %sub3A_1344, %mul3A_1346 : vector<8x1xf32>
      %mul3A_1348 = arith.mulf %div3A_1339, %add3A_1347 : vector<8x1xf32>
      %sub3A_1349 = arith.subf %sub3A_1309, %mul3A_1348 : vector<8x1xf32>
      %scan3A_1350 = arith.constant 30 : i32
      %scan3A_1351 = arith.addi %scan3A_148, %scan3A_1350 : i32
      %div3A_1352 = arith.constant 1.000000e+00 : f32
      %div3A_1353 = vector.broadcast %div3A_1352 : f32 to vector<8x1xf32>
      %div3A_1354 = arith.divf %div3A_1353, %sub3A_1309 : vector<8x1xf32>
      %mul3A_1355 = vector.broadcast %div3A_1354 : vector<8x1xf32> to vector<8x2048xf32>
      %mul3A_1356 = arith.mulf %mul3A_1324, %mul3A_1355 : vector<8x2048xf32>
      %add3A_1357 = arith.addf %add3A_1317, %mul3A_1356 : vector<8x2048xf32>
      %sub3A_1358 = arith.constant 1.000000e+00 : f32
      %sub3A_1359 = vector.broadcast %sub3A_1358 : f32 to vector<8x2048xf32>
      %sub3A_1360 = arith.subf %sub3A_1359, %mul3A_1356 : vector<8x2048xf32>
      %max3A_1361 = arith.constant 1.17549435E-38 : f32
      %max3A_1362 = vector.broadcast %max3A_1361 : f32 to vector<8x2048xf32>
      %max3A_1363 = arith.maximumf %sub3A_1360, %max3A_1362 : vector<8x2048xf32>
      %mul3A_1364 = arith.mulf %mul3A_1324, %max3A_1363 : vector<8x2048xf32>
      %mul3A_1365 = arith.mulf %mul3A_1324, %mul3A_1324 : vector<8x2048xf32>
      %mul3A_1366 = arith.mulf %mul3A_1365, %mul3A_1324 : vector<8x2048xf32>
      %mul3A_1367 = arith.mulf %mul3A_1365, %mul3A_1365 : vector<8x2048xf32>
      %reduce_sum3A_1368 = arith.constant dense<0.000000e+00> : vector<8xf32>
      %reduce_sum3A_1369 = vector.multi_reduction <add>, %mul3A_1365, %reduce_sum3A_1368 [1] : vector<8x2048xf32> to vector<8xf32>
      %broadcast_in_dim3A_1370 = vector.shape_cast %reduce_sum3A_1369 : vector<8xf32> to vector<8x1xf32>
      %reduce_sum3A_1371 = arith.constant dense<0.000000e+00> : vector<8xf32>
      %reduce_sum3A_1372 = vector.multi_reduction <add>, %mul3A_1366, %reduce_sum3A_1371 [1] : vector<8x2048xf32> to vector<8xf32>
      %broadcast_in_dim3A_1373 = vector.shape_cast %reduce_sum3A_1372 : vector<8xf32> to vector<8x1xf32>
      %reduce_sum3A_1374 = arith.constant dense<0.000000e+00> : vector<8xf32>
      %reduce_sum3A_1375 = vector.multi_reduction <add>, %mul3A_1367, %reduce_sum3A_1374 [1] : vector<8x2048xf32> to vector<8xf32>
      %broadcast_in_dim3A_1376 = vector.shape_cast %reduce_sum3A_1375 : vector<8xf32> to vector<8x1xf32>
      %div3A_1377 = arith.constant 1.000000e+00 : f32
      %div3A_1378 = vector.broadcast %div3A_1377 : f32 to vector<8x1xf32>
      %div3A_1379 = arith.divf %div3A_1378, %sub3A_1349 : vector<8x1xf32>
      %mul3A_1380 = arith.constant 2.000000e+00 : f32
      %mul3A_1381 = vector.broadcast %mul3A_1380 : f32 to vector<8x1xf32>
      %mul3A_1382 = arith.mulf %mul3A_1381, %div3A_1354 : vector<8x1xf32>
      %mul3A_1383 = arith.mulf %mul3A_1382, %broadcast_in_dim3A_1373 : vector<8x1xf32>
      %sub3A_1384 = arith.subf %broadcast_in_dim3A_1370, %mul3A_1383 : vector<8x1xf32>
      %mul3A_1385 = arith.mulf %div3A_1354, %div3A_1354 : vector<8x1xf32>
      %mul3A_1386 = arith.mulf %mul3A_1385, %broadcast_in_dim3A_1376 : vector<8x1xf32>
      %add3A_1387 = arith.addf %sub3A_1384, %mul3A_1386 : vector<8x1xf32>
      %mul3A_1388 = arith.mulf %div3A_1379, %add3A_1387 : vector<8x1xf32>
      %sub3A_1389 = arith.subf %sub3A_1349, %mul3A_1388 : vector<8x1xf32>
      %scan3A_1390 = arith.constant 31 : i32
      %scan3A_1391 = arith.addi %scan3A_148, %scan3A_1390 : i32
      %div3A_1392 = arith.constant 1.000000e+00 : f32
      %div3A_1393 = vector.broadcast %div3A_1392 : f32 to vector<8x1xf32>
      %div3A_1394 = arith.divf %div3A_1393, %sub3A_1349 : vector<8x1xf32>
      %mul3A_1395 = vector.broadcast %div3A_1394 : vector<8x1xf32> to vector<8x2048xf32>
      %mul3A_1396 = arith.mulf %mul3A_1364, %mul3A_1395 : vector<8x2048xf32>
      %add3A_1397 = arith.addf %add3A_1357, %mul3A_1396 : vector<8x2048xf32>
      %sub3A_1398 = arith.constant 1.000000e+00 : f32
      %sub3A_1399 = vector.broadcast %sub3A_1398 : f32 to vector<8x2048xf32>
      %sub3A_1400 = arith.subf %sub3A_1399, %mul3A_1396 : vector<8x2048xf32>
      %max3A_1401 = arith.constant 1.17549435E-38 : f32
      %max3A_1402 = vector.broadcast %max3A_1401 : f32 to vector<8x2048xf32>
      %max3A_1403 = arith.maximumf %sub3A_1400, %max3A_1402 : vector<8x2048xf32>
      %mul3A_1404 = arith.mulf %mul3A_1364, %max3A_1403 : vector<8x2048xf32>
      %mul3A_1405 = arith.mulf %mul3A_1364, %mul3A_1364 : vector<8x2048xf32>
      %mul3A_1406 = arith.mulf %mul3A_1405, %mul3A_1364 : vector<8x2048xf32>
      %mul3A_1407 = arith.mulf %mul3A_1405, %mul3A_1405 : vector<8x2048xf32>
      %reduce_sum3A_1408 = arith.constant dense<0.000000e+00> : vector<8xf32>
      %reduce_sum3A_1409 = vector.multi_reduction <add>, %mul3A_1405, %reduce_sum3A_1408 [1] : vector<8x2048xf32> to vector<8xf32>
      %broadcast_in_dim3A_1410 = vector.shape_cast %reduce_sum3A_1409 : vector<8xf32> to vector<8x1xf32>
      %reduce_sum3A_1411 = arith.constant dense<0.000000e+00> : vector<8xf32>
      %reduce_sum3A_1412 = vector.multi_reduction <add>, %mul3A_1406, %reduce_sum3A_1411 [1] : vector<8x2048xf32> to vector<8xf32>
      %broadcast_in_dim3A_1413 = vector.shape_cast %reduce_sum3A_1412 : vector<8xf32> to vector<8x1xf32>
      %reduce_sum3A_1414 = arith.constant dense<0.000000e+00> : vector<8xf32>
      %reduce_sum3A_1415 = vector.multi_reduction <add>, %mul3A_1407, %reduce_sum3A_1414 [1] : vector<8x2048xf32> to vector<8xf32>
      %broadcast_in_dim3A_1416 = vector.shape_cast %reduce_sum3A_1415 : vector<8xf32> to vector<8x1xf32>
      %div3A_1417 = arith.constant 1.000000e+00 : f32
      %div3A_1418 = vector.broadcast %div3A_1417 : f32 to vector<8x1xf32>
      %div3A_1419 = arith.divf %div3A_1418, %sub3A_1389 : vector<8x1xf32>
      %mul3A_1420 = arith.constant 2.000000e+00 : f32
      %mul3A_1421 = vector.broadcast %mul3A_1420 : f32 to vector<8x1xf32>
      %mul3A_1422 = arith.mulf %mul3A_1421, %div3A_1394 : vector<8x1xf32>
      %mul3A_1423 = arith.mulf %mul3A_1422, %broadcast_in_dim3A_1413 : vector<8x1xf32>
      %sub3A_1424 = arith.subf %broadcast_in_dim3A_1410, %mul3A_1423 : vector<8x1xf32>
      %mul3A_1425 = arith.mulf %div3A_1394, %div3A_1394 : vector<8x1xf32>
      %mul3A_1426 = arith.mulf %mul3A_1425, %broadcast_in_dim3A_1416 : vector<8x1xf32>
      %add3A_1427 = arith.addf %sub3A_1424, %mul3A_1426 : vector<8x1xf32>
      %mul3A_1428 = arith.mulf %div3A_1419, %add3A_1427 : vector<8x1xf32>
      %sub3A_1429 = arith.subf %sub3A_1389, %mul3A_1428 : vector<8x1xf32>
      %scan3A_1430 = arith.constant 32 : i32
      %scan3A_1431 = arith.addi %scan3A_148, %scan3A_1430 : i32
      %div3A_1432 = arith.constant 1.000000e+00 : f32
      %div3A_1433 = vector.broadcast %div3A_1432 : f32 to vector<8x1xf32>
      %div3A_1434 = arith.divf %div3A_1433, %sub3A_1389 : vector<8x1xf32>
      %mul3A_1435 = vector.broadcast %div3A_1434 : vector<8x1xf32> to vector<8x2048xf32>
      %mul3A_1436 = arith.mulf %mul3A_1404, %mul3A_1435 : vector<8x2048xf32>
      %add3A_1437 = arith.addf %add3A_1397, %mul3A_1436 : vector<8x2048xf32>
      %sub3A_1438 = arith.constant 1.000000e+00 : f32
      %sub3A_1439 = vector.broadcast %sub3A_1438 : f32 to vector<8x2048xf32>
      %sub3A_1440 = arith.subf %sub3A_1439, %mul3A_1436 : vector<8x2048xf32>
      %max3A_1441 = arith.constant 1.17549435E-38 : f32
      %max3A_1442 = vector.broadcast %max3A_1441 : f32 to vector<8x2048xf32>
      %max3A_1443 = arith.maximumf %sub3A_1440, %max3A_1442 : vector<8x2048xf32>
      %mul3A_1444 = arith.mulf %mul3A_1404, %max3A_1443 : vector<8x2048xf32>
      %mul3A_1445 = arith.mulf %mul3A_1404, %mul3A_1404 : vector<8x2048xf32>
      %mul3A_1446 = arith.mulf %mul3A_1445, %mul3A_1404 : vector<8x2048xf32>
      %mul3A_1447 = arith.mulf %mul3A_1445, %mul3A_1445 : vector<8x2048xf32>
      %reduce_sum3A_1448 = arith.constant dense<0.000000e+00> : vector<8xf32>
      %reduce_sum3A_1449 = vector.multi_reduction <add>, %mul3A_1445, %reduce_sum3A_1448 [1] : vector<8x2048xf32> to vector<8xf32>
      %broadcast_in_dim3A_1450 = vector.shape_cast %reduce_sum3A_1449 : vector<8xf32> to vector<8x1xf32>
      %reduce_sum3A_1451 = arith.constant dense<0.000000e+00> : vector<8xf32>
      %reduce_sum3A_1452 = vector.multi_reduction <add>, %mul3A_1446, %reduce_sum3A_1451 [1] : vector<8x2048xf32> to vector<8xf32>
      %broadcast_in_dim3A_1453 = vector.shape_cast %reduce_sum3A_1452 : vector<8xf32> to vector<8x1xf32>
      %reduce_sum3A_1454 = arith.constant dense<0.000000e+00> : vector<8xf32>
      %reduce_sum3A_1455 = vector.multi_reduction <add>, %mul3A_1447, %reduce_sum3A_1454 [1] : vector<8x2048xf32> to vector<8xf32>
      %broadcast_in_dim3A_1456 = vector.shape_cast %reduce_sum3A_1455 : vector<8xf32> to vector<8x1xf32>
      %div3A_1457 = arith.constant 1.000000e+00 : f32
      %div3A_1458 = vector.broadcast %div3A_1457 : f32 to vector<8x1xf32>
      %div3A_1459 = arith.divf %div3A_1458, %sub3A_1429 : vector<8x1xf32>
      %mul3A_1460 = arith.constant 2.000000e+00 : f32
      %mul3A_1461 = vector.broadcast %mul3A_1460 : f32 to vector<8x1xf32>
      %mul3A_1462 = arith.mulf %mul3A_1461, %div3A_1434 : vector<8x1xf32>
      %mul3A_1463 = arith.mulf %mul3A_1462, %broadcast_in_dim3A_1453 : vector<8x1xf32>
      %sub3A_1464 = arith.subf %broadcast_in_dim3A_1450, %mul3A_1463 : vector<8x1xf32>
      %mul3A_1465 = arith.mulf %div3A_1434, %div3A_1434 : vector<8x1xf32>
      %mul3A_1466 = arith.mulf %mul3A_1465, %broadcast_in_dim3A_1456 : vector<8x1xf32>
      %add3A_1467 = arith.addf %sub3A_1464, %mul3A_1466 : vector<8x1xf32>
      %mul3A_1468 = arith.mulf %div3A_1459, %add3A_1467 : vector<8x1xf32>
      %sub3A_1469 = arith.subf %sub3A_1429, %mul3A_1468 : vector<8x1xf32>
      %scan3A_1470 = arith.constant 33 : i32
      %scan3A_1471 = arith.addi %scan3A_148, %scan3A_1470 : i32
      %div3A_1472 = arith.constant 1.000000e+00 : f32
      %div3A_1473 = vector.broadcast %div3A_1472 : f32 to vector<8x1xf32>
      %div3A_1474 = arith.divf %div3A_1473, %sub3A_1429 : vector<8x1xf32>
      %mul3A_1475 = vector.broadcast %div3A_1474 : vector<8x1xf32> to vector<8x2048xf32>
      %mul3A_1476 = arith.mulf %mul3A_1444, %mul3A_1475 : vector<8x2048xf32>
      %add3A_1477 = arith.addf %add3A_1437, %mul3A_1476 : vector<8x2048xf32>
      %sub3A_1478 = arith.constant 1.000000e+00 : f32
      %sub3A_1479 = vector.broadcast %sub3A_1478 : f32 to vector<8x2048xf32>
      %sub3A_1480 = arith.subf %sub3A_1479, %mul3A_1476 : vector<8x2048xf32>
      %max3A_1481 = arith.constant 1.17549435E-38 : f32
      %max3A_1482 = vector.broadcast %max3A_1481 : f32 to vector<8x2048xf32>
      %max3A_1483 = arith.maximumf %sub3A_1480, %max3A_1482 : vector<8x2048xf32>
      %mul3A_1484 = arith.mulf %mul3A_1444, %max3A_1483 : vector<8x2048xf32>
      %mul3A_1485 = arith.mulf %mul3A_1444, %mul3A_1444 : vector<8x2048xf32>
      %mul3A_1486 = arith.mulf %mul3A_1485, %mul3A_1444 : vector<8x2048xf32>
      %mul3A_1487 = arith.mulf %mul3A_1485, %mul3A_1485 : vector<8x2048xf32>
      %reduce_sum3A_1488 = arith.constant dense<0.000000e+00> : vector<8xf32>
      %reduce_sum3A_1489 = vector.multi_reduction <add>, %mul3A_1485, %reduce_sum3A_1488 [1] : vector<8x2048xf32> to vector<8xf32>
      %broadcast_in_dim3A_1490 = vector.shape_cast %reduce_sum3A_1489 : vector<8xf32> to vector<8x1xf32>
      %reduce_sum3A_1491 = arith.constant dense<0.000000e+00> : vector<8xf32>
      %reduce_sum3A_1492 = vector.multi_reduction <add>, %mul3A_1486, %reduce_sum3A_1491 [1] : vector<8x2048xf32> to vector<8xf32>
      %broadcast_in_dim3A_1493 = vector.shape_cast %reduce_sum3A_1492 : vector<8xf32> to vector<8x1xf32>
      %reduce_sum3A_1494 = arith.constant dense<0.000000e+00> : vector<8xf32>
      %reduce_sum3A_1495 = vector.multi_reduction <add>, %mul3A_1487, %reduce_sum3A_1494 [1] : vector<8x2048xf32> to vector<8xf32>
      %broadcast_in_dim3A_1496 = vector.shape_cast %reduce_sum3A_1495 : vector<8xf32> to vector<8x1xf32>
      %div3A_1497 = arith.constant 1.000000e+00 : f32
      %div3A_1498 = vector.broadcast %div3A_1497 : f32 to vector<8x1xf32>
      %div3A_1499 = arith.divf %div3A_1498, %sub3A_1469 : vector<8x1xf32>
      %mul3A_1500 = arith.constant 2.000000e+00 : f32
      %mul3A_1501 = vector.broadcast %mul3A_1500 : f32 to vector<8x1xf32>
      %mul3A_1502 = arith.mulf %mul3A_1501, %div3A_1474 : vector<8x1xf32>
      %mul3A_1503 = arith.mulf %mul3A_1502, %broadcast_in_dim3A_1493 : vector<8x1xf32>
      %sub3A_1504 = arith.subf %broadcast_in_dim3A_1490, %mul3A_1503 : vector<8x1xf32>
      %mul3A_1505 = arith.mulf %div3A_1474, %div3A_1474 : vector<8x1xf32>
      %mul3A_1506 = arith.mulf %mul3A_1505, %broadcast_in_dim3A_1496 : vector<8x1xf32>
      %add3A_1507 = arith.addf %sub3A_1504, %mul3A_1506 : vector<8x1xf32>
      %mul3A_1508 = arith.mulf %div3A_1499, %add3A_1507 : vector<8x1xf32>
      %sub3A_1509 = arith.subf %sub3A_1469, %mul3A_1508 : vector<8x1xf32>
      %scan3A_1510 = arith.constant 34 : i32
      %scan3A_1511 = arith.addi %scan3A_148, %scan3A_1510 : i32
      %div3A_1512 = arith.constant 1.000000e+00 : f32
      %div3A_1513 = vector.broadcast %div3A_1512 : f32 to vector<8x1xf32>
      %div3A_1514 = arith.divf %div3A_1513, %sub3A_1469 : vector<8x1xf32>
      %mul3A_1515 = vector.broadcast %div3A_1514 : vector<8x1xf32> to vector<8x2048xf32>
      %mul3A_1516 = arith.mulf %mul3A_1484, %mul3A_1515 : vector<8x2048xf32>
      %add3A_1517 = arith.addf %add3A_1477, %mul3A_1516 : vector<8x2048xf32>
      %sub3A_1518 = arith.constant 1.000000e+00 : f32
      %sub3A_1519 = vector.broadcast %sub3A_1518 : f32 to vector<8x2048xf32>
      %sub3A_1520 = arith.subf %sub3A_1519, %mul3A_1516 : vector<8x2048xf32>
      %max3A_1521 = arith.constant 1.17549435E-38 : f32
      %max3A_1522 = vector.broadcast %max3A_1521 : f32 to vector<8x2048xf32>
      %max3A_1523 = arith.maximumf %sub3A_1520, %max3A_1522 : vector<8x2048xf32>
      %mul3A_1524 = arith.mulf %mul3A_1484, %max3A_1523 : vector<8x2048xf32>
      %mul3A_1525 = arith.mulf %mul3A_1484, %mul3A_1484 : vector<8x2048xf32>
      %mul3A_1526 = arith.mulf %mul3A_1525, %mul3A_1484 : vector<8x2048xf32>
      %mul3A_1527 = arith.mulf %mul3A_1525, %mul3A_1525 : vector<8x2048xf32>
      %reduce_sum3A_1528 = arith.constant dense<0.000000e+00> : vector<8xf32>
      %reduce_sum3A_1529 = vector.multi_reduction <add>, %mul3A_1525, %reduce_sum3A_1528 [1] : vector<8x2048xf32> to vector<8xf32>
      %broadcast_in_dim3A_1530 = vector.shape_cast %reduce_sum3A_1529 : vector<8xf32> to vector<8x1xf32>
      %reduce_sum3A_1531 = arith.constant dense<0.000000e+00> : vector<8xf32>
      %reduce_sum3A_1532 = vector.multi_reduction <add>, %mul3A_1526, %reduce_sum3A_1531 [1] : vector<8x2048xf32> to vector<8xf32>
      %broadcast_in_dim3A_1533 = vector.shape_cast %reduce_sum3A_1532 : vector<8xf32> to vector<8x1xf32>
      %reduce_sum3A_1534 = arith.constant dense<0.000000e+00> : vector<8xf32>
      %reduce_sum3A_1535 = vector.multi_reduction <add>, %mul3A_1527, %reduce_sum3A_1534 [1] : vector<8x2048xf32> to vector<8xf32>
      %broadcast_in_dim3A_1536 = vector.shape_cast %reduce_sum3A_1535 : vector<8xf32> to vector<8x1xf32>
      %div3A_1537 = arith.constant 1.000000e+00 : f32
      %div3A_1538 = vector.broadcast %div3A_1537 : f32 to vector<8x1xf32>
      %div3A_1539 = arith.divf %div3A_1538, %sub3A_1509 : vector<8x1xf32>
      %mul3A_1540 = arith.constant 2.000000e+00 : f32
      %mul3A_1541 = vector.broadcast %mul3A_1540 : f32 to vector<8x1xf32>
      %mul3A_1542 = arith.mulf %mul3A_1541, %div3A_1514 : vector<8x1xf32>
      %mul3A_1543 = arith.mulf %mul3A_1542, %broadcast_in_dim3A_1533 : vector<8x1xf32>
      %sub3A_1544 = arith.subf %broadcast_in_dim3A_1530, %mul3A_1543 : vector<8x1xf32>
      %mul3A_1545 = arith.mulf %div3A_1514, %div3A_1514 : vector<8x1xf32>
      %mul3A_1546 = arith.mulf %mul3A_1545, %broadcast_in_dim3A_1536 : vector<8x1xf32>
      %add3A_1547 = arith.addf %sub3A_1544, %mul3A_1546 : vector<8x1xf32>
      %mul3A_1548 = arith.mulf %div3A_1539, %add3A_1547 : vector<8x1xf32>
      %sub3A_1549 = arith.subf %sub3A_1509, %mul3A_1548 : vector<8x1xf32>
      %scan3A_1550 = arith.constant 35 : i32
      %scan3A_1551 = arith.addi %scan3A_148, %scan3A_1550 : i32
      %div3A_1552 = arith.constant 1.000000e+00 : f32
      %div3A_1553 = vector.broadcast %div3A_1552 : f32 to vector<8x1xf32>
      %div3A_1554 = arith.divf %div3A_1553, %sub3A_1509 : vector<8x1xf32>
      %mul3A_1555 = vector.broadcast %div3A_1554 : vector<8x1xf32> to vector<8x2048xf32>
      %mul3A_1556 = arith.mulf %mul3A_1524, %mul3A_1555 : vector<8x2048xf32>
      %add3A_1557 = arith.addf %add3A_1517, %mul3A_1556 : vector<8x2048xf32>
      %sub3A_1558 = arith.constant 1.000000e+00 : f32
      %sub3A_1559 = vector.broadcast %sub3A_1558 : f32 to vector<8x2048xf32>
      %sub3A_1560 = arith.subf %sub3A_1559, %mul3A_1556 : vector<8x2048xf32>
      %max3A_1561 = arith.constant 1.17549435E-38 : f32
      %max3A_1562 = vector.broadcast %max3A_1561 : f32 to vector<8x2048xf32>
      %max3A_1563 = arith.maximumf %sub3A_1560, %max3A_1562 : vector<8x2048xf32>
      %mul3A_1564 = arith.mulf %mul3A_1524, %max3A_1563 : vector<8x2048xf32>
      %mul3A_1565 = arith.mulf %mul3A_1524, %mul3A_1524 : vector<8x2048xf32>
      %mul3A_1566 = arith.mulf %mul3A_1565, %mul3A_1524 : vector<8x2048xf32>
      %mul3A_1567 = arith.mulf %mul3A_1565, %mul3A_1565 : vector<8x2048xf32>
      %reduce_sum3A_1568 = arith.constant dense<0.000000e+00> : vector<8xf32>
      %reduce_sum3A_1569 = vector.multi_reduction <add>, %mul3A_1565, %reduce_sum3A_1568 [1] : vector<8x2048xf32> to vector<8xf32>
      %broadcast_in_dim3A_1570 = vector.shape_cast %reduce_sum3A_1569 : vector<8xf32> to vector<8x1xf32>
      %reduce_sum3A_1571 = arith.constant dense<0.000000e+00> : vector<8xf32>
      %reduce_sum3A_1572 = vector.multi_reduction <add>, %mul3A_1566, %reduce_sum3A_1571 [1] : vector<8x2048xf32> to vector<8xf32>
      %broadcast_in_dim3A_1573 = vector.shape_cast %reduce_sum3A_1572 : vector<8xf32> to vector<8x1xf32>
      %reduce_sum3A_1574 = arith.constant dense<0.000000e+00> : vector<8xf32>
      %reduce_sum3A_1575 = vector.multi_reduction <add>, %mul3A_1567, %reduce_sum3A_1574 [1] : vector<8x2048xf32> to vector<8xf32>
      %broadcast_in_dim3A_1576 = vector.shape_cast %reduce_sum3A_1575 : vector<8xf32> to vector<8x1xf32>
      %div3A_1577 = arith.constant 1.000000e+00 : f32
      %div3A_1578 = vector.broadcast %div3A_1577 : f32 to vector<8x1xf32>
      %div3A_1579 = arith.divf %div3A_1578, %sub3A_1549 : vector<8x1xf32>
      %mul3A_1580 = arith.constant 2.000000e+00 : f32
      %mul3A_1581 = vector.broadcast %mul3A_1580 : f32 to vector<8x1xf32>
      %mul3A_1582 = arith.mulf %mul3A_1581, %div3A_1554 : vector<8x1xf32>
      %mul3A_1583 = arith.mulf %mul3A_1582, %broadcast_in_dim3A_1573 : vector<8x1xf32>
      %sub3A_1584 = arith.subf %broadcast_in_dim3A_1570, %mul3A_1583 : vector<8x1xf32>
      %mul3A_1585 = arith.mulf %div3A_1554, %div3A_1554 : vector<8x1xf32>
      %mul3A_1586 = arith.mulf %mul3A_1585, %broadcast_in_dim3A_1576 : vector<8x1xf32>
      %add3A_1587 = arith.addf %sub3A_1584, %mul3A_1586 : vector<8x1xf32>
      %mul3A_1588 = arith.mulf %div3A_1579, %add3A_1587 : vector<8x1xf32>
      %sub3A_1589 = arith.subf %sub3A_1549, %mul3A_1588 : vector<8x1xf32>
      %scan3A_1590 = arith.constant 36 : i32
      %scan3A_1591 = arith.addi %scan3A_148, %scan3A_1590 : i32
      %div3A_1592 = arith.constant 1.000000e+00 : f32
      %div3A_1593 = vector.broadcast %div3A_1592 : f32 to vector<8x1xf32>
      %div3A_1594 = arith.divf %div3A_1593, %sub3A_1549 : vector<8x1xf32>
      %mul3A_1595 = vector.broadcast %div3A_1594 : vector<8x1xf32> to vector<8x2048xf32>
      %mul3A_1596 = arith.mulf %mul3A_1564, %mul3A_1595 : vector<8x2048xf32>
      %add3A_1597 = arith.addf %add3A_1557, %mul3A_1596 : vector<8x2048xf32>
      %sub3A_1598 = arith.constant 1.000000e+00 : f32
      %sub3A_1599 = vector.broadcast %sub3A_1598 : f32 to vector<8x2048xf32>
      %sub3A_1600 = arith.subf %sub3A_1599, %mul3A_1596 : vector<8x2048xf32>
      %max3A_1601 = arith.constant 1.17549435E-38 : f32
      %max3A_1602 = vector.broadcast %max3A_1601 : f32 to vector<8x2048xf32>
      %max3A_1603 = arith.maximumf %sub3A_1600, %max3A_1602 : vector<8x2048xf32>
      %mul3A_1604 = arith.mulf %mul3A_1564, %max3A_1603 : vector<8x2048xf32>
      %mul3A_1605 = arith.mulf %mul3A_1564, %mul3A_1564 : vector<8x2048xf32>
      %mul3A_1606 = arith.mulf %mul3A_1605, %mul3A_1564 : vector<8x2048xf32>
      %mul3A_1607 = arith.mulf %mul3A_1605, %mul3A_1605 : vector<8x2048xf32>
      %reduce_sum3A_1608 = arith.constant dense<0.000000e+00> : vector<8xf32>
      %reduce_sum3A_1609 = vector.multi_reduction <add>, %mul3A_1605, %reduce_sum3A_1608 [1] : vector<8x2048xf32> to vector<8xf32>
      %broadcast_in_dim3A_1610 = vector.shape_cast %reduce_sum3A_1609 : vector<8xf32> to vector<8x1xf32>
      %reduce_sum3A_1611 = arith.constant dense<0.000000e+00> : vector<8xf32>
      %reduce_sum3A_1612 = vector.multi_reduction <add>, %mul3A_1606, %reduce_sum3A_1611 [1] : vector<8x2048xf32> to vector<8xf32>
      %broadcast_in_dim3A_1613 = vector.shape_cast %reduce_sum3A_1612 : vector<8xf32> to vector<8x1xf32>
      %reduce_sum3A_1614 = arith.constant dense<0.000000e+00> : vector<8xf32>
      %reduce_sum3A_1615 = vector.multi_reduction <add>, %mul3A_1607, %reduce_sum3A_1614 [1] : vector<8x2048xf32> to vector<8xf32>
      %broadcast_in_dim3A_1616 = vector.shape_cast %reduce_sum3A_1615 : vector<8xf32> to vector<8x1xf32>
      %div3A_1617 = arith.constant 1.000000e+00 : f32
      %div3A_1618 = vector.broadcast %div3A_1617 : f32 to vector<8x1xf32>
      %div3A_1619 = arith.divf %div3A_1618, %sub3A_1589 : vector<8x1xf32>
      %mul3A_1620 = arith.constant 2.000000e+00 : f32
      %mul3A_1621 = vector.broadcast %mul3A_1620 : f32 to vector<8x1xf32>
      %mul3A_1622 = arith.mulf %mul3A_1621, %div3A_1594 : vector<8x1xf32>
      %mul3A_1623 = arith.mulf %mul3A_1622, %broadcast_in_dim3A_1613 : vector<8x1xf32>
      %sub3A_1624 = arith.subf %broadcast_in_dim3A_1610, %mul3A_1623 : vector<8x1xf32>
      %mul3A_1625 = arith.mulf %div3A_1594, %div3A_1594 : vector<8x1xf32>
      %mul3A_1626 = arith.mulf %mul3A_1625, %broadcast_in_dim3A_1616 : vector<8x1xf32>
      %add3A_1627 = arith.addf %sub3A_1624, %mul3A_1626 : vector<8x1xf32>
      %mul3A_1628 = arith.mulf %div3A_1619, %add3A_1627 : vector<8x1xf32>
      %sub3A_1629 = arith.subf %sub3A_1589, %mul3A_1628 : vector<8x1xf32>
      %scan3A_1630 = arith.constant 37 : i32
      %scan3A_1631 = arith.addi %scan3A_148, %scan3A_1630 : i32
      %div3A_1632 = arith.constant 1.000000e+00 : f32
      %div3A_1633 = vector.broadcast %div3A_1632 : f32 to vector<8x1xf32>
      %div3A_1634 = arith.divf %div3A_1633, %sub3A_1589 : vector<8x1xf32>
      %mul3A_1635 = vector.broadcast %div3A_1634 : vector<8x1xf32> to vector<8x2048xf32>
      %mul3A_1636 = arith.mulf %mul3A_1604, %mul3A_1635 : vector<8x2048xf32>
      %add3A_1637 = arith.addf %add3A_1597, %mul3A_1636 : vector<8x2048xf32>
      %sub3A_1638 = arith.constant 1.000000e+00 : f32
      %sub3A_1639 = vector.broadcast %sub3A_1638 : f32 to vector<8x2048xf32>
      %sub3A_1640 = arith.subf %sub3A_1639, %mul3A_1636 : vector<8x2048xf32>
      %max3A_1641 = arith.constant 1.17549435E-38 : f32
      %max3A_1642 = vector.broadcast %max3A_1641 : f32 to vector<8x2048xf32>
      %max3A_1643 = arith.maximumf %sub3A_1640, %max3A_1642 : vector<8x2048xf32>
      %mul3A_1644 = arith.mulf %mul3A_1604, %max3A_1643 : vector<8x2048xf32>
      %mul3A_1645 = arith.mulf %mul3A_1604, %mul3A_1604 : vector<8x2048xf32>
      %mul3A_1646 = arith.mulf %mul3A_1645, %mul3A_1604 : vector<8x2048xf32>
      %mul3A_1647 = arith.mulf %mul3A_1645, %mul3A_1645 : vector<8x2048xf32>
      %reduce_sum3A_1648 = arith.constant dense<0.000000e+00> : vector<8xf32>
      %reduce_sum3A_1649 = vector.multi_reduction <add>, %mul3A_1645, %reduce_sum3A_1648 [1] : vector<8x2048xf32> to vector<8xf32>
      %broadcast_in_dim3A_1650 = vector.shape_cast %reduce_sum3A_1649 : vector<8xf32> to vector<8x1xf32>
      %reduce_sum3A_1651 = arith.constant dense<0.000000e+00> : vector<8xf32>
      %reduce_sum3A_1652 = vector.multi_reduction <add>, %mul3A_1646, %reduce_sum3A_1651 [1] : vector<8x2048xf32> to vector<8xf32>
      %broadcast_in_dim3A_1653 = vector.shape_cast %reduce_sum3A_1652 : vector<8xf32> to vector<8x1xf32>
      %reduce_sum3A_1654 = arith.constant dense<0.000000e+00> : vector<8xf32>
      %reduce_sum3A_1655 = vector.multi_reduction <add>, %mul3A_1647, %reduce_sum3A_1654 [1] : vector<8x2048xf32> to vector<8xf32>
      %broadcast_in_dim3A_1656 = vector.shape_cast %reduce_sum3A_1655 : vector<8xf32> to vector<8x1xf32>
      %div3A_1657 = arith.constant 1.000000e+00 : f32
      %div3A_1658 = vector.broadcast %div3A_1657 : f32 to vector<8x1xf32>
      %div3A_1659 = arith.divf %div3A_1658, %sub3A_1629 : vector<8x1xf32>
      %mul3A_1660 = arith.constant 2.000000e+00 : f32
      %mul3A_1661 = vector.broadcast %mul3A_1660 : f32 to vector<8x1xf32>
      %mul3A_1662 = arith.mulf %mul3A_1661, %div3A_1634 : vector<8x1xf32>
      %mul3A_1663 = arith.mulf %mul3A_1662, %broadcast_in_dim3A_1653 : vector<8x1xf32>
      %sub3A_1664 = arith.subf %broadcast_in_dim3A_1650, %mul3A_1663 : vector<8x1xf32>
      %mul3A_1665 = arith.mulf %div3A_1634, %div3A_1634 : vector<8x1xf32>
      %mul3A_1666 = arith.mulf %mul3A_1665, %broadcast_in_dim3A_1656 : vector<8x1xf32>
      %add3A_1667 = arith.addf %sub3A_1664, %mul3A_1666 : vector<8x1xf32>
      %mul3A_1668 = arith.mulf %div3A_1659, %add3A_1667 : vector<8x1xf32>
      %sub3A_1669 = arith.subf %sub3A_1629, %mul3A_1668 : vector<8x1xf32>
      %scan3A_1670 = arith.constant 38 : i32
      %scan3A_1671 = arith.addi %scan3A_148, %scan3A_1670 : i32
      %div3A_1672 = arith.constant 1.000000e+00 : f32
      %div3A_1673 = vector.broadcast %div3A_1672 : f32 to vector<8x1xf32>
      %div3A_1674 = arith.divf %div3A_1673, %sub3A_1629 : vector<8x1xf32>
      %mul3A_1675 = vector.broadcast %div3A_1674 : vector<8x1xf32> to vector<8x2048xf32>
      %mul3A_1676 = arith.mulf %mul3A_1644, %mul3A_1675 : vector<8x2048xf32>
      %add3A_1677 = arith.addf %add3A_1637, %mul3A_1676 : vector<8x2048xf32>
      %sub3A_1678 = arith.constant 1.000000e+00 : f32
      %sub3A_1679 = vector.broadcast %sub3A_1678 : f32 to vector<8x2048xf32>
      %sub3A_1680 = arith.subf %sub3A_1679, %mul3A_1676 : vector<8x2048xf32>
      %max3A_1681 = arith.constant 1.17549435E-38 : f32
      %max3A_1682 = vector.broadcast %max3A_1681 : f32 to vector<8x2048xf32>
      %max3A_1683 = arith.maximumf %sub3A_1680, %max3A_1682 : vector<8x2048xf32>
      %mul3A_1684 = arith.mulf %mul3A_1644, %max3A_1683 : vector<8x2048xf32>
      %mul3A_1685 = arith.mulf %mul3A_1644, %mul3A_1644 : vector<8x2048xf32>
      %mul3A_1686 = arith.mulf %mul3A_1685, %mul3A_1644 : vector<8x2048xf32>
      %mul3A_1687 = arith.mulf %mul3A_1685, %mul3A_1685 : vector<8x2048xf32>
      %reduce_sum3A_1688 = arith.constant dense<0.000000e+00> : vector<8xf32>
      %reduce_sum3A_1689 = vector.multi_reduction <add>, %mul3A_1685, %reduce_sum3A_1688 [1] : vector<8x2048xf32> to vector<8xf32>
      %broadcast_in_dim3A_1690 = vector.shape_cast %reduce_sum3A_1689 : vector<8xf32> to vector<8x1xf32>
      %reduce_sum3A_1691 = arith.constant dense<0.000000e+00> : vector<8xf32>
      %reduce_sum3A_1692 = vector.multi_reduction <add>, %mul3A_1686, %reduce_sum3A_1691 [1] : vector<8x2048xf32> to vector<8xf32>
      %broadcast_in_dim3A_1693 = vector.shape_cast %reduce_sum3A_1692 : vector<8xf32> to vector<8x1xf32>
      %reduce_sum3A_1694 = arith.constant dense<0.000000e+00> : vector<8xf32>
      %reduce_sum3A_1695 = vector.multi_reduction <add>, %mul3A_1687, %reduce_sum3A_1694 [1] : vector<8x2048xf32> to vector<8xf32>
      %broadcast_in_dim3A_1696 = vector.shape_cast %reduce_sum3A_1695 : vector<8xf32> to vector<8x1xf32>
      %div3A_1697 = arith.constant 1.000000e+00 : f32
      %div3A_1698 = vector.broadcast %div3A_1697 : f32 to vector<8x1xf32>
      %div3A_1699 = arith.divf %div3A_1698, %sub3A_1669 : vector<8x1xf32>
      %mul3A_1700 = arith.constant 2.000000e+00 : f32
      %mul3A_1701 = vector.broadcast %mul3A_1700 : f32 to vector<8x1xf32>
      %mul3A_1702 = arith.mulf %mul3A_1701, %div3A_1674 : vector<8x1xf32>
      %mul3A_1703 = arith.mulf %mul3A_1702, %broadcast_in_dim3A_1693 : vector<8x1xf32>
      %sub3A_1704 = arith.subf %broadcast_in_dim3A_1690, %mul3A_1703 : vector<8x1xf32>
      %mul3A_1705 = arith.mulf %div3A_1674, %div3A_1674 : vector<8x1xf32>
      %mul3A_1706 = arith.mulf %mul3A_1705, %broadcast_in_dim3A_1696 : vector<8x1xf32>
      %add3A_1707 = arith.addf %sub3A_1704, %mul3A_1706 : vector<8x1xf32>
      %mul3A_1708 = arith.mulf %div3A_1699, %add3A_1707 : vector<8x1xf32>
      %sub3A_1709 = arith.subf %sub3A_1669, %mul3A_1708 : vector<8x1xf32>
      %scan3A_1710 = arith.constant 39 : i32
      %scan3A_1711 = arith.addi %scan3A_148, %scan3A_1710 : i32
      %div3A_1712 = arith.constant 1.000000e+00 : f32
      %div3A_1713 = vector.broadcast %div3A_1712 : f32 to vector<8x1xf32>
      %div3A_1714 = arith.divf %div3A_1713, %sub3A_1669 : vector<8x1xf32>
      %mul3A_1715 = vector.broadcast %div3A_1714 : vector<8x1xf32> to vector<8x2048xf32>
      %mul3A_1716 = arith.mulf %mul3A_1684, %mul3A_1715 : vector<8x2048xf32>
      %add3A_1717 = arith.addf %add3A_1677, %mul3A_1716 : vector<8x2048xf32>
      %sub3A_1718 = arith.constant 1.000000e+00 : f32
      %sub3A_1719 = vector.broadcast %sub3A_1718 : f32 to vector<8x2048xf32>
      %sub3A_1720 = arith.subf %sub3A_1719, %mul3A_1716 : vector<8x2048xf32>
      %max3A_1721 = arith.constant 1.17549435E-38 : f32
      %max3A_1722 = vector.broadcast %max3A_1721 : f32 to vector<8x2048xf32>
      %max3A_1723 = arith.maximumf %sub3A_1720, %max3A_1722 : vector<8x2048xf32>
      %mul3A_1724 = arith.mulf %mul3A_1684, %max3A_1723 : vector<8x2048xf32>
      %mul3A_1725 = arith.mulf %mul3A_1684, %mul3A_1684 : vector<8x2048xf32>
      %mul3A_1726 = arith.mulf %mul3A_1725, %mul3A_1684 : vector<8x2048xf32>
      %mul3A_1727 = arith.mulf %mul3A_1725, %mul3A_1725 : vector<8x2048xf32>
      %reduce_sum3A_1728 = arith.constant dense<0.000000e+00> : vector<8xf32>
      %reduce_sum3A_1729 = vector.multi_reduction <add>, %mul3A_1725, %reduce_sum3A_1728 [1] : vector<8x2048xf32> to vector<8xf32>
      %broadcast_in_dim3A_1730 = vector.shape_cast %reduce_sum3A_1729 : vector<8xf32> to vector<8x1xf32>
      %reduce_sum3A_1731 = arith.constant dense<0.000000e+00> : vector<8xf32>
      %reduce_sum3A_1732 = vector.multi_reduction <add>, %mul3A_1726, %reduce_sum3A_1731 [1] : vector<8x2048xf32> to vector<8xf32>
      %broadcast_in_dim3A_1733 = vector.shape_cast %reduce_sum3A_1732 : vector<8xf32> to vector<8x1xf32>
      %reduce_sum3A_1734 = arith.constant dense<0.000000e+00> : vector<8xf32>
      %reduce_sum3A_1735 = vector.multi_reduction <add>, %mul3A_1727, %reduce_sum3A_1734 [1] : vector<8x2048xf32> to vector<8xf32>
      %broadcast_in_dim3A_1736 = vector.shape_cast %reduce_sum3A_1735 : vector<8xf32> to vector<8x1xf32>
      %div3A_1737 = arith.constant 1.000000e+00 : f32
      %div3A_1738 = vector.broadcast %div3A_1737 : f32 to vector<8x1xf32>
      %div3A_1739 = arith.divf %div3A_1738, %sub3A_1709 : vector<8x1xf32>
      %mul3A_1740 = arith.constant 2.000000e+00 : f32
      %mul3A_1741 = vector.broadcast %mul3A_1740 : f32 to vector<8x1xf32>
      %mul3A_1742 = arith.mulf %mul3A_1741, %div3A_1714 : vector<8x1xf32>
      %mul3A_1743 = arith.mulf %mul3A_1742, %broadcast_in_dim3A_1733 : vector<8x1xf32>
      %sub3A_1744 = arith.subf %broadcast_in_dim3A_1730, %mul3A_1743 : vector<8x1xf32>
      %mul3A_1745 = arith.mulf %div3A_1714, %div3A_1714 : vector<8x1xf32>
      %mul3A_1746 = arith.mulf %mul3A_1745, %broadcast_in_dim3A_1736 : vector<8x1xf32>
      %add3A_1747 = arith.addf %sub3A_1744, %mul3A_1746 : vector<8x1xf32>
      %mul3A_1748 = arith.mulf %div3A_1739, %add3A_1747 : vector<8x1xf32>
      %sub3A_1749 = arith.subf %sub3A_1709, %mul3A_1748 : vector<8x1xf32>
      %scan3A_1750 = arith.constant 40 : i32
      %scan3A_1751 = arith.addi %scan3A_148, %scan3A_1750 : i32
      %div3A_1752 = arith.constant 1.000000e+00 : f32
      %div3A_1753 = vector.broadcast %div3A_1752 : f32 to vector<8x1xf32>
      %div3A_1754 = arith.divf %div3A_1753, %sub3A_1709 : vector<8x1xf32>
      %mul3A_1755 = vector.broadcast %div3A_1754 : vector<8x1xf32> to vector<8x2048xf32>
      %mul3A_1756 = arith.mulf %mul3A_1724, %mul3A_1755 : vector<8x2048xf32>
      %add3A_1757 = arith.addf %add3A_1717, %mul3A_1756 : vector<8x2048xf32>
      %sub3A_1758 = arith.constant 1.000000e+00 : f32
      %sub3A_1759 = vector.broadcast %sub3A_1758 : f32 to vector<8x2048xf32>
      %sub3A_1760 = arith.subf %sub3A_1759, %mul3A_1756 : vector<8x2048xf32>
      %max3A_1761 = arith.constant 1.17549435E-38 : f32
      %max3A_1762 = vector.broadcast %max3A_1761 : f32 to vector<8x2048xf32>
      %max3A_1763 = arith.maximumf %sub3A_1760, %max3A_1762 : vector<8x2048xf32>
      %mul3A_1764 = arith.mulf %mul3A_1724, %max3A_1763 : vector<8x2048xf32>
      %mul3A_1765 = arith.mulf %mul3A_1724, %mul3A_1724 : vector<8x2048xf32>
      %mul3A_1766 = arith.mulf %mul3A_1765, %mul3A_1724 : vector<8x2048xf32>
      %mul3A_1767 = arith.mulf %mul3A_1765, %mul3A_1765 : vector<8x2048xf32>
      %reduce_sum3A_1768 = arith.constant dense<0.000000e+00> : vector<8xf32>
      %reduce_sum3A_1769 = vector.multi_reduction <add>, %mul3A_1765, %reduce_sum3A_1768 [1] : vector<8x2048xf32> to vector<8xf32>
      %broadcast_in_dim3A_1770 = vector.shape_cast %reduce_sum3A_1769 : vector<8xf32> to vector<8x1xf32>
      %reduce_sum3A_1771 = arith.constant dense<0.000000e+00> : vector<8xf32>
      %reduce_sum3A_1772 = vector.multi_reduction <add>, %mul3A_1766, %reduce_sum3A_1771 [1] : vector<8x2048xf32> to vector<8xf32>
      %broadcast_in_dim3A_1773 = vector.shape_cast %reduce_sum3A_1772 : vector<8xf32> to vector<8x1xf32>
      %reduce_sum3A_1774 = arith.constant dense<0.000000e+00> : vector<8xf32>
      %reduce_sum3A_1775 = vector.multi_reduction <add>, %mul3A_1767, %reduce_sum3A_1774 [1] : vector<8x2048xf32> to vector<8xf32>
      %broadcast_in_dim3A_1776 = vector.shape_cast %reduce_sum3A_1775 : vector<8xf32> to vector<8x1xf32>
      %div3A_1777 = arith.constant 1.000000e+00 : f32
      %div3A_1778 = vector.broadcast %div3A_1777 : f32 to vector<8x1xf32>
      %div3A_1779 = arith.divf %div3A_1778, %sub3A_1749 : vector<8x1xf32>
      %mul3A_1780 = arith.constant 2.000000e+00 : f32
      %mul3A_1781 = vector.broadcast %mul3A_1780 : f32 to vector<8x1xf32>
      %mul3A_1782 = arith.mulf %mul3A_1781, %div3A_1754 : vector<8x1xf32>
      %mul3A_1783 = arith.mulf %mul3A_1782, %broadcast_in_dim3A_1773 : vector<8x1xf32>
      %sub3A_1784 = arith.subf %broadcast_in_dim3A_1770, %mul3A_1783 : vector<8x1xf32>
      %mul3A_1785 = arith.mulf %div3A_1754, %div3A_1754 : vector<8x1xf32>
      %mul3A_1786 = arith.mulf %mul3A_1785, %broadcast_in_dim3A_1776 : vector<8x1xf32>
      %add3A_1787 = arith.addf %sub3A_1784, %mul3A_1786 : vector<8x1xf32>
      %mul3A_1788 = arith.mulf %div3A_1779, %add3A_1787 : vector<8x1xf32>
      %sub3A_1789 = arith.subf %sub3A_1749, %mul3A_1788 : vector<8x1xf32>
      %scan3A_1790 = arith.constant 41 : i32
      %scan3A_1791 = arith.addi %scan3A_148, %scan3A_1790 : i32
      %div3A_1792 = arith.constant 1.000000e+00 : f32
      %div3A_1793 = vector.broadcast %div3A_1792 : f32 to vector<8x1xf32>
      %div3A_1794 = arith.divf %div3A_1793, %sub3A_1749 : vector<8x1xf32>
      %mul3A_1795 = vector.broadcast %div3A_1794 : vector<8x1xf32> to vector<8x2048xf32>
      %mul3A_1796 = arith.mulf %mul3A_1764, %mul3A_1795 : vector<8x2048xf32>
      %add3A_1797 = arith.addf %add3A_1757, %mul3A_1796 : vector<8x2048xf32>
      %sub3A_1798 = arith.constant 1.000000e+00 : f32
      %sub3A_1799 = vector.broadcast %sub3A_1798 : f32 to vector<8x2048xf32>
      %sub3A_1800 = arith.subf %sub3A_1799, %mul3A_1796 : vector<8x2048xf32>
      %max3A_1801 = arith.constant 1.17549435E-38 : f32
      %max3A_1802 = vector.broadcast %max3A_1801 : f32 to vector<8x2048xf32>
      %max3A_1803 = arith.maximumf %sub3A_1800, %max3A_1802 : vector<8x2048xf32>
      %mul3A_1804 = arith.mulf %mul3A_1764, %max3A_1803 : vector<8x2048xf32>
      %mul3A_1805 = arith.mulf %mul3A_1764, %mul3A_1764 : vector<8x2048xf32>
      %mul3A_1806 = arith.mulf %mul3A_1805, %mul3A_1764 : vector<8x2048xf32>
      %mul3A_1807 = arith.mulf %mul3A_1805, %mul3A_1805 : vector<8x2048xf32>
      %reduce_sum3A_1808 = arith.constant dense<0.000000e+00> : vector<8xf32>
      %reduce_sum3A_1809 = vector.multi_reduction <add>, %mul3A_1805, %reduce_sum3A_1808 [1] : vector<8x2048xf32> to vector<8xf32>
      %broadcast_in_dim3A_1810 = vector.shape_cast %reduce_sum3A_1809 : vector<8xf32> to vector<8x1xf32>
      %reduce_sum3A_1811 = arith.constant dense<0.000000e+00> : vector<8xf32>
      %reduce_sum3A_1812 = vector.multi_reduction <add>, %mul3A_1806, %reduce_sum3A_1811 [1] : vector<8x2048xf32> to vector<8xf32>
      %broadcast_in_dim3A_1813 = vector.shape_cast %reduce_sum3A_1812 : vector<8xf32> to vector<8x1xf32>
      %reduce_sum3A_1814 = arith.constant dense<0.000000e+00> : vector<8xf32>
      %reduce_sum3A_1815 = vector.multi_reduction <add>, %mul3A_1807, %reduce_sum3A_1814 [1] : vector<8x2048xf32> to vector<8xf32>
      %broadcast_in_dim3A_1816 = vector.shape_cast %reduce_sum3A_1815 : vector<8xf32> to vector<8x1xf32>
      %div3A_1817 = arith.constant 1.000000e+00 : f32
      %div3A_1818 = vector.broadcast %div3A_1817 : f32 to vector<8x1xf32>
      %div3A_1819 = arith.divf %div3A_1818, %sub3A_1789 : vector<8x1xf32>
      %mul3A_1820 = arith.constant 2.000000e+00 : f32
      %mul3A_1821 = vector.broadcast %mul3A_1820 : f32 to vector<8x1xf32>
      %mul3A_1822 = arith.mulf %mul3A_1821, %div3A_1794 : vector<8x1xf32>
      %mul3A_1823 = arith.mulf %mul3A_1822, %broadcast_in_dim3A_1813 : vector<8x1xf32>
      %sub3A_1824 = arith.subf %broadcast_in_dim3A_1810, %mul3A_1823 : vector<8x1xf32>
      %mul3A_1825 = arith.mulf %div3A_1794, %div3A_1794 : vector<8x1xf32>
      %mul3A_1826 = arith.mulf %mul3A_1825, %broadcast_in_dim3A_1816 : vector<8x1xf32>
      %add3A_1827 = arith.addf %sub3A_1824, %mul3A_1826 : vector<8x1xf32>
      %mul3A_1828 = arith.mulf %div3A_1819, %add3A_1827 : vector<8x1xf32>
      %sub3A_1829 = arith.subf %sub3A_1789, %mul3A_1828 : vector<8x1xf32>
      %scan3A_1830 = arith.constant 42 : i32
      %scan3A_1831 = arith.addi %scan3A_148, %scan3A_1830 : i32
      %div3A_1832 = arith.constant 1.000000e+00 : f32
      %div3A_1833 = vector.broadcast %div3A_1832 : f32 to vector<8x1xf32>
      %div3A_1834 = arith.divf %div3A_1833, %sub3A_1789 : vector<8x1xf32>
      %mul3A_1835 = vector.broadcast %div3A_1834 : vector<8x1xf32> to vector<8x2048xf32>
      %mul3A_1836 = arith.mulf %mul3A_1804, %mul3A_1835 : vector<8x2048xf32>
      %add3A_1837 = arith.addf %add3A_1797, %mul3A_1836 : vector<8x2048xf32>
      %sub3A_1838 = arith.constant 1.000000e+00 : f32
      %sub3A_1839 = vector.broadcast %sub3A_1838 : f32 to vector<8x2048xf32>
      %sub3A_1840 = arith.subf %sub3A_1839, %mul3A_1836 : vector<8x2048xf32>
      %max3A_1841 = arith.constant 1.17549435E-38 : f32
      %max3A_1842 = vector.broadcast %max3A_1841 : f32 to vector<8x2048xf32>
      %max3A_1843 = arith.maximumf %sub3A_1840, %max3A_1842 : vector<8x2048xf32>
      %mul3A_1844 = arith.mulf %mul3A_1804, %max3A_1843 : vector<8x2048xf32>
      %mul3A_1845 = arith.mulf %mul3A_1804, %mul3A_1804 : vector<8x2048xf32>
      %mul3A_1846 = arith.mulf %mul3A_1845, %mul3A_1804 : vector<8x2048xf32>
      %mul3A_1847 = arith.mulf %mul3A_1845, %mul3A_1845 : vector<8x2048xf32>
      %reduce_sum3A_1848 = arith.constant dense<0.000000e+00> : vector<8xf32>
      %reduce_sum3A_1849 = vector.multi_reduction <add>, %mul3A_1845, %reduce_sum3A_1848 [1] : vector<8x2048xf32> to vector<8xf32>
      %broadcast_in_dim3A_1850 = vector.shape_cast %reduce_sum3A_1849 : vector<8xf32> to vector<8x1xf32>
      %reduce_sum3A_1851 = arith.constant dense<0.000000e+00> : vector<8xf32>
      %reduce_sum3A_1852 = vector.multi_reduction <add>, %mul3A_1846, %reduce_sum3A_1851 [1] : vector<8x2048xf32> to vector<8xf32>
      %broadcast_in_dim3A_1853 = vector.shape_cast %reduce_sum3A_1852 : vector<8xf32> to vector<8x1xf32>
      %reduce_sum3A_1854 = arith.constant dense<0.000000e+00> : vector<8xf32>
      %reduce_sum3A_1855 = vector.multi_reduction <add>, %mul3A_1847, %reduce_sum3A_1854 [1] : vector<8x2048xf32> to vector<8xf32>
      %broadcast_in_dim3A_1856 = vector.shape_cast %reduce_sum3A_1855 : vector<8xf32> to vector<8x1xf32>
      %div3A_1857 = arith.constant 1.000000e+00 : f32
      %div3A_1858 = vector.broadcast %div3A_1857 : f32 to vector<8x1xf32>
      %div3A_1859 = arith.divf %div3A_1858, %sub3A_1829 : vector<8x1xf32>
      %mul3A_1860 = arith.constant 2.000000e+00 : f32
      %mul3A_1861 = vector.broadcast %mul3A_1860 : f32 to vector<8x1xf32>
      %mul3A_1862 = arith.mulf %mul3A_1861, %div3A_1834 : vector<8x1xf32>
      %mul3A_1863 = arith.mulf %mul3A_1862, %broadcast_in_dim3A_1853 : vector<8x1xf32>
      %sub3A_1864 = arith.subf %broadcast_in_dim3A_1850, %mul3A_1863 : vector<8x1xf32>
      %mul3A_1865 = arith.mulf %div3A_1834, %div3A_1834 : vector<8x1xf32>
      %mul3A_1866 = arith.mulf %mul3A_1865, %broadcast_in_dim3A_1856 : vector<8x1xf32>
      %add3A_1867 = arith.addf %sub3A_1864, %mul3A_1866 : vector<8x1xf32>
      %mul3A_1868 = arith.mulf %div3A_1859, %add3A_1867 : vector<8x1xf32>
      %sub3A_1869 = arith.subf %sub3A_1829, %mul3A_1868 : vector<8x1xf32>
      %scan3A_1870 = arith.constant 43 : i32
      %scan3A_1871 = arith.addi %scan3A_148, %scan3A_1870 : i32
      %div3A_1872 = arith.constant 1.000000e+00 : f32
      %div3A_1873 = vector.broadcast %div3A_1872 : f32 to vector<8x1xf32>
      %div3A_1874 = arith.divf %div3A_1873, %sub3A_1829 : vector<8x1xf32>
      %mul3A_1875 = vector.broadcast %div3A_1874 : vector<8x1xf32> to vector<8x2048xf32>
      %mul3A_1876 = arith.mulf %mul3A_1844, %mul3A_1875 : vector<8x2048xf32>
      %add3A_1877 = arith.addf %add3A_1837, %mul3A_1876 : vector<8x2048xf32>
      %sub3A_1878 = arith.constant 1.000000e+00 : f32
      %sub3A_1879 = vector.broadcast %sub3A_1878 : f32 to vector<8x2048xf32>
      %sub3A_1880 = arith.subf %sub3A_1879, %mul3A_1876 : vector<8x2048xf32>
      %max3A_1881 = arith.constant 1.17549435E-38 : f32
      %max3A_1882 = vector.broadcast %max3A_1881 : f32 to vector<8x2048xf32>
      %max3A_1883 = arith.maximumf %sub3A_1880, %max3A_1882 : vector<8x2048xf32>
      %mul3A_1884 = arith.mulf %mul3A_1844, %max3A_1883 : vector<8x2048xf32>
      %mul3A_1885 = arith.mulf %mul3A_1844, %mul3A_1844 : vector<8x2048xf32>
      %mul3A_1886 = arith.mulf %mul3A_1885, %mul3A_1844 : vector<8x2048xf32>
      %mul3A_1887 = arith.mulf %mul3A_1885, %mul3A_1885 : vector<8x2048xf32>
      %reduce_sum3A_1888 = arith.constant dense<0.000000e+00> : vector<8xf32>
      %reduce_sum3A_1889 = vector.multi_reduction <add>, %mul3A_1885, %reduce_sum3A_1888 [1] : vector<8x2048xf32> to vector<8xf32>
      %broadcast_in_dim3A_1890 = vector.shape_cast %reduce_sum3A_1889 : vector<8xf32> to vector<8x1xf32>
      %reduce_sum3A_1891 = arith.constant dense<0.000000e+00> : vector<8xf32>
      %reduce_sum3A_1892 = vector.multi_reduction <add>, %mul3A_1886, %reduce_sum3A_1891 [1] : vector<8x2048xf32> to vector<8xf32>
      %broadcast_in_dim3A_1893 = vector.shape_cast %reduce_sum3A_1892 : vector<8xf32> to vector<8x1xf32>
      %reduce_sum3A_1894 = arith.constant dense<0.000000e+00> : vector<8xf32>
      %reduce_sum3A_1895 = vector.multi_reduction <add>, %mul3A_1887, %reduce_sum3A_1894 [1] : vector<8x2048xf32> to vector<8xf32>
      %broadcast_in_dim3A_1896 = vector.shape_cast %reduce_sum3A_1895 : vector<8xf32> to vector<8x1xf32>
      %div3A_1897 = arith.constant 1.000000e+00 : f32
      %div3A_1898 = vector.broadcast %div3A_1897 : f32 to vector<8x1xf32>
      %div3A_1899 = arith.divf %div3A_1898, %sub3A_1869 : vector<8x1xf32>
      %mul3A_1900 = arith.constant 2.000000e+00 : f32
      %mul3A_1901 = vector.broadcast %mul3A_1900 : f32 to vector<8x1xf32>
      %mul3A_1902 = arith.mulf %mul3A_1901, %div3A_1874 : vector<8x1xf32>
      %mul3A_1903 = arith.mulf %mul3A_1902, %broadcast_in_dim3A_1893 : vector<8x1xf32>
      %sub3A_1904 = arith.subf %broadcast_in_dim3A_1890, %mul3A_1903 : vector<8x1xf32>
      %mul3A_1905 = arith.mulf %div3A_1874, %div3A_1874 : vector<8x1xf32>
      %mul3A_1906 = arith.mulf %mul3A_1905, %broadcast_in_dim3A_1896 : vector<8x1xf32>
      %add3A_1907 = arith.addf %sub3A_1904, %mul3A_1906 : vector<8x1xf32>
      %mul3A_1908 = arith.mulf %div3A_1899, %add3A_1907 : vector<8x1xf32>
      %sub3A_1909 = arith.subf %sub3A_1869, %mul3A_1908 : vector<8x1xf32>
      %scan3A_1910 = arith.constant 44 : i32
      %scan3A_1911 = arith.addi %scan3A_148, %scan3A_1910 : i32
      %div3A_1912 = arith.constant 1.000000e+00 : f32
      %div3A_1913 = vector.broadcast %div3A_1912 : f32 to vector<8x1xf32>
      %div3A_1914 = arith.divf %div3A_1913, %sub3A_1869 : vector<8x1xf32>
      %mul3A_1915 = vector.broadcast %div3A_1914 : vector<8x1xf32> to vector<8x2048xf32>
      %mul3A_1916 = arith.mulf %mul3A_1884, %mul3A_1915 : vector<8x2048xf32>
      %add3A_1917 = arith.addf %add3A_1877, %mul3A_1916 : vector<8x2048xf32>
      %sub3A_1918 = arith.constant 1.000000e+00 : f32
      %sub3A_1919 = vector.broadcast %sub3A_1918 : f32 to vector<8x2048xf32>
      %sub3A_1920 = arith.subf %sub3A_1919, %mul3A_1916 : vector<8x2048xf32>
      %max3A_1921 = arith.constant 1.17549435E-38 : f32
      %max3A_1922 = vector.broadcast %max3A_1921 : f32 to vector<8x2048xf32>
      %max3A_1923 = arith.maximumf %sub3A_1920, %max3A_1922 : vector<8x2048xf32>
      %mul3A_1924 = arith.mulf %mul3A_1884, %max3A_1923 : vector<8x2048xf32>
      %mul3A_1925 = arith.mulf %mul3A_1884, %mul3A_1884 : vector<8x2048xf32>
      %mul3A_1926 = arith.mulf %mul3A_1925, %mul3A_1884 : vector<8x2048xf32>
      %mul3A_1927 = arith.mulf %mul3A_1925, %mul3A_1925 : vector<8x2048xf32>
      %reduce_sum3A_1928 = arith.constant dense<0.000000e+00> : vector<8xf32>
      %reduce_sum3A_1929 = vector.multi_reduction <add>, %mul3A_1925, %reduce_sum3A_1928 [1] : vector<8x2048xf32> to vector<8xf32>
      %broadcast_in_dim3A_1930 = vector.shape_cast %reduce_sum3A_1929 : vector<8xf32> to vector<8x1xf32>
      %reduce_sum3A_1931 = arith.constant dense<0.000000e+00> : vector<8xf32>
      %reduce_sum3A_1932 = vector.multi_reduction <add>, %mul3A_1926, %reduce_sum3A_1931 [1] : vector<8x2048xf32> to vector<8xf32>
      %broadcast_in_dim3A_1933 = vector.shape_cast %reduce_sum3A_1932 : vector<8xf32> to vector<8x1xf32>
      %reduce_sum3A_1934 = arith.constant dense<0.000000e+00> : vector<8xf32>
      %reduce_sum3A_1935 = vector.multi_reduction <add>, %mul3A_1927, %reduce_sum3A_1934 [1] : vector<8x2048xf32> to vector<8xf32>
      %broadcast_in_dim3A_1936 = vector.shape_cast %reduce_sum3A_1935 : vector<8xf32> to vector<8x1xf32>
      %div3A_1937 = arith.constant 1.000000e+00 : f32
      %div3A_1938 = vector.broadcast %div3A_1937 : f32 to vector<8x1xf32>
      %div3A_1939 = arith.divf %div3A_1938, %sub3A_1909 : vector<8x1xf32>
      %mul3A_1940 = arith.constant 2.000000e+00 : f32
      %mul3A_1941 = vector.broadcast %mul3A_1940 : f32 to vector<8x1xf32>
      %mul3A_1942 = arith.mulf %mul3A_1941, %div3A_1914 : vector<8x1xf32>
      %mul3A_1943 = arith.mulf %mul3A_1942, %broadcast_in_dim3A_1933 : vector<8x1xf32>
      %sub3A_1944 = arith.subf %broadcast_in_dim3A_1930, %mul3A_1943 : vector<8x1xf32>
      %mul3A_1945 = arith.mulf %div3A_1914, %div3A_1914 : vector<8x1xf32>
      %mul3A_1946 = arith.mulf %mul3A_1945, %broadcast_in_dim3A_1936 : vector<8x1xf32>
      %add3A_1947 = arith.addf %sub3A_1944, %mul3A_1946 : vector<8x1xf32>
      %mul3A_1948 = arith.mulf %div3A_1939, %add3A_1947 : vector<8x1xf32>
      %sub3A_1949 = arith.subf %sub3A_1909, %mul3A_1948 : vector<8x1xf32>
      %scan3A_1950 = arith.constant 45 : i32
      %scan3A_1951 = arith.addi %scan3A_148, %scan3A_1950 : i32
      %div3A_1952 = arith.constant 1.000000e+00 : f32
      %div3A_1953 = vector.broadcast %div3A_1952 : f32 to vector<8x1xf32>
      %div3A_1954 = arith.divf %div3A_1953, %sub3A_1909 : vector<8x1xf32>
      %mul3A_1955 = vector.broadcast %div3A_1954 : vector<8x1xf32> to vector<8x2048xf32>
      %mul3A_1956 = arith.mulf %mul3A_1924, %mul3A_1955 : vector<8x2048xf32>
      %add3A_1957 = arith.addf %add3A_1917, %mul3A_1956 : vector<8x2048xf32>
      %sub3A_1958 = arith.constant 1.000000e+00 : f32
      %sub3A_1959 = vector.broadcast %sub3A_1958 : f32 to vector<8x2048xf32>
      %sub3A_1960 = arith.subf %sub3A_1959, %mul3A_1956 : vector<8x2048xf32>
      %max3A_1961 = arith.constant 1.17549435E-38 : f32
      %max3A_1962 = vector.broadcast %max3A_1961 : f32 to vector<8x2048xf32>
      %max3A_1963 = arith.maximumf %sub3A_1960, %max3A_1962 : vector<8x2048xf32>
      %mul3A_1964 = arith.mulf %mul3A_1924, %max3A_1963 : vector<8x2048xf32>
      %mul3A_1965 = arith.mulf %mul3A_1924, %mul3A_1924 : vector<8x2048xf32>
      %mul3A_1966 = arith.mulf %mul3A_1965, %mul3A_1924 : vector<8x2048xf32>
      %mul3A_1967 = arith.mulf %mul3A_1965, %mul3A_1965 : vector<8x2048xf32>
      %reduce_sum3A_1968 = arith.constant dense<0.000000e+00> : vector<8xf32>
      %reduce_sum3A_1969 = vector.multi_reduction <add>, %mul3A_1965, %reduce_sum3A_1968 [1] : vector<8x2048xf32> to vector<8xf32>
      %broadcast_in_dim3A_1970 = vector.shape_cast %reduce_sum3A_1969 : vector<8xf32> to vector<8x1xf32>
      %reduce_sum3A_1971 = arith.constant dense<0.000000e+00> : vector<8xf32>
      %reduce_sum3A_1972 = vector.multi_reduction <add>, %mul3A_1966, %reduce_sum3A_1971 [1] : vector<8x2048xf32> to vector<8xf32>
      %broadcast_in_dim3A_1973 = vector.shape_cast %reduce_sum3A_1972 : vector<8xf32> to vector<8x1xf32>
      %reduce_sum3A_1974 = arith.constant dense<0.000000e+00> : vector<8xf32>
      %reduce_sum3A_1975 = vector.multi_reduction <add>, %mul3A_1967, %reduce_sum3A_1974 [1] : vector<8x2048xf32> to vector<8xf32>
      %broadcast_in_dim3A_1976 = vector.shape_cast %reduce_sum3A_1975 : vector<8xf32> to vector<8x1xf32>
      %div3A_1977 = arith.constant 1.000000e+00 : f32
      %div3A_1978 = vector.broadcast %div3A_1977 : f32 to vector<8x1xf32>
      %div3A_1979 = arith.divf %div3A_1978, %sub3A_1949 : vector<8x1xf32>
      %mul3A_1980 = arith.constant 2.000000e+00 : f32
      %mul3A_1981 = vector.broadcast %mul3A_1980 : f32 to vector<8x1xf32>
      %mul3A_1982 = arith.mulf %mul3A_1981, %div3A_1954 : vector<8x1xf32>
      %mul3A_1983 = arith.mulf %mul3A_1982, %broadcast_in_dim3A_1973 : vector<8x1xf32>
      %sub3A_1984 = arith.subf %broadcast_in_dim3A_1970, %mul3A_1983 : vector<8x1xf32>
      %mul3A_1985 = arith.mulf %div3A_1954, %div3A_1954 : vector<8x1xf32>
      %mul3A_1986 = arith.mulf %mul3A_1985, %broadcast_in_dim3A_1976 : vector<8x1xf32>
      %add3A_1987 = arith.addf %sub3A_1984, %mul3A_1986 : vector<8x1xf32>
      %mul3A_1988 = arith.mulf %div3A_1979, %add3A_1987 : vector<8x1xf32>
      %sub3A_1989 = arith.subf %sub3A_1949, %mul3A_1988 : vector<8x1xf32>
      %scan3A_1990 = arith.constant 46 : i32
      %scan3A_1991 = arith.addi %scan3A_148, %scan3A_1990 : i32
      %div3A_1992 = arith.constant 1.000000e+00 : f32
      %div3A_1993 = vector.broadcast %div3A_1992 : f32 to vector<8x1xf32>
      %div3A_1994 = arith.divf %div3A_1993, %sub3A_1949 : vector<8x1xf32>
      %mul3A_1995 = vector.broadcast %div3A_1994 : vector<8x1xf32> to vector<8x2048xf32>
      %mul3A_1996 = arith.mulf %mul3A_1964, %mul3A_1995 : vector<8x2048xf32>
      %add3A_1997 = arith.addf %add3A_1957, %mul3A_1996 : vector<8x2048xf32>
      %sub3A_1998 = arith.constant 1.000000e+00 : f32
      %sub3A_1999 = vector.broadcast %sub3A_1998 : f32 to vector<8x2048xf32>
      %sub3A_2000 = arith.subf %sub3A_1999, %mul3A_1996 : vector<8x2048xf32>
      %max3A_2001 = arith.constant 1.17549435E-38 : f32
      %max3A_2002 = vector.broadcast %max3A_2001 : f32 to vector<8x2048xf32>
      %max3A_2003 = arith.maximumf %sub3A_2000, %max3A_2002 : vector<8x2048xf32>
      %mul3A_2004 = arith.mulf %mul3A_1964, %max3A_2003 : vector<8x2048xf32>
      %mul3A_2005 = arith.mulf %mul3A_1964, %mul3A_1964 : vector<8x2048xf32>
      %mul3A_2006 = arith.mulf %mul3A_2005, %mul3A_1964 : vector<8x2048xf32>
      %mul3A_2007 = arith.mulf %mul3A_2005, %mul3A_2005 : vector<8x2048xf32>
      %reduce_sum3A_2008 = arith.constant dense<0.000000e+00> : vector<8xf32>
      %reduce_sum3A_2009 = vector.multi_reduction <add>, %mul3A_2005, %reduce_sum3A_2008 [1] : vector<8x2048xf32> to vector<8xf32>
      %broadcast_in_dim3A_2010 = vector.shape_cast %reduce_sum3A_2009 : vector<8xf32> to vector<8x1xf32>
      %reduce_sum3A_2011 = arith.constant dense<0.000000e+00> : vector<8xf32>
      %reduce_sum3A_2012 = vector.multi_reduction <add>, %mul3A_2006, %reduce_sum3A_2011 [1] : vector<8x2048xf32> to vector<8xf32>
      %broadcast_in_dim3A_2013 = vector.shape_cast %reduce_sum3A_2012 : vector<8xf32> to vector<8x1xf32>
      %reduce_sum3A_2014 = arith.constant dense<0.000000e+00> : vector<8xf32>
      %reduce_sum3A_2015 = vector.multi_reduction <add>, %mul3A_2007, %reduce_sum3A_2014 [1] : vector<8x2048xf32> to vector<8xf32>
      %broadcast_in_dim3A_2016 = vector.shape_cast %reduce_sum3A_2015 : vector<8xf32> to vector<8x1xf32>
      %div3A_2017 = arith.constant 1.000000e+00 : f32
      %div3A_2018 = vector.broadcast %div3A_2017 : f32 to vector<8x1xf32>
      %div3A_2019 = arith.divf %div3A_2018, %sub3A_1989 : vector<8x1xf32>
      %mul3A_2020 = arith.constant 2.000000e+00 : f32
      %mul3A_2021 = vector.broadcast %mul3A_2020 : f32 to vector<8x1xf32>
      %mul3A_2022 = arith.mulf %mul3A_2021, %div3A_1994 : vector<8x1xf32>
      %mul3A_2023 = arith.mulf %mul3A_2022, %broadcast_in_dim3A_2013 : vector<8x1xf32>
      %sub3A_2024 = arith.subf %broadcast_in_dim3A_2010, %mul3A_2023 : vector<8x1xf32>
      %mul3A_2025 = arith.mulf %div3A_1994, %div3A_1994 : vector<8x1xf32>
      %mul3A_2026 = arith.mulf %mul3A_2025, %broadcast_in_dim3A_2016 : vector<8x1xf32>
      %add3A_2027 = arith.addf %sub3A_2024, %mul3A_2026 : vector<8x1xf32>
      %mul3A_2028 = arith.mulf %div3A_2019, %add3A_2027 : vector<8x1xf32>
      %sub3A_2029 = arith.subf %sub3A_1989, %mul3A_2028 : vector<8x1xf32>
      %scan3A_2030 = arith.constant 47 : i32
      %scan3A_2031 = arith.addi %scan3A_148, %scan3A_2030 : i32
      %div3A_2032 = arith.constant 1.000000e+00 : f32
      %div3A_2033 = vector.broadcast %div3A_2032 : f32 to vector<8x1xf32>
      %div3A_2034 = arith.divf %div3A_2033, %sub3A_1989 : vector<8x1xf32>
      %mul3A_2035 = vector.broadcast %div3A_2034 : vector<8x1xf32> to vector<8x2048xf32>
      %mul3A_2036 = arith.mulf %mul3A_2004, %mul3A_2035 : vector<8x2048xf32>
      %add3A_2037 = arith.addf %add3A_1997, %mul3A_2036 : vector<8x2048xf32>
      %sub3A_2038 = arith.constant 1.000000e+00 : f32
      %sub3A_2039 = vector.broadcast %sub3A_2038 : f32 to vector<8x2048xf32>
      %sub3A_2040 = arith.subf %sub3A_2039, %mul3A_2036 : vector<8x2048xf32>
      %max3A_2041 = arith.constant 1.17549435E-38 : f32
      %max3A_2042 = vector.broadcast %max3A_2041 : f32 to vector<8x2048xf32>
      %max3A_2043 = arith.maximumf %sub3A_2040, %max3A_2042 : vector<8x2048xf32>
      %mul3A_2044 = arith.mulf %mul3A_2004, %max3A_2043 : vector<8x2048xf32>
      %mul3A_2045 = arith.mulf %mul3A_2004, %mul3A_2004 : vector<8x2048xf32>
      %mul3A_2046 = arith.mulf %mul3A_2045, %mul3A_2004 : vector<8x2048xf32>
      %mul3A_2047 = arith.mulf %mul3A_2045, %mul3A_2045 : vector<8x2048xf32>
      %reduce_sum3A_2048 = arith.constant dense<0.000000e+00> : vector<8xf32>
      %reduce_sum3A_2049 = vector.multi_reduction <add>, %mul3A_2045, %reduce_sum3A_2048 [1] : vector<8x2048xf32> to vector<8xf32>
      %broadcast_in_dim3A_2050 = vector.shape_cast %reduce_sum3A_2049 : vector<8xf32> to vector<8x1xf32>
      %reduce_sum3A_2051 = arith.constant dense<0.000000e+00> : vector<8xf32>
      %reduce_sum3A_2052 = vector.multi_reduction <add>, %mul3A_2046, %reduce_sum3A_2051 [1] : vector<8x2048xf32> to vector<8xf32>
      %broadcast_in_dim3A_2053 = vector.shape_cast %reduce_sum3A_2052 : vector<8xf32> to vector<8x1xf32>
      %reduce_sum3A_2054 = arith.constant dense<0.000000e+00> : vector<8xf32>
      %reduce_sum3A_2055 = vector.multi_reduction <add>, %mul3A_2047, %reduce_sum3A_2054 [1] : vector<8x2048xf32> to vector<8xf32>
      %broadcast_in_dim3A_2056 = vector.shape_cast %reduce_sum3A_2055 : vector<8xf32> to vector<8x1xf32>
      %div3A_2057 = arith.constant 1.000000e+00 : f32
      %div3A_2058 = vector.broadcast %div3A_2057 : f32 to vector<8x1xf32>
      %div3A_2059 = arith.divf %div3A_2058, %sub3A_2029 : vector<8x1xf32>
      %mul3A_2060 = arith.constant 2.000000e+00 : f32
      %mul3A_2061 = vector.broadcast %mul3A_2060 : f32 to vector<8x1xf32>
      %mul3A_2062 = arith.mulf %mul3A_2061, %div3A_2034 : vector<8x1xf32>
      %mul3A_2063 = arith.mulf %mul3A_2062, %broadcast_in_dim3A_2053 : vector<8x1xf32>
      %sub3A_2064 = arith.subf %broadcast_in_dim3A_2050, %mul3A_2063 : vector<8x1xf32>
      %mul3A_2065 = arith.mulf %div3A_2034, %div3A_2034 : vector<8x1xf32>
      %mul3A_2066 = arith.mulf %mul3A_2065, %broadcast_in_dim3A_2056 : vector<8x1xf32>
      %add3A_2067 = arith.addf %sub3A_2064, %mul3A_2066 : vector<8x1xf32>
      %mul3A_2068 = arith.mulf %div3A_2059, %add3A_2067 : vector<8x1xf32>
      %sub3A_2069 = arith.subf %sub3A_2029, %mul3A_2068 : vector<8x1xf32>
      %scan3A_2070 = arith.constant 48 : i32
      %scan3A_2071 = arith.addi %scan3A_148, %scan3A_2070 : i32
      %div3A_2072 = arith.constant 1.000000e+00 : f32
      %div3A_2073 = vector.broadcast %div3A_2072 : f32 to vector<8x1xf32>
      %div3A_2074 = arith.divf %div3A_2073, %sub3A_2029 : vector<8x1xf32>
      %mul3A_2075 = vector.broadcast %div3A_2074 : vector<8x1xf32> to vector<8x2048xf32>
      %mul3A_2076 = arith.mulf %mul3A_2044, %mul3A_2075 : vector<8x2048xf32>
      %add3A_2077 = arith.addf %add3A_2037, %mul3A_2076 : vector<8x2048xf32>
      %sub3A_2078 = arith.constant 1.000000e+00 : f32
      %sub3A_2079 = vector.broadcast %sub3A_2078 : f32 to vector<8x2048xf32>
      %sub3A_2080 = arith.subf %sub3A_2079, %mul3A_2076 : vector<8x2048xf32>
      %max3A_2081 = arith.constant 1.17549435E-38 : f32
      %max3A_2082 = vector.broadcast %max3A_2081 : f32 to vector<8x2048xf32>
      %max3A_2083 = arith.maximumf %sub3A_2080, %max3A_2082 : vector<8x2048xf32>
      %mul3A_2084 = arith.mulf %mul3A_2044, %max3A_2083 : vector<8x2048xf32>
      %mul3A_2085 = arith.mulf %mul3A_2044, %mul3A_2044 : vector<8x2048xf32>
      %mul3A_2086 = arith.mulf %mul3A_2085, %mul3A_2044 : vector<8x2048xf32>
      %mul3A_2087 = arith.mulf %mul3A_2085, %mul3A_2085 : vector<8x2048xf32>
      %reduce_sum3A_2088 = arith.constant dense<0.000000e+00> : vector<8xf32>
      %reduce_sum3A_2089 = vector.multi_reduction <add>, %mul3A_2085, %reduce_sum3A_2088 [1] : vector<8x2048xf32> to vector<8xf32>
      %broadcast_in_dim3A_2090 = vector.shape_cast %reduce_sum3A_2089 : vector<8xf32> to vector<8x1xf32>
      %reduce_sum3A_2091 = arith.constant dense<0.000000e+00> : vector<8xf32>
      %reduce_sum3A_2092 = vector.multi_reduction <add>, %mul3A_2086, %reduce_sum3A_2091 [1] : vector<8x2048xf32> to vector<8xf32>
      %broadcast_in_dim3A_2093 = vector.shape_cast %reduce_sum3A_2092 : vector<8xf32> to vector<8x1xf32>
      %reduce_sum3A_2094 = arith.constant dense<0.000000e+00> : vector<8xf32>
      %reduce_sum3A_2095 = vector.multi_reduction <add>, %mul3A_2087, %reduce_sum3A_2094 [1] : vector<8x2048xf32> to vector<8xf32>
      %broadcast_in_dim3A_2096 = vector.shape_cast %reduce_sum3A_2095 : vector<8xf32> to vector<8x1xf32>
      %div3A_2097 = arith.constant 1.000000e+00 : f32
      %div3A_2098 = vector.broadcast %div3A_2097 : f32 to vector<8x1xf32>
      %div3A_2099 = arith.divf %div3A_2098, %sub3A_2069 : vector<8x1xf32>
      %mul3A_2100 = arith.constant 2.000000e+00 : f32
      %mul3A_2101 = vector.broadcast %mul3A_2100 : f32 to vector<8x1xf32>
      %mul3A_2102 = arith.mulf %mul3A_2101, %div3A_2074 : vector<8x1xf32>
      %mul3A_2103 = arith.mulf %mul3A_2102, %broadcast_in_dim3A_2093 : vector<8x1xf32>
      %sub3A_2104 = arith.subf %broadcast_in_dim3A_2090, %mul3A_2103 : vector<8x1xf32>
      %mul3A_2105 = arith.mulf %div3A_2074, %div3A_2074 : vector<8x1xf32>
      %mul3A_2106 = arith.mulf %mul3A_2105, %broadcast_in_dim3A_2096 : vector<8x1xf32>
      %add3A_2107 = arith.addf %sub3A_2104, %mul3A_2106 : vector<8x1xf32>
      %mul3A_2108 = arith.mulf %div3A_2099, %add3A_2107 : vector<8x1xf32>
      %sub3A_2109 = arith.subf %sub3A_2069, %mul3A_2108 : vector<8x1xf32>
      %scan3A_2110 = arith.constant 49 : i32
      %scan3A_2111 = arith.addi %scan3A_148, %scan3A_2110 : i32
      %div3A_2112 = arith.constant 1.000000e+00 : f32
      %div3A_2113 = vector.broadcast %div3A_2112 : f32 to vector<8x1xf32>
      %div3A_2114 = arith.divf %div3A_2113, %sub3A_2069 : vector<8x1xf32>
      %mul3A_2115 = vector.broadcast %div3A_2114 : vector<8x1xf32> to vector<8x2048xf32>
      %mul3A_2116 = arith.mulf %mul3A_2084, %mul3A_2115 : vector<8x2048xf32>
      %add3A_2117 = arith.addf %add3A_2077, %mul3A_2116 : vector<8x2048xf32>
      %sub3A_2118 = arith.constant 1.000000e+00 : f32
      %sub3A_2119 = vector.broadcast %sub3A_2118 : f32 to vector<8x2048xf32>
      %sub3A_2120 = arith.subf %sub3A_2119, %mul3A_2116 : vector<8x2048xf32>
      %max3A_2121 = arith.constant 1.17549435E-38 : f32
      %max3A_2122 = vector.broadcast %max3A_2121 : f32 to vector<8x2048xf32>
      %max3A_2123 = arith.maximumf %sub3A_2120, %max3A_2122 : vector<8x2048xf32>
      %mul3A_2124 = arith.mulf %mul3A_2084, %max3A_2123 : vector<8x2048xf32>
      %mul3A_2125 = arith.mulf %mul3A_2084, %mul3A_2084 : vector<8x2048xf32>
      %mul3A_2126 = arith.mulf %mul3A_2125, %mul3A_2084 : vector<8x2048xf32>
      %mul3A_2127 = arith.mulf %mul3A_2125, %mul3A_2125 : vector<8x2048xf32>
      %reduce_sum3A_2128 = arith.constant dense<0.000000e+00> : vector<8xf32>
      %reduce_sum3A_2129 = vector.multi_reduction <add>, %mul3A_2125, %reduce_sum3A_2128 [1] : vector<8x2048xf32> to vector<8xf32>
      %broadcast_in_dim3A_2130 = vector.shape_cast %reduce_sum3A_2129 : vector<8xf32> to vector<8x1xf32>
      %reduce_sum3A_2131 = arith.constant dense<0.000000e+00> : vector<8xf32>
      %reduce_sum3A_2132 = vector.multi_reduction <add>, %mul3A_2126, %reduce_sum3A_2131 [1] : vector<8x2048xf32> to vector<8xf32>
      %broadcast_in_dim3A_2133 = vector.shape_cast %reduce_sum3A_2132 : vector<8xf32> to vector<8x1xf32>
      %reduce_sum3A_2134 = arith.constant dense<0.000000e+00> : vector<8xf32>
      %reduce_sum3A_2135 = vector.multi_reduction <add>, %mul3A_2127, %reduce_sum3A_2134 [1] : vector<8x2048xf32> to vector<8xf32>
      %broadcast_in_dim3A_2136 = vector.shape_cast %reduce_sum3A_2135 : vector<8xf32> to vector<8x1xf32>
      %div3A_2137 = arith.constant 1.000000e+00 : f32
      %div3A_2138 = vector.broadcast %div3A_2137 : f32 to vector<8x1xf32>
      %div3A_2139 = arith.divf %div3A_2138, %sub3A_2109 : vector<8x1xf32>
      %mul3A_2140 = arith.constant 2.000000e+00 : f32
      %mul3A_2141 = vector.broadcast %mul3A_2140 : f32 to vector<8x1xf32>
      %mul3A_2142 = arith.mulf %mul3A_2141, %div3A_2114 : vector<8x1xf32>
      %mul3A_2143 = arith.mulf %mul3A_2142, %broadcast_in_dim3A_2133 : vector<8x1xf32>
      %sub3A_2144 = arith.subf %broadcast_in_dim3A_2130, %mul3A_2143 : vector<8x1xf32>
      %mul3A_2145 = arith.mulf %div3A_2114, %div3A_2114 : vector<8x1xf32>
      %mul3A_2146 = arith.mulf %mul3A_2145, %broadcast_in_dim3A_2136 : vector<8x1xf32>
      %add3A_2147 = arith.addf %sub3A_2144, %mul3A_2146 : vector<8x1xf32>
      %mul3A_2148 = arith.mulf %div3A_2139, %add3A_2147 : vector<8x1xf32>
      %sub3A_2149 = arith.subf %sub3A_2109, %mul3A_2148 : vector<8x1xf32>
      scf.yield %mul3A_2124, %sub3A_2109, %sub3A_2149, %add3A_2117 : vector<8x2048xf32>, vector<8x1xf32>, vector<8x1xf32>, vector<8x2048xf32>
    }
    %bitcast_convert_type3A = tpu.bitcast %scan3A_63#3 : vector<8x2048xf32> -> vector<8x2048xi32>
    %broadcast_in_dim3A_64 = arith.constant 0 : i32
    %broadcast_in_dim3A_65 = vector.broadcast %broadcast_in_dim3A_64 : i32 to vector<8x1xi32>
    %broadcast_in_dim3A_66 = arith.constant 2139095040 : i32
    %broadcast_in_dim3A_67 = vector.broadcast %broadcast_in_dim3A_66 : i32 to vector<8x1xi32>
    %scan3A_68 = arith.constant 0 : i32
    %scan3A_69 = arith.constant 31 : i32
    %scan3A_70 = arith.addi %scan3A_68, %scan3A_69 : i32
    %scan3A_71 = arith.constant 1 : i32
    %scan3A_72:2 = scf.for %scan3A_148 = %scan3A_68 to %scan3A_70 step %scan3A_71 iter_args(%scan3A_149 = %broadcast_in_dim3A_65, %scan3A_150 = %broadcast_in_dim3A_67) -> (vector<8x1xi32>, vector<8x1xi32>)  : i32 {
      %sub3A_151 = arith.subi %scan3A_150, %scan3A_149 : vector<8x1xi32>
      %shift_right_arithmetic3A = arith.constant 1 : i32
      %shift_right_arithmetic3A_152 = vector.broadcast %shift_right_arithmetic3A : i32 to vector<8x1xi32>
      %shift_right_arithmetic3A_153 = arith.shrsi %sub3A_151, %shift_right_arithmetic3A_152 : vector<8x1xi32>
      %add3A_154 = arith.addi %scan3A_149, %shift_right_arithmetic3A_153 : vector<8x1xi32>
      %gt3A_155 = vector.broadcast %add3A_154 : vector<8x1xi32> to vector<8x2048xi32>
      %gt3A_156 = arith.cmpi sgt, %bitcast_convert_type3A, %gt3A_155 : vector<8x2048xi32>
      %convert_element_type3A_157 = arith.extui %gt3A_156 : vector<8x2048xi1> to vector<8x2048xi32>
      %reduce_sum3A_158 = arith.constant dense<0> : vector<8xi32>
      %reduce_sum3A_159 = vector.multi_reduction <add>, %convert_element_type3A_157, %reduce_sum3A_158 [1] : vector<8x2048xi32> to vector<8xi32>
      %broadcast_in_dim3A_160 = vector.shape_cast %reduce_sum3A_159 : vector<8xi32> to vector<8x1xi32>
      %lt3A = arith.constant 1000 : i32
      %lt3A_161 = vector.broadcast %lt3A : i32 to vector<8x1xi32>
      %lt3A_162 = arith.cmpi slt, %broadcast_in_dim3A_160, %lt3A_161 : vector<8x1xi32>
      %add3A_163 = arith.constant 1 : i32
      %add3A_164 = vector.broadcast %add3A_163 : i32 to vector<8x1xi32>
      %add3A_165 = arith.addi %add3A_154, %add3A_164 : vector<8x1xi32>
      %select_n3A = arith.select %lt3A_162, %scan3A_149, %add3A_165 : vector<8x1xi1>, vector<8x1xi32>
      %select_n3A_166 = arith.select %lt3A_162, %add3A_154, %scan3A_150 : vector<8x1xi1>, vector<8x1xi32>
      scf.yield %select_n3A, %select_n3A_166 : vector<8x1xi32>, vector<8x1xi32>
    }
    %gt3A = vector.broadcast %scan3A_72#0 : vector<8x1xi32> to vector<8x2048xi32>
    %gt3A_73 = arith.cmpi sgt, %bitcast_convert_type3A, %gt3A : vector<8x2048xi32>
    %eq3A = vector.broadcast %scan3A_72#0 : vector<8x1xi32> to vector<8x2048xi32>
    %eq3A_74 = arith.cmpi eq, %bitcast_convert_type3A, %eq3A : vector<8x2048xi32>
    %convert_element_type3A = arith.extui %gt3A_73 : vector<8x2048xi1> to vector<8x2048xi32>
    %reduce_sum3A_75 = arith.constant dense<0> : vector<8xi32>
    %reduce_sum3A_76 = vector.multi_reduction <add>, %convert_element_type3A, %reduce_sum3A_75 [1] : vector<8x2048xi32> to vector<8xi32>
    %broadcast_in_dim3A_77 = vector.shape_cast %reduce_sum3A_76 : vector<8xi32> to vector<8x1xi32>
    %sub3A_78 = arith.constant 1000 : i32
    %sub3A_79 = vector.broadcast %sub3A_78 : i32 to vector<8x1xi32>
    %sub3A_80 = arith.subi %sub3A_79, %broadcast_in_dim3A_77 : vector<8x1xi32>
    %convert_element_type3A_81 = arith.extui %eq3A_74 : vector<8x2048xi1> to vector<8x2048xi32>
    %broadcast_in_dim3A_82 = arith.constant 0 : i32
    %broadcast_in_dim3A_83 = vector.broadcast %broadcast_in_dim3A_82 : i32 to vector<8x1xi32>
    %slice3A_84 = vector.extract_strided_slice %convert_element_type3A_81 {offsets = [0, 0], sizes = [8, 2047], strides = [1, 1]} : vector<8x2048xi32> to vector<8x2047xi32>
    %concatenate3A = tpu.concatenate %broadcast_in_dim3A_83, %slice3A_84 in 1 : vector<8x1xi32>, vector<8x2047xi32> -> vector<8x2048xi32>
    %add3A_85 = arith.addi %convert_element_type3A_81, %concatenate3A : vector<8x2048xi32>
    %broadcast_in_dim3A_86 = vector.shape_cast %broadcast_in_dim3A_83 : vector<8x1xi32> to vector<8x1xi32>
    %broadcast_in_dim3A_87 = vector.broadcast %broadcast_in_dim3A_86 : vector<8x1xi32> to vector<8x2xi32>
    %slice3A_88 = vector.extract_strided_slice %add3A_85 {offsets = [0, 0], sizes = [8, 2046], strides = [1, 1]} : vector<8x2048xi32> to vector<8x2046xi32>
    %concatenate3A_89 = tpu.concatenate %broadcast_in_dim3A_87, %slice3A_88 in 1 : vector<8x2xi32>, vector<8x2046xi32> -> vector<8x2048xi32>
    %add3A_90 = arith.addi %add3A_85, %concatenate3A_89 : vector<8x2048xi32>
    %broadcast_in_dim3A_91 = vector.shape_cast %broadcast_in_dim3A_83 : vector<8x1xi32> to vector<8x1xi32>
    %broadcast_in_dim3A_92 = vector.broadcast %broadcast_in_dim3A_91 : vector<8x1xi32> to vector<8x4xi32>
    %slice3A_93 = vector.extract_strided_slice %add3A_90 {offsets = [0, 0], sizes = [8, 2044], strides = [1, 1]} : vector<8x2048xi32> to vector<8x2044xi32>
    %concatenate3A_94 = tpu.concatenate %broadcast_in_dim3A_92, %slice3A_93 in 1 : vector<8x4xi32>, vector<8x2044xi32> -> vector<8x2048xi32>
    %add3A_95 = arith.addi %add3A_90, %concatenate3A_94 : vector<8x2048xi32>
    %broadcast_in_dim3A_96 = vector.shape_cast %broadcast_in_dim3A_83 : vector<8x1xi32> to vector<8x1xi32>
    %broadcast_in_dim3A_97 = vector.broadcast %broadcast_in_dim3A_96 : vector<8x1xi32> to vector<8x8xi32>
    %slice3A_98 = vector.extract_strided_slice %add3A_95 {offsets = [0, 0], sizes = [8, 2040], strides = [1, 1]} : vector<8x2048xi32> to vector<8x2040xi32>
    %concatenate3A_99 = tpu.concatenate %broadcast_in_dim3A_97, %slice3A_98 in 1 : vector<8x8xi32>, vector<8x2040xi32> -> vector<8x2048xi32>
    %add3A_100 = arith.addi %add3A_95, %concatenate3A_99 : vector<8x2048xi32>
    %broadcast_in_dim3A_101 = vector.shape_cast %broadcast_in_dim3A_83 : vector<8x1xi32> to vector<8x1xi32>
    %broadcast_in_dim3A_102 = vector.broadcast %broadcast_in_dim3A_101 : vector<8x1xi32> to vector<8x16xi32>
    %slice3A_103 = vector.extract_strided_slice %add3A_100 {offsets = [0, 0], sizes = [8, 2032], strides = [1, 1]} : vector<8x2048xi32> to vector<8x2032xi32>
    %concatenate3A_104 = tpu.concatenate %broadcast_in_dim3A_102, %slice3A_103 in 1 : vector<8x16xi32>, vector<8x2032xi32> -> vector<8x2048xi32>
    %add3A_105 = arith.addi %add3A_100, %concatenate3A_104 : vector<8x2048xi32>
    %broadcast_in_dim3A_106 = vector.shape_cast %broadcast_in_dim3A_83 : vector<8x1xi32> to vector<8x1xi32>
    %broadcast_in_dim3A_107 = vector.broadcast %broadcast_in_dim3A_106 : vector<8x1xi32> to vector<8x32xi32>
    %slice3A_108 = vector.extract_strided_slice %add3A_105 {offsets = [0, 0], sizes = [8, 2016], strides = [1, 1]} : vector<8x2048xi32> to vector<8x2016xi32>
    %concatenate3A_109 = tpu.concatenate %broadcast_in_dim3A_107, %slice3A_108 in 1 : vector<8x32xi32>, vector<8x2016xi32> -> vector<8x2048xi32>
    %add3A_110 = arith.addi %add3A_105, %concatenate3A_109 : vector<8x2048xi32>
    %broadcast_in_dim3A_111 = vector.shape_cast %broadcast_in_dim3A_83 : vector<8x1xi32> to vector<8x1xi32>
    %broadcast_in_dim3A_112 = vector.broadcast %broadcast_in_dim3A_111 : vector<8x1xi32> to vector<8x64xi32>
    %slice3A_113 = vector.extract_strided_slice %add3A_110 {offsets = [0, 0], sizes = [8, 1984], strides = [1, 1]} : vector<8x2048xi32> to vector<8x1984xi32>
    %concatenate3A_114 = tpu.concatenate %broadcast_in_dim3A_112, %slice3A_113 in 1 : vector<8x64xi32>, vector<8x1984xi32> -> vector<8x2048xi32>
    %add3A_115 = arith.addi %add3A_110, %concatenate3A_114 : vector<8x2048xi32>
    %broadcast_in_dim3A_116 = vector.shape_cast %broadcast_in_dim3A_83 : vector<8x1xi32> to vector<8x1xi32>
    %broadcast_in_dim3A_117 = vector.broadcast %broadcast_in_dim3A_116 : vector<8x1xi32> to vector<8x128xi32>
    %slice3A_118 = vector.extract_strided_slice %add3A_115 {offsets = [0, 0], sizes = [8, 1920], strides = [1, 1]} : vector<8x2048xi32> to vector<8x1920xi32>
    %concatenate3A_119 = tpu.concatenate %broadcast_in_dim3A_117, %slice3A_118 in 1 : vector<8x128xi32>, vector<8x1920xi32> -> vector<8x2048xi32>
    %add3A_120 = arith.addi %add3A_115, %concatenate3A_119 : vector<8x2048xi32>
    %broadcast_in_dim3A_121 = vector.shape_cast %broadcast_in_dim3A_83 : vector<8x1xi32> to vector<8x1xi32>
    %broadcast_in_dim3A_122 = vector.broadcast %broadcast_in_dim3A_121 : vector<8x1xi32> to vector<8x256xi32>
    %slice3A_123 = vector.extract_strided_slice %add3A_120 {offsets = [0, 0], sizes = [8, 1792], strides = [1, 1]} : vector<8x2048xi32> to vector<8x1792xi32>
    %concatenate3A_124 = tpu.concatenate %broadcast_in_dim3A_122, %slice3A_123 in 1 : vector<8x256xi32>, vector<8x1792xi32> -> vector<8x2048xi32>
    %add3A_125 = arith.addi %add3A_120, %concatenate3A_124 : vector<8x2048xi32>
    %broadcast_in_dim3A_126 = vector.shape_cast %broadcast_in_dim3A_83 : vector<8x1xi32> to vector<8x1xi32>
    %broadcast_in_dim3A_127 = vector.broadcast %broadcast_in_dim3A_126 : vector<8x1xi32> to vector<8x512xi32>
    %slice3A_128 = vector.extract_strided_slice %add3A_125 {offsets = [0, 0], sizes = [8, 1536], strides = [1, 1]} : vector<8x2048xi32> to vector<8x1536xi32>
    %concatenate3A_129 = tpu.concatenate %broadcast_in_dim3A_127, %slice3A_128 in 1 : vector<8x512xi32>, vector<8x1536xi32> -> vector<8x2048xi32>
    %add3A_130 = arith.addi %add3A_125, %concatenate3A_129 : vector<8x2048xi32>
    %broadcast_in_dim3A_131 = vector.shape_cast %broadcast_in_dim3A_83 : vector<8x1xi32> to vector<8x1xi32>
    %broadcast_in_dim3A_132 = vector.broadcast %broadcast_in_dim3A_131 : vector<8x1xi32> to vector<8x1024xi32>
    %slice3A_133 = vector.extract_strided_slice %add3A_130 {offsets = [0, 0], sizes = [8, 1024], strides = [1, 1]} : vector<8x2048xi32> to vector<8x1024xi32>
    %concatenate3A_134 = tpu.concatenate %broadcast_in_dim3A_132, %slice3A_133 in 1 : vector<8x1024xi32>, vector<8x1024xi32> -> vector<8x2048xi32>
    %add3A_135 = arith.addi %add3A_130, %concatenate3A_134 : vector<8x2048xi32>
    %le3A = vector.broadcast %sub3A_80 : vector<8x1xi32> to vector<8x2048xi32>
    %le3A_136 = arith.cmpi sle, %add3A_135, %le3A : vector<8x2048xi32>
    %and3A = arith.andi %eq3A_74, %le3A_136 : vector<8x2048xi1>
    %or3A = arith.ori %gt3A_73, %and3A : vector<8x2048xi1>
    %convert_element_type3A_137 = arith.extui %or3A : vector<8x2048xi1> to vector<8x2048xi32>
    %convert_element_type3A_138 = arith.sitofp %convert_element_type3A_137 : vector<8x2048xi32> to vector<8x2048xf32>
    %sub3A_139 = arith.subf %convert_element_type3A_138, %scan3A_63#3 : vector<8x2048xf32>
    %add3A_140 = arith.addf %sub3A_139, %scan3A_63#3 : vector<8x2048xf32>
    %swap3A_141 = arith.constant 0 : index
    %swap3A_142 = arith.constant 0 : index
    %swap3A_143 = vector.load %arg6[%swap3A_141, %swap3A_142] : memref<8x2048xf32, #tpu.memory_space<vmem>>, vector<8x2048xf32>
    tpu.vector_store %arg6[%swap3A_141, %swap3A_142], %add3A_140 {strides = array<i32>} : memref<8x2048xf32, #tpu.memory_space<vmem>>, vector<8x2048xf32>,
    %mul3A_144 = arith.mulf %sub3A_39, %add3A_140 : vector<8x2048xf32>
    %swap3A_145 = arith.constant 0 : index
    %swap3A_146 = arith.constant 0 : index
    %swap3A_147 = vector.load %arg5[%swap3A_145, %swap3A_146] : memref<8x2048xf32, #tpu.memory_space<vmem>>, vector<8x2048xf32>
    tpu.vector_store %arg5[%swap3A_145, %swap3A_146], %mul3A_144 {strides = array<i32>} : memref<8x2048xf32, #tpu.memory_space<vmem>>, vector<8x2048xf32>,
    return
  }
}

</mosaic_0001>

<sc_bundles>
// kernel: kernel.4.cloned.1.call-start
scs
__scs_entry_jumppad:
0x0: {  	(pc) =	sbr.rel $0x88, $3  }
0x1: {  	(tag) =	ssettag $0x0;
	lr =	simm.s32 $0x1  }
0x2: {  	[smem:$0x3F9C] =	sst lr;
	_ =	strace $0xD0000000  }
0x3: {  	_ = 	snop  }
0x4: {  	_ = 	snop  }
0x5: {  	_ = 	snop  }
0x6: {  	_ = 	snop  }
0x7: {  	_ = 	snop  }
__scs_overlays_trampoline_lowered:
0x8: {  	[smem:$0x3FAB] =	sst s0  }
0x9: {  	[smem:$0x3FAC] =	sst s1  }
0xa: {  	[smem:$0x3FAD] =	sst s2  }
0xb: {  	[smem:$0x3FAE] =	sst s3  }
0xc: {  	[smem:$0x3FAF] =	sst s4  }
0xd: {  	[smem:$0x3FB0] =	sst s5  }
0xe: {  	[smem:$0x3FB1] =	sst s6  }
0xf: {  	[smem:$0x3FB2] =	sst s7  }
0x10: {  	[smem:$0x3FB3] =	sst s8  }
0x11: {  	[smem:$0x3FB4] =	sst s9;
	s0 =	simm.s32 @!p0 $0x0  }
0x12: {  	s1 =	sld [smem:$0x3F9A];
	s0 =	simm.s32 @p0 $0x1  }
0x13: {  	[smem:$0x3FB5] =	sst s0;
	s0 =	simm.s32 @!p1 $0x0  }
0x14: {  	s2 =	sld [smem:$0x3F99];
	s0 =	simm.s32 @p1 $0x1  }
0x15: {  	[smem:$0x3FB6] =	sst s0;
	s0 =	simm.s32 @!p2 $0x0  }
0x16: {  	s3 =	sld [smem:$0x3FDB];
	s0 =	simm.s32 @p2 $0x1  }
0x17: {  	s4 =	simm.s32 $0x1BF5;
	[smem:$0x3FB8] =	sst s0  }
0x18: {  	s0 =	sld [smem:$0x3F9B];
	_ =	swait.ge [sflag:s4], $0x0  }
0x19: {  	s7 =	sld [smem:$0x3F9C]  }
0x1a: {  	s8 =	sadd.s32 $0xFFFFE003, lr  }
0x1b: {  	s9 =	sadd.s32 $0xFFFFFEF7, lr;
	s5 =	simm.s32 $0xFFFFFFFF;
	p2 =	slt.u32 s8, $0xFFFFF086  }
0x1c: {  	p1 =	slt.u32 s9, $0xF7A;
	s5 =	simm.s32 @!p2 $0x0  }
0x1d: {  	s5 =	simm.s32 @p1 $0x1;
	p0 =	seq.s32 s7, s2  }
0x1e: {  	s7 =	smul.u32 @!p0 $0xF7A, s2;
	p2 =	seq.s32 @!p0 s5, $0x0  }
0x1f: {  	s9 =	smul.u32 $0xF7A, s1;
	s8 =	simm.s32 @!p0 $0x1BF5;
	p2 =	por !p2, p0  }
0x20: {  	[sflag:s8] =	ssyncset.s32 @!p0 $0xFFFFF086;
	s6 =	sadd.s32 @!p0 s3, s7;
	s7 =	simm.s32 @!p0 $0x108  }
0x21: {  	s3 =	sadd.s32 s3, s9;
	s6 =	sadd.s32 @!p0 $0x88, s6;
	s7 =	simm.s32 @p2 $0x1082  }
0x22: {  	[simem:s7], [sflag:s8] =	dma.local @!p0 [hbm:s6], $0xF7A  }
0x23: {  	s9 =	sor.u32 $0xD0000000, s2;
	s6 =	simm.s32 $0x108;
	_ =	swait.ge @!p0 [sflag:s8], $0x0  }
0x24: {  	s3 =	sadd.s32 $0x88, s3;
	s6 =	simm.s32 @!p1 $0x1082;
	[sflag:s4] =	ssyncset.s32 $0xFFFFF086  }
0x25: {  	[simem:s6], [sflag:s4] =	dma.local [hbm:s3], $0xF7A  }
0x26: {  	[smem:$0x3F9C] =	sst s1;
	(tag) =	ssettag s2;
	_ =	strace s9  }
0x27: {  	s1 =	sld [smem:$0x3FAC]  }
0x28: {  	s2 =	sld [smem:$0x3FAD]  }
0x29: {  	s4 =	sld [smem:$0x3FAF]  }
0x2a: {  	p0 =	seq.s32 s5, $0x0;
	s5 =	sld [smem:$0x3FB0]  }
0x2b: {  	s6 =	sld [smem:$0x3FB1]  }
0x2c: {  	s7 =	sld [smem:$0x3FB2]  }
0x2d: {  	s3 =	simm.s32 $0x108;
	s8 =	sld [smem:$0x3FB3]  }
0x2e: {  	s3 =	simm.s32 @!p0 $0x1082;
	s9 =	sld [smem:$0x3FB4]  }
0x2f: {  	lr =	sadd.s32 s0, s3;
	s0 =	sld [smem:$0x3FAB]  }
0x30: {  	s3 =	sld [smem:$0x3FAE]  }
0x31: {  	[smem:$0x3FB7] =	sst s10  }
0x32: {  	s10 =	sld [smem:$0x3FB5];
	_ =	sdelay $0x3  }
0x33: {  	p0 =	seq.s32 s10, $0x1;
	s10 =	sld [smem:$0x3FB7];
	_ =	sdelay $0x3  }
0x34: {  	[smem:$0x3FB7] =	sst s10  }
0x35: {  	s10 =	sld [smem:$0x3FB6];
	_ =	sdelay $0x3  }
0x36: {  	p1 =	seq.s32 s10, $0x1;
	s10 =	sld [smem:$0x3FB7];
	_ =	sdelay $0x3  }
0x37: {  	[smem:$0x3FB7] =	sst s10  }
0x38: {  	s10 =	sld [smem:$0x3FB8]  }
0x39: {  	_ = 	snop;
	(pc) =	sbr.ind lr, $3  }
0x3a: {  	_ = 	snop  }
0x3b: {  	_ = 	snop  }
0x3c: {  	p2 =	seq.s32 s10, $0x1;
	s10 =	sld [smem:$0x3FB7]  }
0x3d: {  	_ =	shalt  }
0x3e: {  	_ =	shalt  }
0x3f: {  	_ =	shalt  }
0x40: {  	_ =	shalt  }
0x41: {  	_ =	shalt  }
0x42: {  	_ =	shalt  }
0x43: {  	_ =	shalt  }
0x44: {  	_ =	shalt  }
0x45: {  	_ =	shalt  }
0x46: {  	_ =	shalt  }
0x47: {  	_ =	shalt  }
0x48: {  	_ =	shalt  }
0x49: {  	_ =	shalt  }
0x4a: {  	_ =	shalt  }
0x4b: {  	_ =	shalt  }
0x4c: {  	_ =	shalt  }
0x4d: {  	_ =	shalt  }
0x4e: {  	_ =	shalt  }
0x4f: {  	_ =	shalt  }
0x50: {  	_ =	shalt  }
0x51: {  	_ =	shalt  }
0x52: {  	_ =	shalt  }
0x53: {  	_ =	shalt  }
0x54: {  	_ =	shalt  }
0x55: {  	_ =	shalt  }
0x56: {  	_ =	shalt  }
0x57: {  	_ =	shalt  }
0x58: {  	_ =	shalt  }
0x59: {  	_ =	shalt  }
0x5a: {  	_ =	shalt  }
0x5b: {  	_ =	shalt  }
0x5c: {  	_ =	shalt  }
0x5d: {  	_ =	shalt  }
0x5e: {  	_ =	shalt  }
0x5f: {  	_ =	shalt  }
0x60: {  	_ =	shalt  }
0x61: {  	_ =	shalt  }
0x62: {  	_ =	shalt  }
0x63: {  	_ =	shalt  }
0x64: {  	_ =	shalt  }
0x65: {  	_ =	shalt  }
0x66: {  	_ =	shalt  }
0x67: {  	_ =	shalt  }
0x68: {  	_ =	shalt  }
0x69: {  	_ =	shalt  }
0x6a: {  	_ =	shalt  }
0x6b: {  	_ =	shalt  }
0x6c: {  	_ =	shalt  }
0x6d: {  	_ =	shalt  }
0x6e: {  	_ =	shalt  }
0x6f: {  	_ =	shalt  }
0x70: {  	_ =	shalt  }
0x71: {  	_ =	shalt  }
0x72: {  	_ =	shalt  }
0x73: {  	_ =	shalt  }
0x74: {  	_ =	shalt  }
0x75: {  	_ =	shalt  }
0x76: {  	_ =	shalt  }
0x77: {  	_ =	shalt  }
0x78: {  	_ =	shalt  }
0x79: {  	_ =	shalt  }
0x7a: {  	_ =	shalt  }
0x7b: {  	_ =	shalt  }
0x7c: {  	_ =	shalt  }
0x7d: {  	_ =	shalt  }
0x7e: {  	_ =	shalt  }
0x7f: {  	_ =	shalt  }
0x80: {  	_ =	shalt  }
0x81: {  	_ =	shalt  }
0x82: {  	_ =	shalt  }
0x83: {  	_ =	shalt  }
0x84: {  	_ =	shalt  }
0x85: {  	_ =	shalt  }
0x86: {  	_ =	shalt  }
0x87: {  	_ =	shalt  }
.Lfunc_end0:
.L_simem_size_0:
called_computation_lowered:
.L_overlay_start_0:
0x88: {  	s2 =	sld [smem:$0x3FD9]  }
0x89: {  	s3 =	sld [smem:$0x3FFE];
	_ =	sdelay $0x1  }
0x8a: {  	s1 =	srdreg.scid  }
0x8b: {  	s0 =	sand.u32 $0x1, s1  }
0x8c: {  	s14 =	sshll.u32 s0, $0xA;
	s2 =	sadd.s32 s3, s2  }
0x8d: {  	s2 =	sadd.s32 s2, s14  }
0x8e: {  	[smem:$0x3FC3] =	sst s2  }
0x8f: {  	_ = 	snop  }
0x90: {  	s2 =	sld [smem:$0x3FD0];
	_ =	sdelay $0x2  }
0x91: {  	s15 =	simm.s32 $0xA;
	s4 =	simm.s32 $0x10  }
0x92: {  	[smem:s4], [sflag:s15] =	dma.local [hbm:s2], $0x1  }
0x93: {  	_ =	swait.eq [sflag:s15], $0x1  }
0x94: {  	[sflag:s15] =	ssyncset.done $0x0  }
0x95: {  	s16 =	sld [smem:$0x11];
	[sflag:s15] =	ssyncadd.s32 $0xFFFFFFFF  }
0x96: {  	s17 =	sld [smem:$0x12];
	(tm) =	ssettm $0x1  }
0x97: {  	s18 =	sld [smem:$0x3FFB];
	_ =	sdelay $0x3  }
0x98: {  	_ =	strace s18  }
0x99: {  	s4 =	sld [smem:$0x3FFC];
	_ =	sdelay $0x3  }
0x9a: {  	_ =	strace s4  }
0x9b: {  	s4 =	sld [smem:$0x3FFD];
	_ =	sdelay $0x3  }
0x9c: {  	_ =	strace s4  }
0x9d: {  	_ =	strace $0x8FFFFFFF  }
0x9e: {  	s19 =	sld [smem:$0x3FDB];
	_ =	sdelay $0x1  }
0x9f: {  	s5 =	simm.s32 $_scs_section_size  }
0xa0: {  	s6 =	simm.s32 $_size__tile_overlayer_lowered;
	s7 =	simm.s32 $_tile_overlayer_lowered  }
0xa1: {  	s22 =	simm.s32 $0x1BFF;
	s21 =	sshll.u32 s7, $0x1;
	s4 =	sadd.s32 s5, s19  }
0xa2: {  	s8 =	simm.s32 $0x0;
	s20 =	sshll.u32 s6, $0x1;
	s6 =	sadd.s32 s21, s4  }
0xa3: {  	[timem:s8], [sflag:s22] =	dma.local [hbm:s6], s20  }
0xa4: {  	_ =	swait.ge [sflag:s22], s20  }
0xa5: {  	s5 =	ssub.s32 $0x0, s20;
	[sflag:s22] =	ssyncset.done $0x0  }
0xa6: {  	[sflag:s22] =	ssyncadd.s32 s5;
	_ =	sdelay $0x1  }
0xa7: {  	s23 =	simm.s32 $0x1B8B  }
0xa8: {  	_ =	swait.ge [sflag:s23], $0x1  }
0xa9: {  	[sflag:s23] =	ssyncset.done $0x0  }
0xaa: {  	s25 =	simm.s32 $0x1B8E;
	s24 =	sld [smem:$0x3FFE];
	[sflag:s23] =	ssyncadd.s32 $0xFFFFFFFF  }
0xab: {  	s26 =	simm.s32 $execute0_lowered;
	[smem:$0x3FD2] =	sst s25  }
0xac: {  	s6 =	sshll.u32 s26, $0x1;
	_ =	strace $0x80000046;
	[dreg:$0x1] =	wrdreg $0xFFFFFFFF  }
0xad: {  	s28 =	simm.s32 $_size_execute0_lowered;
	s4 =	sadd.s32 s4, s6;
	[dreg:$0x0] =	wrdreg $0x0  }
0xae: {  	s6 =	sshll.u32 s28, $0x1;
	[dreg:$0x2] =	wrdreg s4  }
0xaf: {  	[dreg:$0x3] =	wrdreg s6  }
0xb0: {  	[dreg:$0x4] =	wrdreg $0xC0  }
0xb1: {  	_ =	task [dreg:s8], $0x5FFFF  }
0xb2: {  	[dreg:$0x1] =	wrdreg $0xFFFFFFFF  }
0xb3: {  	[dreg:$0x0] =	wrdreg $0x60  }
0xb4: {  	[dreg:$0x2] =	wrdreg s24  }
0xb5: {  	[dreg:$0x3] =	wrdreg s17  }
0xb6: {  	[dreg:$0x4] =	wrdreg s16  }
0xb7: {  	[dreg:$0x5] =	wrdreg $0x9  }
0xb8: {  	_ =	task.clear_ibuf [dreg:s8], $0x6FFFF;
	_ =	strace $0x90000046  }
0xb9: {  	s29 =	simm.s32 $0x9;
	_ =	strace $0x80000048  }
0xba: {  	_ =	swait.ge [sflag:s29], $0x1  }
0xbb: {  	[sflag:s29] =	ssyncadd.s32 $0xFFFFFFFF  }
0xbc: {  	_ =	strace $0x90000048  }
0xbd: {  	_ =	sfence  }
0xbe: {  	s30 =	sld [smem:$0x0];
	_ =	sdelay $0x2  }
0xbf: {  	s31 =	sshll.u32 s1, $0xD;
	s1 =	sshrl.u32 s1, $0x2  }
0xc0: {  	s3 =	sand.u32 $0x4000, s31;
	s1 =	sadd.s32 s1, s30  }
0xc1: {  	s0 =	sor.u32 s3, s0;
	s1 =	sshll.u32 s1, $0x11  }
0xc2: {  	s0 =	sor.u32 s1, s0  }
0xc3: {  	s0 =	sadd.s32 $0x8F2B, s0  }
0xc4: {  	[sflag:s0] =	ssyncadd.remote.s32 $0x1  }
0xc5: {  	_ =	sfence.sel $0xFFFF  }
0xc6: {  	[dreg:$0x0] =	wrdreg $0xFFFFFFFF;
	(pc) =	sbr.abs _section_cstart, $3  }
0xc7: {  	[dreg:$0x1] =	wrdreg $0xFFFFFFFF  }
0xc8: {  	_ =	task.clear_ibuf [dreg:s8], $0x2FFFF;
	_ =	strace $0x9FFFFFFF  }
0xc9: {  	(tm) =	ssettm $0x7FFFFFFF  }
tec
execute0_lowered:
.L_overlay_start_1:
0x0: {  	(tag) =	ssettag $0x1  }
0x1: {  	s3 =	rddreg [dreg:$0x0]  }
0x2: {  	s5 =	rddreg [dreg:$0x1]  }
0x3: {  	s0 =	srdreg.scid;
	s8 =	rddreg [dreg:$0x2];
	s2 =	simm.s32 $0x0  }
0x4: {  	s9 =	simm.s32 $0x1;
	s11 =	simm.s32 $0x2200;
	s12 =	simm.s32 $0x100  }
0x5: {  	s13 =	simm.s32 $0x4200;
	s14 =	simm.s32 $0x180;
	s4 =	sand.u32 $0x1, s0  }
0x6: {  	s15 =	simm.s32 $0x6200;
	s0 =	stileid.u32;
	s1 =	sshll.u32 s4, $0x4  }
0x7: {  	s16 =	simm.s32 $0x8200;
	s7 =	sand.u32 $0x3, s0;
	s6 =	sor.u32 s0, s1  }
0x8: {  	s17 =	simm.s32 $0x0;
	p0 =	sne.s32 s7, $0x0;
	p1 =	seq.s32 s6, $0x0  }
0x9: {  	[smem:$0x7FF] =	sst s2;
	s3 =	sadd.s32 $0xA00, s3;
	p0 =	por !p0, !p1  }
0xa: {  	s4 =	ssub.s32 $0x2, s4;
	s1 =	rddreg [dreg:$0x3];
	p0 =	por !p0, !p0  }
0xb: {  	_ =	strace $0x80000047;
	s10 =	sshrl.u32 s6, $0x2;
	s9 =	simm.s32 @!p0 $0x0  }
0xc: {  	s30 =	sshrl.u32 s4, $0x1;
	s6 =	sshll.u32 s6, $0x6;
	s9 =	ssub.s32 s10, s9  }
0xd: {  	s7 =	sshll.u32 s7, $0x9;
	s5 =	sadd.s32 s5, s6;
	s9 =	sshll.u32 s9, $0x6  }
0xe: {  	s10 =	ssub.s32 s4, s30;
	s4 =	simm.s32 $0x1;
	s7 =	sadd.s32 s7, s9  }
0xf: {  	s9 =	simm.s32 $0x80;
	s31 =	sshrl.u32 s7, $0x3;
	s7 =	smax.u32 s10, $0x1  }
0x10: {  	s10 =	simm.s32 $0x200;
	s6 =	sadd.s32 s8, s31;
	s8 =	simm.s32 $0x2  }
.LBB2_1:
0x11: {  	[tilespmem:s2], [sflag:$0x2] =	stream.linear.gather [hbm4b:s5+s2], $0x200, $0x38;
	[tilespmem:$0x8240] =	vst v63  }
0x12: {  	_ =	swait.ge [sflag:s8], $0x200  }
0x13: {  	[sflag:s8] =	ssyncset.done $0x0  }
0x14: {  	[sflag:s8] =	ssyncadd.s32 $0xFFFFFE00  }
0x15: {  	[tilespmem:s10], [sflag:$0x1] =	stream.indirect.gather [hbm4b:s3+s9], $0x40, s2, s9, $0xb8;
	[tilespmem:$0x8240] =	vst v63  }
0x16: {  	_ = 	snop  }
0x17: {  	[tilespmem:s11], [sflag:$0x1] =	stream.indirect.gather [hbm4b:s3+s9], $0x40, s9, s9, $0xb8;
	[tilespmem:$0x8240] =	vst v63  }
0x18: {  	_ = 	snop  }
0x19: {  	[tilespmem:s13], [sflag:$0x1] =	stream.indirect.gather [hbm4b:s3+s9], $0x40, s12, s9, $0xb8;
	[tilespmem:$0x8240] =	vst v63  }
0x1a: {  	_ = 	snop  }
0x1b: {  	[tilespmem:s15], [sflag:$0x1] =	stream.indirect.gather [hbm4b:s3+s9], $0x40, s14, s9, $0xb8;
	[tilespmem:$0x8240] =	vst v63  }
0x1c: {  	_ =	swait.ge [sflag:s4], $0x2000  }
0x1d: {  	[sflag:s4] =	ssyncset.done $0x0  }
0x1e: {  	[sflag:s4] =	ssyncadd.s32 $0xFFFFE000  }
0x1f: {  	_ =	swait.ge [sflag:s4], $0x2000  }
0x20: {  	[sflag:s4] =	ssyncset.done $0x0  }
0x21: {  	[sflag:s4] =	ssyncadd.s32 $0xFFFFE000  }
0x22: {  	_ =	swait.ge [sflag:s4], $0x2000  }
0x23: {  	[sflag:s4] =	ssyncset.done $0x0  }
0x24: {  	[sflag:s4] =	ssyncadd.s32 $0xFFFFE000  }
0x25: {  	_ =	swait.ge [sflag:s4], $0x2000  }
0x26: {  	[sflag:s4] =	ssyncset.done $0x0  }
0x27: {  	s19 =	simm.s32 $0x0;
	[sflag:s4] =	ssyncadd.s32 $0xFFFFE000  }
0x28: {  	v1 =	vld [tilespmem:s19+$0x230]  }
0x29: {  	v2 =	vld [tilespmem:s19+$0x200]  }
0x2a: {  	v0 =	vimm.f32 $0.0e+00;
	v3 =	vld [tilespmem:s19+$0x210]  }
0x2b: {  	s18 =	simm.s32 $0x100;
	v5 =	vimm.f32 $0.0e+00;
	v6 =	vimm.f32 $0.0e+00;
	v7 =	vimm.f32 $0.0e+00;
	v4 =	vld [tilespmem:s19+$0x220]  }
.LBB2_2:
0x2c: {  	p0 =	sne.s32 s18, $0x1FF00  }
.Ltmp0:
0x2d: {  	s19 =	sshra.s32 s18, $0x2;
	s18 =	sadd.s32 $0x100, s18;
	v0 =	vadd.f32 v1, v0;
	(pc) =	sbr.rel @p0 .LBB2_2-.Ltmp0, $4  }
0x2e: {  	v1 =	vld [tilespmem:s19+$0x230];
	v5 =	vadd.f32 v2, v5  }
0x2f: {  	v2 =	vld [tilespmem:s19+$0x200];
	v6 =	vadd.f32 v3, v6  }
0x30: {  	v3 =	vld [tilespmem:s19+$0x210];
	v7 =	vadd.f32 v4, v7  }
0x31: {  	v4 =	vld [tilespmem:s19+$0x220]  }
0x32: {  	_ = 	snop  }
0x33: {  	v0 =	vadd.f32 v1, v0  }
0x34: {  	v2 =	vadd.f32 v2, v5  }
0x35: {  	v3 =	vadd.f32 v3, v6;
	[tilespmem:$0x8230] =	vst v0  }
0x36: {  	s17 =	sadd.s32 $0x1, s17;
	v4 =	vadd.f32 v4, v7;
	[tilespmem:$0x8200] =	vst v2  }
0x37: {  	p0 =	sne.s32 s17, s7;
	[tilespmem:$0x8210] =	vst v3  }
.Ltmp1:
0x38: {  	[tilespmem:$0x8220] =	vst v4;
	(pc) =	sbr.rel @p0 .LBB2_1-.Ltmp1, $4  }
0x39: {  	[hbm4b:s6+s2] =	stream.linear.scatter [tilespmem:s16], [sflag:$0x2], $0x40, $0x38;
	[tilespmem:$0x8240] =	vst v63  }
0x3a: {  	_ =	swait.ge [sflag:s8], $0x40  }
0x3b: {  	[sflag:s8] =	ssyncset.done $0x0  }
0x3c: {  	[sflag:s8] =	ssyncadd.s32 $0xFFFFFFC0  }
0x3d: {  	_ =	sfence.sel $0x180000  }
0x3e: {  	[bflag:$0x0] =	sbarrier.arrive $0xFFFF  }
0x3f: {  	p0 =	sne.s32 s0, $0x0;
	_ =	strace $0x90000047  }
0x40: {  	s0 =	sadd.s32 @!p0 $0x100000, s1;
	[bflag:$0x2] =	sbarrier.arrive $0xFFFF  }
0x41: {  	[sflag:s0] =	ssyncadd.tile.s32 @!p0 $0x1;
	_ =	shalt  }
.Lfunc_end2:
_tile_overlayer_lowered:
.L_overlay_start_2:
0x42: {  	(tag) =	ssettag $0x2  }
0x43: {  	s0 =	rddreg [dreg:$0x0];
	s2 =	stileid.u32  }
0x44: {  	s1 =	rddreg [dreg:$0x1];
	p0 =	sne.s32 s2, $0x0  }
0x45: {  	s3 =	rddreg [dreg:$0x2];
	[bflag:$0x3] =	sbarrier.arrive $0xFFFF;
	s2 =	simm.s32 @!p0 $0x1C02  }
0x46: {  	[timem:s3], [sflag:s2] =	dma.local @!p0 [hbm:s0], s1  }
0x47: {  	s0 =	simm.s32 @!p0 $0x2  }
0x48: {  	_ =	swait.ge @!p0 [sflag:s0], s1  }
0x49: {  	s1 =	ssub.s32 @!p0 $0x0, s1;
	[sflag:s0] =	ssyncset.done @!p0 $0x0  }
0x4a: {  	[sflag:s0] =	ssyncadd.s32 @!p0 s1  }
0x4b: {  	[bflag:$0x3] =	sbarrier.arrive $0xFFFF  }
0x4c: {  	_ =	shalt  }

</sc_bundles>
